<compile_context>
chip_gen: v7x
topology: tpu7x:2x2x1
jax: 0.10.2.dev20260603
libtpu: 0.0.44.dev20260713+nightly
codegen_flags: <defaults>
</compile_context>

<pallas_src>
import jax
import jax.numpy as jnp
from jax import lax
from jax.experimental import pallas as pl
from jax.experimental.pallas import tpu as pltpu
from jax.experimental.pallas import tpu_sc as plsc

N_CLASSES = 1000
BS = 16384
NBINS = 1024
L = 16
NSUB = 16
NW = 32
HCHUNK = BS // NSUB
OCHUNK = BS // NW


def _body(loss_hbm, tb_hbm, ep_hbm, out_hbm,
          tb_v, hist, colblk, cnt64, cnt_v, tb_o, loss_v, out_v, ep_v,
          psum, pbuf, shared, counts_sh, parts_sh, sem1, sem2, sem3):
    s = lax.axis_index("s")
    c = lax.axis_index("c")
    wid = s * 2 + c

    ones = jnp.full((L,), 1.0, jnp.float32)
    zeros = jnp.zeros((L,), jnp.float32)

    ep_v[pl.ds(0, L)] = jnp.zeros((L,), jnp.int32)
    d_tb = pltpu.async_copy(tb_hbm.at[pl.ds(s * HCHUNK, HCHUNK)], tb_v, sem1)
    d_to = pltpu.async_copy(tb_hbm.at[pl.ds(wid * OCHUNK, OCHUNK)], tb_o, sem2)
    d_ls = pltpu.async_copy(loss_hbm.at[pl.ds(wid * OCHUNK, OCHUNK)], loss_v, sem2)
    d_ep = pltpu.async_copy(ep_hbm, ep_v.at[pl.ds(0, 1)], sem2)

    for k in range(NBINS // L):
        hist[pl.ds(k * L, L)] = zeros
    d_tb.wait()
    for k in range(HCHUNK // L):
        idx = tb_v[pl.ds(k * L, L)]
        plsc.addupdate_scatter(hist, [idx], ones)
    pltpu.sync_copy(hist, shared.at[pl.ds(s * NBINS, NBINS)])
    plsc.subcore_barrier()

    fan = [pltpu.async_copy(shared.at[pl.ds(r * NBINS + s * 64, 64)],
                            colblk.at[pl.ds(r * 64, 64)], sem3)
           for r in range(NSUB)]
    for d in fan:
        d.wait()
    acc = [jnp.zeros((L,), jnp.float32) for _ in range(4)]
    for r in range(NSUB):
        for v in range(4):
            acc[v] = acc[v] + colblk[pl.ds(r * 64 + v * L, L)]
    inv_total = jnp.float32(1.0 / BS)
    wpart = jnp.zeros((L,), jnp.float32)
    for v in range(4):
        cv = acc[v]
        pos = cv > 0.0
        prob = jnp.where(pos, cv * inv_total, ones)
        rv = jnp.where(pos, 1.0 / prob, zeros)
        cnt64[pl.ds(v * L, L)] = rv
        wpart = wpart + cv * rv
    psum[pl.ds(0, L)] = wpart
    pltpu.sync_copy(cnt64, counts_sh.at[pl.ds(s * 64, 64)])
    pltpu.sync_copy(psum, parts_sh.at[pl.ds(s * L, L)])
    plsc.subcore_barrier()

    d_rec = pltpu.async_copy(counts_sh, cnt_v, sem1)
    d_ps = pltpu.async_copy(parts_sh, pbuf, sem3)
    d_rec.wait()
    d_ps.wait()
    wsum = jnp.zeros((L,), jnp.float32)
    for r in range(NSUB):
        wsum = wsum + pbuf[pl.ds(r * L, L)]
    mean_v = jnp.full((L,), jnp.sum(wsum), jnp.float32) * inv_total
    inv_mean = ones / mean_v

    d_to.wait()
    d_ls.wait()
    d_ep.wait()
    ep_s = jnp.sum(ep_v[pl.ds(0, L)])
    epoch0 = jnp.full((L,), ep_s, jnp.int32) == 0
    alt = jnp.full((L,), 1.0 / N_CLASSES, jnp.float32)
    for k in range(OCHUNK // L):
        idx = tb_o[pl.ds(k * L, L)]
        rv = plsc.load_gather(cnt_v, [idx])
        scale = jnp.where(epoch0, rv * inv_mean, alt)
        out_v[pl.ds(k * L, L)] = loss_v[pl.ds(k * L, L)] * scale
    pltpu.sync_copy(out_v, out_hbm.at[pl.ds(wid * OCHUNK, OCHUNK)])


_sc_call = pl.kernel(
    _body,
    out_type=jax.ShapeDtypeStruct((BS,), jnp.float32),
    mesh=plsc.VectorSubcoreMesh(core_axis_name="c", subcore_axis_name="s"),
    compiler_params=pltpu.CompilerParams(needs_layout_passes=False),
    scratch_types=[
        pltpu.VMEM((HCHUNK,), jnp.int32),
        pltpu.VMEM((NBINS,), jnp.float32),
        pltpu.VMEM((NSUB * 64,), jnp.float32),
        pltpu.VMEM((64,), jnp.float32),
        pltpu.VMEM((NBINS,), jnp.float32),
        pltpu.VMEM((OCHUNK,), jnp.int32),
        pltpu.VMEM((OCHUNK,), jnp.float32),
        pltpu.VMEM((OCHUNK,), jnp.float32),
        pltpu.VMEM((L,), jnp.int32),
        pltpu.VMEM((L,), jnp.float32),
        pltpu.VMEM((NSUB * L,), jnp.float32),
        pltpu.VMEM_SHARED((NSUB * NBINS,), jnp.float32),
        pltpu.VMEM_SHARED((NBINS,), jnp.float32),
        pltpu.VMEM_SHARED((NSUB * L,), jnp.float32),
        pltpu.SemaphoreType.DMA,
        pltpu.SemaphoreType.DMA,
        pltpu.SemaphoreType.DMA,
    ],
)


def kernel(loss, Tb, i_current_epoch):
    ep = jnp.reshape(jnp.asarray(i_current_epoch, jnp.int32), (1,))
    return _sc_call(loss, Tb, ep)

# --- scband reference (transcript-rebuilt; emitter-appended) ---
"""Pipeline reference for scband-loss-balancer-60945585930794 (READ-ONLY COPY).

The authoritative reference and input builder live on the scoring server;
editing this copy changes nothing except your own understanding.
"""

import jax, jax.numpy as jnp
import numpy as np

N_CLASSES = 1000
BS = 16384

def setup_inputs(seed: int = 0) -> dict:
    key = jax.random.key(seed)
    k1, k2 = jax.random.split(key)
    loss = jax.random.uniform(k1, (BS,), dtype=jnp.float32)
    Tb = jax.random.randint(k2, (BS,), 0, N_CLASSES, dtype=jnp.int32)
    return {"loss": loss, "Tb": Tb, "i_current_epoch": 0}

def reference(loss, Tb, i_current_epoch):
    # Faithful translation of LossBalancer.__call__ with train=True.
    # Buffers cum_n_samp_per_cls start at zeros, so after the epoch-0 update
    # they equal the per-class histogram of Tb (onehot sum == bincount).
    counts = jnp.bincount(Tb, length=N_CLASSES)  # _update_sample_counter
    total = counts.sum()
    probs = counts.astype(loss.dtype) / total.astype(loss.dtype)
    safe = jnp.where(probs > 0, probs, jnp.ones_like(probs))
    recip = jnp.where(probs > 0, 1.0 / safe, jnp.zeros_like(probs))
    # the per-class loop `weights[Tb==i] += recip[i]` is a gather
    weights = jnp.take(recip, Tb)
    weights_norm_epoch0 = weights / weights.mean()
    weights_norm_other = jnp.ones((BS,), dtype=loss.dtype) / N_CLASSES
    weights_norm = jnp.where(i_current_epoch == 0, weights_norm_epoch0, weights_norm_other)
    return loss * weights_norm

if __name__ == "__main__":
    import jax
    _d = setup_inputs()
    print(jax.jit(kernel)(*tuple(_d.values())))

</pallas_src>

<mosaic_0001>
#map = affine_map<(d0, d1) -> (0)>
module attributes {stable_mosaic.version = 14 : i64} {
  func.func @_body(%arg0: i32, %arg1: i32, %arg2: memref<16384xf32, #tpu.memory_space<hbm>>, %arg3: memref<16384xi32, #tpu.memory_space<hbm>>, %arg4: memref<1xi32, #tpu.memory_space<hbm>>, %arg5: memref<16384xf32, #tpu.memory_space<hbm>>, %arg6: memref<1024xi32, #tpu.memory_space<vmem>>, %arg7: memref<1024xf32, #tpu.memory_space<vmem>>, %arg8: memref<1024xf32, #tpu.memory_space<vmem>>, %arg9: memref<64xf32, #tpu.memory_space<vmem>>, %arg10: memref<1024xf32, #tpu.memory_space<vmem>>, %arg11: memref<512xi32, #tpu.memory_space<vmem>>, %arg12: memref<512xf32, #tpu.memory_space<vmem>>, %arg13: memref<512xf32, #tpu.memory_space<vmem>>, %arg14: memref<16xi32, #tpu.memory_space<vmem>>, %arg15: memref<16xf32, #tpu.memory_space<vmem>>, %arg16: memref<256xf32, #tpu.memory_space<vmem>>, %arg17: memref<16384xf32, #tpu.memory_space<vmem_shared>>, %arg18: memref<1024xf32, #tpu.memory_space<vmem_shared>>, %arg19: memref<256xf32, #tpu.memory_space<vmem_shared>>, %arg20: memref<!tpu.dma_semaphore, #tpu.memory_space<semaphore_mem>>, %arg21: memref<!tpu.dma_semaphore, #tpu.memory_space<semaphore_mem>>, %arg22: memref<!tpu.dma_semaphore, #tpu.memory_space<semaphore_mem>>) attributes {dimension_semantics = [#tpu.dimension_semantics<core_parallel>, #tpu.dimension_semantics<subcore_parallel>], iteration_bounds = array<i64: 2, 16>, scalar_prefetch = 0 : i64, scratch_operands = 17 : i64, tpu.core_type = #tpu.core_type<sc_vector_subcore>, window_params = [{transform_indices = #map}, {transform_indices = #map}, {transform_indices = #map}, {transform_indices = #map}]} {
    %mul3A = arith.constant 2 : i32
    %mul3A_0 = arith.muli %arg1, %mul3A : i32
    %add3A = arith.addi %mul3A_0, %arg0 : i32
    %broadcast_in_dim3A = arith.constant 1.000000e+00 : f32
    %broadcast_in_dim3A_1 = vector.broadcast %broadcast_in_dim3A : f32 to vector<16xf32>
    %broadcast_in_dim3A_2 = arith.constant 0.000000e+00 : f32
    %broadcast_in_dim3A_3 = vector.broadcast %broadcast_in_dim3A_2 : f32 to vector<16xf32>
    %broadcast_in_dim3A_4 = arith.constant 0 : i32
    %broadcast_in_dim3A_5 = vector.broadcast %broadcast_in_dim3A_4 : i32 to vector<16xi32>
    %swap3A = arith.constant 0 : index
    %swap3A_6 = tpu.vector_load %arg14[%swap3A] {strides = array<i32>} : memref<16xi32, #tpu.memory_space<vmem>>, vector<16xi32>,
    tpu.vector_store %arg14[%swap3A], %broadcast_in_dim3A_5 {strides = array<i32>} : memref<16xi32, #tpu.memory_space<vmem>>, vector<16xi32>,
    %mul3A_7 = arith.constant 1024 : i32
    %mul3A_8 = arith.muli %arg1, %mul3A_7 : i32
    %dma_start3A = tpu.memref_slice %arg3[%mul3A_8] : memref<16384xi32, #tpu.memory_space<hbm>> -> memref<1024xi32, #tpu.memory_space<hbm>>
    %dma_start3A_9 = tpu.memref_slice %arg3[%mul3A_8] : memref<16384xi32, #tpu.memory_space<hbm>> -> memref<1024xi32, #tpu.memory_space<hbm>>
    tpu.enqueue_dma source(%dma_start3A_9 : memref<1024xi32, #tpu.memory_space<hbm>>) target(%arg6 : memref<1024xi32, #tpu.memory_space<vmem>>) target_semaphore(%arg20 : memref<!tpu.dma_semaphore, #tpu.memory_space<semaphore_mem>>)
    %mul3A_10 = arith.constant 512 : i32
    %mul3A_11 = arith.muli %add3A, %mul3A_10 : i32
    %dma_start3A_12 = tpu.memref_slice %arg3[%mul3A_11] : memref<16384xi32, #tpu.memory_space<hbm>> -> memref<512xi32, #tpu.memory_space<hbm>>
    %dma_start3A_13 = tpu.memref_slice %arg3[%mul3A_11] : memref<16384xi32, #tpu.memory_space<hbm>> -> memref<512xi32, #tpu.memory_space<hbm>>
    tpu.enqueue_dma source(%dma_start3A_13 : memref<512xi32, #tpu.memory_space<hbm>>) target(%arg11 : memref<512xi32, #tpu.memory_space<vmem>>) target_semaphore(%arg21 : memref<!tpu.dma_semaphore, #tpu.memory_space<semaphore_mem>>)
    %mul3A_14 = arith.constant 512 : i32
    %mul3A_15 = arith.muli %add3A, %mul3A_14 : i32
    %dma_start3A_16 = tpu.memref_slice %arg2[%mul3A_15] : memref<16384xf32, #tpu.memory_space<hbm>> -> memref<512xf32, #tpu.memory_space<hbm>>
    %dma_start3A_17 = tpu.memref_slice %arg2[%mul3A_15] : memref<16384xf32, #tpu.memory_space<hbm>> -> memref<512xf32, #tpu.memory_space<hbm>>
    tpu.enqueue_dma source(%dma_start3A_17 : memref<512xf32, #tpu.memory_space<hbm>>) target(%arg12 : memref<512xf32, #tpu.memory_space<vmem>>) target_semaphore(%arg21 : memref<!tpu.dma_semaphore, #tpu.memory_space<semaphore_mem>>)
    %dma_start3A_18 = arith.constant 0 : i32
    %dma_start3A_19 = tpu.memref_slice %arg14[%dma_start3A_18] : memref<16xi32, #tpu.memory_space<vmem>> -> memref<1xi32, #tpu.memory_space<vmem>>
    %dma_start3A_20 = arith.constant 0 : i32
    %dma_start3A_21 = tpu.memref_slice %arg14[%dma_start3A_20] : memref<16xi32, #tpu.memory_space<vmem>> -> memref<1xi32, #tpu.memory_space<vmem>>
    tpu.enqueue_dma source(%arg4 : memref<1xi32, #tpu.memory_space<hbm>>) target(%dma_start3A_21 : memref<1xi32, #tpu.memory_space<vmem>>) target_semaphore(%arg21 : memref<!tpu.dma_semaphore, #tpu.memory_space<semaphore_mem>>)
    %swap3A_22 = arith.constant 0 : index
    %swap3A_23 = tpu.vector_load %arg7[%swap3A_22] {strides = array<i32>} : memref<1024xf32, #tpu.memory_space<vmem>>, vector<16xf32>,
    tpu.vector_store %arg7[%swap3A_22], %broadcast_in_dim3A_3 {strides = array<i32>} : memref<1024xf32, #tpu.memory_space<vmem>>, vector<16xf32>,
    %swap3A_24 = arith.constant 16 : index
    %swap3A_25 = tpu.vector_load %arg7[%swap3A_24] {strides = array<i32>} : memref<1024xf32, #tpu.memory_space<vmem>>, vector<16xf32>,
    tpu.vector_store %arg7[%swap3A_24], %broadcast_in_dim3A_3 {strides = array<i32>} : memref<1024xf32, #tpu.memory_space<vmem>>, vector<16xf32>,
    %swap3A_26 = arith.constant 32 : index
    %swap3A_27 = tpu.vector_load %arg7[%swap3A_26] {strides = array<i32>} : memref<1024xf32, #tpu.memory_space<vmem>>, vector<16xf32>,
    tpu.vector_store %arg7[%swap3A_26], %broadcast_in_dim3A_3 {strides = array<i32>} : memref<1024xf32, #tpu.memory_space<vmem>>, vector<16xf32>,
    %swap3A_28 = arith.constant 48 : index
    %swap3A_29 = tpu.vector_load %arg7[%swap3A_28] {strides = array<i32>} : memref<1024xf32, #tpu.memory_space<vmem>>, vector<16xf32>,
    tpu.vector_store %arg7[%swap3A_28], %broadcast_in_dim3A_3 {strides = array<i32>} : memref<1024xf32, #tpu.memory_space<vmem>>, vector<16xf32>,
    %swap3A_30 = arith.constant 64 : index
    %swap3A_31 = tpu.vector_load %arg7[%swap3A_30] {strides = array<i32>} : memref<1024xf32, #tpu.memory_space<vmem>>, vector<16xf32>,
    tpu.vector_store %arg7[%swap3A_30], %broadcast_in_dim3A_3 {strides = array<i32>} : memref<1024xf32, #tpu.memory_space<vmem>>, vector<16xf32>,
    %swap3A_32 = arith.constant 80 : index
    %swap3A_33 = tpu.vector_load %arg7[%swap3A_32] {strides = array<i32>} : memref<1024xf32, #tpu.memory_space<vmem>>, vector<16xf32>,
    tpu.vector_store %arg7[%swap3A_32], %broadcast_in_dim3A_3 {strides = array<i32>} : memref<1024xf32, #tpu.memory_space<vmem>>, vector<16xf32>,
    %swap3A_34 = arith.constant 96 : index
    %swap3A_35 = tpu.vector_load %arg7[%swap3A_34] {strides = array<i32>} : memref<1024xf32, #tpu.memory_space<vmem>>, vector<16xf32>,
    tpu.vector_store %arg7[%swap3A_34], %broadcast_in_dim3A_3 {strides = array<i32>} : memref<1024xf32, #tpu.memory_space<vmem>>, vector<16xf32>,
    %swap3A_36 = arith.constant 112 : index
    %swap3A_37 = tpu.vector_load %arg7[%swap3A_36] {strides = array<i32>} : memref<1024xf32, #tpu.memory_space<vmem>>, vector<16xf32>,
    tpu.vector_store %arg7[%swap3A_36], %broadcast_in_dim3A_3 {strides = array<i32>} : memref<1024xf32, #tpu.memory_space<vmem>>, vector<16xf32>,
    %swap3A_38 = arith.constant 128 : index
    %swap3A_39 = tpu.vector_load %arg7[%swap3A_38] {strides = array<i32>} : memref<1024xf32, #tpu.memory_space<vmem>>, vector<16xf32>,
    tpu.vector_store %arg7[%swap3A_38], %broadcast_in_dim3A_3 {strides = array<i32>} : memref<1024xf32, #tpu.memory_space<vmem>>, vector<16xf32>,
    %swap3A_40 = arith.constant 144 : index
    %swap3A_41 = tpu.vector_load %arg7[%swap3A_40] {strides = array<i32>} : memref<1024xf32, #tpu.memory_space<vmem>>, vector<16xf32>,
    tpu.vector_store %arg7[%swap3A_40], %broadcast_in_dim3A_3 {strides = array<i32>} : memref<1024xf32, #tpu.memory_space<vmem>>, vector<16xf32>,
    %swap3A_42 = arith.constant 160 : index
    %swap3A_43 = tpu.vector_load %arg7[%swap3A_42] {strides = array<i32>} : memref<1024xf32, #tpu.memory_space<vmem>>, vector<16xf32>,
    tpu.vector_store %arg7[%swap3A_42], %broadcast_in_dim3A_3 {strides = array<i32>} : memref<1024xf32, #tpu.memory_space<vmem>>, vector<16xf32>,
    %swap3A_44 = arith.constant 176 : index
    %swap3A_45 = tpu.vector_load %arg7[%swap3A_44] {strides = array<i32>} : memref<1024xf32, #tpu.memory_space<vmem>>, vector<16xf32>,
    tpu.vector_store %arg7[%swap3A_44], %broadcast_in_dim3A_3 {strides = array<i32>} : memref<1024xf32, #tpu.memory_space<vmem>>, vector<16xf32>,
    %swap3A_46 = arith.constant 192 : index
    %swap3A_47 = tpu.vector_load %arg7[%swap3A_46] {strides = array<i32>} : memref<1024xf32, #tpu.memory_space<vmem>>, vector<16xf32>,
    tpu.vector_store %arg7[%swap3A_46], %broadcast_in_dim3A_3 {strides = array<i32>} : memref<1024xf32, #tpu.memory_space<vmem>>, vector<16xf32>,
    %swap3A_48 = arith.constant 208 : index
    %swap3A_49 = tpu.vector_load %arg7[%swap3A_48] {strides = array<i32>} : memref<1024xf32, #tpu.memory_space<vmem>>, vector<16xf32>,
    tpu.vector_store %arg7[%swap3A_48], %broadcast_in_dim3A_3 {strides = array<i32>} : memref<1024xf32, #tpu.memory_space<vmem>>, vector<16xf32>,
    %swap3A_50 = arith.constant 224 : index
    %swap3A_51 = tpu.vector_load %arg7[%swap3A_50] {strides = array<i32>} : memref<1024xf32, #tpu.memory_space<vmem>>, vector<16xf32>,
    tpu.vector_store %arg7[%swap3A_50], %broadcast_in_dim3A_3 {strides = array<i32>} : memref<1024xf32, #tpu.memory_space<vmem>>, vector<16xf32>,
    %swap3A_52 = arith.constant 240 : index
    %swap3A_53 = tpu.vector_load %arg7[%swap3A_52] {strides = array<i32>} : memref<1024xf32, #tpu.memory_space<vmem>>, vector<16xf32>,
    tpu.vector_store %arg7[%swap3A_52], %broadcast_in_dim3A_3 {strides = array<i32>} : memref<1024xf32, #tpu.memory_space<vmem>>, vector<16xf32>,
    %swap3A_54 = arith.constant 256 : index
    %swap3A_55 = tpu.vector_load %arg7[%swap3A_54] {strides = array<i32>} : memref<1024xf32, #tpu.memory_space<vmem>>, vector<16xf32>,
    tpu.vector_store %arg7[%swap3A_54], %broadcast_in_dim3A_3 {strides = array<i32>} : memref<1024xf32, #tpu.memory_space<vmem>>, vector<16xf32>,
    %swap3A_56 = arith.constant 272 : index
    %swap3A_57 = tpu.vector_load %arg7[%swap3A_56] {strides = array<i32>} : memref<1024xf32, #tpu.memory_space<vmem>>, vector<16xf32>,
    tpu.vector_store %arg7[%swap3A_56], %broadcast_in_dim3A_3 {strides = array<i32>} : memref<1024xf32, #tpu.memory_space<vmem>>, vector<16xf32>,
    %swap3A_58 = arith.constant 288 : index
    %swap3A_59 = tpu.vector_load %arg7[%swap3A_58] {strides = array<i32>} : memref<1024xf32, #tpu.memory_space<vmem>>, vector<16xf32>,
    tpu.vector_store %arg7[%swap3A_58], %broadcast_in_dim3A_3 {strides = array<i32>} : memref<1024xf32, #tpu.memory_space<vmem>>, vector<16xf32>,
    %swap3A_60 = arith.constant 304 : index
    %swap3A_61 = tpu.vector_load %arg7[%swap3A_60] {strides = array<i32>} : memref<1024xf32, #tpu.memory_space<vmem>>, vector<16xf32>,
    tpu.vector_store %arg7[%swap3A_60], %broadcast_in_dim3A_3 {strides = array<i32>} : memref<1024xf32, #tpu.memory_space<vmem>>, vector<16xf32>,
    %swap3A_62 = arith.constant 320 : index
    %swap3A_63 = tpu.vector_load %arg7[%swap3A_62] {strides = array<i32>} : memref<1024xf32, #tpu.memory_space<vmem>>, vector<16xf32>,
    tpu.vector_store %arg7[%swap3A_62], %broadcast_in_dim3A_3 {strides = array<i32>} : memref<1024xf32, #tpu.memory_space<vmem>>, vector<16xf32>,
    %swap3A_64 = arith.constant 336 : index
    %swap3A_65 = tpu.vector_load %arg7[%swap3A_64] {strides = array<i32>} : memref<1024xf32, #tpu.memory_space<vmem>>, vector<16xf32>,
    tpu.vector_store %arg7[%swap3A_64], %broadcast_in_dim3A_3 {strides = array<i32>} : memref<1024xf32, #tpu.memory_space<vmem>>, vector<16xf32>,
    %swap3A_66 = arith.constant 352 : index
    %swap3A_67 = tpu.vector_load %arg7[%swap3A_66] {strides = array<i32>} : memref<1024xf32, #tpu.memory_space<vmem>>, vector<16xf32>,
    tpu.vector_store %arg7[%swap3A_66], %broadcast_in_dim3A_3 {strides = array<i32>} : memref<1024xf32, #tpu.memory_space<vmem>>, vector<16xf32>,
    %swap3A_68 = arith.constant 368 : index
    %swap3A_69 = tpu.vector_load %arg7[%swap3A_68] {strides = array<i32>} : memref<1024xf32, #tpu.memory_space<vmem>>, vector<16xf32>,
    tpu.vector_store %arg7[%swap3A_68], %broadcast_in_dim3A_3 {strides = array<i32>} : memref<1024xf32, #tpu.memory_space<vmem>>, vector<16xf32>,
    %swap3A_70 = arith.constant 384 : index
    %swap3A_71 = tpu.vector_load %arg7[%swap3A_70] {strides = array<i32>} : memref<1024xf32, #tpu.memory_space<vmem>>, vector<16xf32>,
    tpu.vector_store %arg7[%swap3A_70], %broadcast_in_dim3A_3 {strides = array<i32>} : memref<1024xf32, #tpu.memory_space<vmem>>, vector<16xf32>,
    %swap3A_72 = arith.constant 400 : index
    %swap3A_73 = tpu.vector_load %arg7[%swap3A_72] {strides = array<i32>} : memref<1024xf32, #tpu.memory_space<vmem>>, vector<16xf32>,
    tpu.vector_store %arg7[%swap3A_72], %broadcast_in_dim3A_3 {strides = array<i32>} : memref<1024xf32, #tpu.memory_space<vmem>>, vector<16xf32>,
    %swap3A_74 = arith.constant 416 : index
    %swap3A_75 = tpu.vector_load %arg7[%swap3A_74] {strides = array<i32>} : memref<1024xf32, #tpu.memory_space<vmem>>, vector<16xf32>,
    tpu.vector_store %arg7[%swap3A_74], %broadcast_in_dim3A_3 {strides = array<i32>} : memref<1024xf32, #tpu.memory_space<vmem>>, vector<16xf32>,
    %swap3A_76 = arith.constant 432 : index
    %swap3A_77 = tpu.vector_load %arg7[%swap3A_76] {strides = array<i32>} : memref<1024xf32, #tpu.memory_space<vmem>>, vector<16xf32>,
    tpu.vector_store %arg7[%swap3A_76], %broadcast_in_dim3A_3 {strides = array<i32>} : memref<1024xf32, #tpu.memory_space<vmem>>, vector<16xf32>,
    %swap3A_78 = arith.constant 448 : index
    %swap3A_79 = tpu.vector_load %arg7[%swap3A_78] {strides = array<i32>} : memref<1024xf32, #tpu.memory_space<vmem>>, vector<16xf32>,
    tpu.vector_store %arg7[%swap3A_78], %broadcast_in_dim3A_3 {strides = array<i32>} : memref<1024xf32, #tpu.memory_space<vmem>>, vector<16xf32>,
    %swap3A_80 = arith.constant 464 : index
    %swap3A_81 = tpu.vector_load %arg7[%swap3A_80] {strides = array<i32>} : memref<1024xf32, #tpu.memory_space<vmem>>, vector<16xf32>,
    tpu.vector_store %arg7[%swap3A_80], %broadcast_in_dim3A_3 {strides = array<i32>} : memref<1024xf32, #tpu.memory_space<vmem>>, vector<16xf32>,
    %swap3A_82 = arith.constant 480 : index
    %swap3A_83 = tpu.vector_load %arg7[%swap3A_82] {strides = array<i32>} : memref<1024xf32, #tpu.memory_space<vmem>>, vector<16xf32>,
    tpu.vector_store %arg7[%swap3A_82], %broadcast_in_dim3A_3 {strides = array<i32>} : memref<1024xf32, #tpu.memory_space<vmem>>, vector<16xf32>,
    %swap3A_84 = arith.constant 496 : index
    %swap3A_85 = tpu.vector_load %arg7[%swap3A_84] {strides = array<i32>} : memref<1024xf32, #tpu.memory_space<vmem>>, vector<16xf32>,
    tpu.vector_store %arg7[%swap3A_84], %broadcast_in_dim3A_3 {strides = array<i32>} : memref<1024xf32, #tpu.memory_space<vmem>>, vector<16xf32>,
    %swap3A_86 = arith.constant 512 : index
    %swap3A_87 = tpu.vector_load %arg7[%swap3A_86] {strides = array<i32>} : memref<1024xf32, #tpu.memory_space<vmem>>, vector<16xf32>,
    tpu.vector_store %arg7[%swap3A_86], %broadcast_in_dim3A_3 {strides = array<i32>} : memref<1024xf32, #tpu.memory_space<vmem>>, vector<16xf32>,
    %swap3A_88 = arith.constant 528 : index
    %swap3A_89 = tpu.vector_load %arg7[%swap3A_88] {strides = array<i32>} : memref<1024xf32, #tpu.memory_space<vmem>>, vector<16xf32>,
    tpu.vector_store %arg7[%swap3A_88], %broadcast_in_dim3A_3 {strides = array<i32>} : memref<1024xf32, #tpu.memory_space<vmem>>, vector<16xf32>,
    %swap3A_90 = arith.constant 544 : index
    %swap3A_91 = tpu.vector_load %arg7[%swap3A_90] {strides = array<i32>} : memref<1024xf32, #tpu.memory_space<vmem>>, vector<16xf32>,
    tpu.vector_store %arg7[%swap3A_90], %broadcast_in_dim3A_3 {strides = array<i32>} : memref<1024xf32, #tpu.memory_space<vmem>>, vector<16xf32>,
    %swap3A_92 = arith.constant 560 : index
    %swap3A_93 = tpu.vector_load %arg7[%swap3A_92] {strides = array<i32>} : memref<1024xf32, #tpu.memory_space<vmem>>, vector<16xf32>,
    tpu.vector_store %arg7[%swap3A_92], %broadcast_in_dim3A_3 {strides = array<i32>} : memref<1024xf32, #tpu.memory_space<vmem>>, vector<16xf32>,
    %swap3A_94 = arith.constant 576 : index
    %swap3A_95 = tpu.vector_load %arg7[%swap3A_94] {strides = array<i32>} : memref<1024xf32, #tpu.memory_space<vmem>>, vector<16xf32>,
    tpu.vector_store %arg7[%swap3A_94], %broadcast_in_dim3A_3 {strides = array<i32>} : memref<1024xf32, #tpu.memory_space<vmem>>, vector<16xf32>,
    %swap3A_96 = arith.constant 592 : index
    %swap3A_97 = tpu.vector_load %arg7[%swap3A_96] {strides = array<i32>} : memref<1024xf32, #tpu.memory_space<vmem>>, vector<16xf32>,
    tpu.vector_store %arg7[%swap3A_96], %broadcast_in_dim3A_3 {strides = array<i32>} : memref<1024xf32, #tpu.memory_space<vmem>>, vector<16xf32>,
    %swap3A_98 = arith.constant 608 : index
    %swap3A_99 = tpu.vector_load %arg7[%swap3A_98] {strides = array<i32>} : memref<1024xf32, #tpu.memory_space<vmem>>, vector<16xf32>,
    tpu.vector_store %arg7[%swap3A_98], %broadcast_in_dim3A_3 {strides = array<i32>} : memref<1024xf32, #tpu.memory_space<vmem>>, vector<16xf32>,
    %swap3A_100 = arith.constant 624 : index
    %swap3A_101 = tpu.vector_load %arg7[%swap3A_100] {strides = array<i32>} : memref<1024xf32, #tpu.memory_space<vmem>>, vector<16xf32>,
    tpu.vector_store %arg7[%swap3A_100], %broadcast_in_dim3A_3 {strides = array<i32>} : memref<1024xf32, #tpu.memory_space<vmem>>, vector<16xf32>,
    %swap3A_102 = arith.constant 640 : index
    %swap3A_103 = tpu.vector_load %arg7[%swap3A_102] {strides = array<i32>} : memref<1024xf32, #tpu.memory_space<vmem>>, vector<16xf32>,
    tpu.vector_store %arg7[%swap3A_102], %broadcast_in_dim3A_3 {strides = array<i32>} : memref<1024xf32, #tpu.memory_space<vmem>>, vector<16xf32>,
    %swap3A_104 = arith.constant 656 : index
    %swap3A_105 = tpu.vector_load %arg7[%swap3A_104] {strides = array<i32>} : memref<1024xf32, #tpu.memory_space<vmem>>, vector<16xf32>,
    tpu.vector_store %arg7[%swap3A_104], %broadcast_in_dim3A_3 {strides = array<i32>} : memref<1024xf32, #tpu.memory_space<vmem>>, vector<16xf32>,
    %swap3A_106 = arith.constant 672 : index
    %swap3A_107 = tpu.vector_load %arg7[%swap3A_106] {strides = array<i32>} : memref<1024xf32, #tpu.memory_space<vmem>>, vector<16xf32>,
    tpu.vector_store %arg7[%swap3A_106], %broadcast_in_dim3A_3 {strides = array<i32>} : memref<1024xf32, #tpu.memory_space<vmem>>, vector<16xf32>,
    %swap3A_108 = arith.constant 688 : index
    %swap3A_109 = tpu.vector_load %arg7[%swap3A_108] {strides = array<i32>} : memref<1024xf32, #tpu.memory_space<vmem>>, vector<16xf32>,
    tpu.vector_store %arg7[%swap3A_108], %broadcast_in_dim3A_3 {strides = array<i32>} : memref<1024xf32, #tpu.memory_space<vmem>>, vector<16xf32>,
    %swap3A_110 = arith.constant 704 : index
    %swap3A_111 = tpu.vector_load %arg7[%swap3A_110] {strides = array<i32>} : memref<1024xf32, #tpu.memory_space<vmem>>, vector<16xf32>,
    tpu.vector_store %arg7[%swap3A_110], %broadcast_in_dim3A_3 {strides = array<i32>} : memref<1024xf32, #tpu.memory_space<vmem>>, vector<16xf32>,
    %swap3A_112 = arith.constant 720 : index
    %swap3A_113 = tpu.vector_load %arg7[%swap3A_112] {strides = array<i32>} : memref<1024xf32, #tpu.memory_space<vmem>>, vector<16xf32>,
    tpu.vector_store %arg7[%swap3A_112], %broadcast_in_dim3A_3 {strides = array<i32>} : memref<1024xf32, #tpu.memory_space<vmem>>, vector<16xf32>,
    %swap3A_114 = arith.constant 736 : index
    %swap3A_115 = tpu.vector_load %arg7[%swap3A_114] {strides = array<i32>} : memref<1024xf32, #tpu.memory_space<vmem>>, vector<16xf32>,
    tpu.vector_store %arg7[%swap3A_114], %broadcast_in_dim3A_3 {strides = array<i32>} : memref<1024xf32, #tpu.memory_space<vmem>>, vector<16xf32>,
    %swap3A_116 = arith.constant 752 : index
    %swap3A_117 = tpu.vector_load %arg7[%swap3A_116] {strides = array<i32>} : memref<1024xf32, #tpu.memory_space<vmem>>, vector<16xf32>,
    tpu.vector_store %arg7[%swap3A_116], %broadcast_in_dim3A_3 {strides = array<i32>} : memref<1024xf32, #tpu.memory_space<vmem>>, vector<16xf32>,
    %swap3A_118 = arith.constant 768 : index
    %swap3A_119 = tpu.vector_load %arg7[%swap3A_118] {strides = array<i32>} : memref<1024xf32, #tpu.memory_space<vmem>>, vector<16xf32>,
    tpu.vector_store %arg7[%swap3A_118], %broadcast_in_dim3A_3 {strides = array<i32>} : memref<1024xf32, #tpu.memory_space<vmem>>, vector<16xf32>,
    %swap3A_120 = arith.constant 784 : index
    %swap3A_121 = tpu.vector_load %arg7[%swap3A_120] {strides = array<i32>} : memref<1024xf32, #tpu.memory_space<vmem>>, vector<16xf32>,
    tpu.vector_store %arg7[%swap3A_120], %broadcast_in_dim3A_3 {strides = array<i32>} : memref<1024xf32, #tpu.memory_space<vmem>>, vector<16xf32>,
    %swap3A_122 = arith.constant 800 : index
    %swap3A_123 = tpu.vector_load %arg7[%swap3A_122] {strides = array<i32>} : memref<1024xf32, #tpu.memory_space<vmem>>, vector<16xf32>,
    tpu.vector_store %arg7[%swap3A_122], %broadcast_in_dim3A_3 {strides = array<i32>} : memref<1024xf32, #tpu.memory_space<vmem>>, vector<16xf32>,
    %swap3A_124 = arith.constant 816 : index
    %swap3A_125 = tpu.vector_load %arg7[%swap3A_124] {strides = array<i32>} : memref<1024xf32, #tpu.memory_space<vmem>>, vector<16xf32>,
    tpu.vector_store %arg7[%swap3A_124], %broadcast_in_dim3A_3 {strides = array<i32>} : memref<1024xf32, #tpu.memory_space<vmem>>, vector<16xf32>,
    %swap3A_126 = arith.constant 832 : index
    %swap3A_127 = tpu.vector_load %arg7[%swap3A_126] {strides = array<i32>} : memref<1024xf32, #tpu.memory_space<vmem>>, vector<16xf32>,
    tpu.vector_store %arg7[%swap3A_126], %broadcast_in_dim3A_3 {strides = array<i32>} : memref<1024xf32, #tpu.memory_space<vmem>>, vector<16xf32>,
    %swap3A_128 = arith.constant 848 : index
    %swap3A_129 = tpu.vector_load %arg7[%swap3A_128] {strides = array<i32>} : memref<1024xf32, #tpu.memory_space<vmem>>, vector<16xf32>,
    tpu.vector_store %arg7[%swap3A_128], %broadcast_in_dim3A_3 {strides = array<i32>} : memref<1024xf32, #tpu.memory_space<vmem>>, vector<16xf32>,
    %swap3A_130 = arith.constant 864 : index
    %swap3A_131 = tpu.vector_load %arg7[%swap3A_130] {strides = array<i32>} : memref<1024xf32, #tpu.memory_space<vmem>>, vector<16xf32>,
    tpu.vector_store %arg7[%swap3A_130], %broadcast_in_dim3A_3 {strides = array<i32>} : memref<1024xf32, #tpu.memory_space<vmem>>, vector<16xf32>,
    %swap3A_132 = arith.constant 880 : index
    %swap3A_133 = tpu.vector_load %arg7[%swap3A_132] {strides = array<i32>} : memref<1024xf32, #tpu.memory_space<vmem>>, vector<16xf32>,
    tpu.vector_store %arg7[%swap3A_132], %broadcast_in_dim3A_3 {strides = array<i32>} : memref<1024xf32, #tpu.memory_space<vmem>>, vector<16xf32>,
    %swap3A_134 = arith.constant 896 : index
    %swap3A_135 = tpu.vector_load %arg7[%swap3A_134] {strides = array<i32>} : memref<1024xf32, #tpu.memory_space<vmem>>, vector<16xf32>,
    tpu.vector_store %arg7[%swap3A_134], %broadcast_in_dim3A_3 {strides = array<i32>} : memref<1024xf32, #tpu.memory_space<vmem>>, vector<16xf32>,
    %swap3A_136 = arith.constant 912 : index
    %swap3A_137 = tpu.vector_load %arg7[%swap3A_136] {strides = array<i32>} : memref<1024xf32, #tpu.memory_space<vmem>>, vector<16xf32>,
    tpu.vector_store %arg7[%swap3A_136], %broadcast_in_dim3A_3 {strides = array<i32>} : memref<1024xf32, #tpu.memory_space<vmem>>, vector<16xf32>,
    %swap3A_138 = arith.constant 928 : index
    %swap3A_139 = tpu.vector_load %arg7[%swap3A_138] {strides = array<i32>} : memref<1024xf32, #tpu.memory_space<vmem>>, vector<16xf32>,
    tpu.vector_store %arg7[%swap3A_138], %broadcast_in_dim3A_3 {strides = array<i32>} : memref<1024xf32, #tpu.memory_space<vmem>>, vector<16xf32>,
    %swap3A_140 = arith.constant 944 : index
    %swap3A_141 = tpu.vector_load %arg7[%swap3A_140] {strides = array<i32>} : memref<1024xf32, #tpu.memory_space<vmem>>, vector<16xf32>,
    tpu.vector_store %arg7[%swap3A_140], %broadcast_in_dim3A_3 {strides = array<i32>} : memref<1024xf32, #tpu.memory_space<vmem>>, vector<16xf32>,
    %swap3A_142 = arith.constant 960 : index
    %swap3A_143 = tpu.vector_load %arg7[%swap3A_142] {strides = array<i32>} : memref<1024xf32, #tpu.memory_space<vmem>>, vector<16xf32>,
    tpu.vector_store %arg7[%swap3A_142], %broadcast_in_dim3A_3 {strides = array<i32>} : memref<1024xf32, #tpu.memory_space<vmem>>, vector<16xf32>,
    %swap3A_144 = arith.constant 976 : index
    %swap3A_145 = tpu.vector_load %arg7[%swap3A_144] {strides = array<i32>} : memref<1024xf32, #tpu.memory_space<vmem>>, vector<16xf32>,
    tpu.vector_store %arg7[%swap3A_144], %broadcast_in_dim3A_3 {strides = array<i32>} : memref<1024xf32, #tpu.memory_space<vmem>>, vector<16xf32>,
    %swap3A_146 = arith.constant 992 : index
    %swap3A_147 = tpu.vector_load %arg7[%swap3A_146] {strides = array<i32>} : memref<1024xf32, #tpu.memory_space<vmem>>, vector<16xf32>,
    tpu.vector_store %arg7[%swap3A_146], %broadcast_in_dim3A_3 {strides = array<i32>} : memref<1024xf32, #tpu.memory_space<vmem>>, vector<16xf32>,
    %swap3A_148 = arith.constant 1008 : index
    %swap3A_149 = tpu.vector_load %arg7[%swap3A_148] {strides = array<i32>} : memref<1024xf32, #tpu.memory_space<vmem>>, vector<16xf32>,
    tpu.vector_store %arg7[%swap3A_148], %broadcast_in_dim3A_3 {strides = array<i32>} : memref<1024xf32, #tpu.memory_space<vmem>>, vector<16xf32>,
    %dma_wait3A = tpu.memref_slice %arg3[%mul3A_8] : memref<16384xi32, #tpu.memory_space<hbm>> -> memref<1024xi32, #tpu.memory_space<hbm>>
    %dma_wait3A_150 = tpu.memref_slice %arg3[%mul3A_8] : memref<16384xi32, #tpu.memory_space<hbm>> -> memref<1024xi32, #tpu.memory_space<hbm>>
    tpu.wait_dma2 semaphore(%arg20 : memref<!tpu.dma_semaphore, #tpu.memory_space<semaphore_mem>>) src(%dma_wait3A_150 : memref<1024xi32, #tpu.memory_space<hbm>>) dst(%arg6 : memref<1024xi32, #tpu.memory_space<vmem>>)
    %get3A = arith.constant 0 : index
    %get3A_151 = tpu.vector_load %arg6[%get3A] {strides = array<i32>} : memref<1024xi32, #tpu.memory_space<vmem>>, vector<16xi32>,
    tpu.vector_store_idx %arg7[%get3A_151], %broadcast_in_dim3A_1 {add = true} : memref<1024xf32, #tpu.memory_space<vmem>>[vector<16xi32>], vector<16xf32>,
    %get3A_152 = arith.constant 16 : index
    %get3A_153 = tpu.vector_load %arg6[%get3A_152] {strides = array<i32>} : memref<1024xi32, #tpu.memory_space<vmem>>, vector<16xi32>,
    tpu.vector_store_idx %arg7[%get3A_153], %broadcast_in_dim3A_1 {add = true} : memref<1024xf32, #tpu.memory_space<vmem>>[vector<16xi32>], vector<16xf32>,
    %get3A_154 = arith.constant 32 : index
    %get3A_155 = tpu.vector_load %arg6[%get3A_154] {strides = array<i32>} : memref<1024xi32, #tpu.memory_space<vmem>>, vector<16xi32>,
    tpu.vector_store_idx %arg7[%get3A_155], %broadcast_in_dim3A_1 {add = true} : memref<1024xf32, #tpu.memory_space<vmem>>[vector<16xi32>], vector<16xf32>,
    %get3A_156 = arith.constant 48 : index
    %get3A_157 = tpu.vector_load %arg6[%get3A_156] {strides = array<i32>} : memref<1024xi32, #tpu.memory_space<vmem>>, vector<16xi32>,
    tpu.vector_store_idx %arg7[%get3A_157], %broadcast_in_dim3A_1 {add = true} : memref<1024xf32, #tpu.memory_space<vmem>>[vector<16xi32>], vector<16xf32>,
    %get3A_158 = arith.constant 64 : index
    %get3A_159 = tpu.vector_load %arg6[%get3A_158] {strides = array<i32>} : memref<1024xi32, #tpu.memory_space<vmem>>, vector<16xi32>,
    tpu.vector_store_idx %arg7[%get3A_159], %broadcast_in_dim3A_1 {add = true} : memref<1024xf32, #tpu.memory_space<vmem>>[vector<16xi32>], vector<16xf32>,
    %get3A_160 = arith.constant 80 : index
    %get3A_161 = tpu.vector_load %arg6[%get3A_160] {strides = array<i32>} : memref<1024xi32, #tpu.memory_space<vmem>>, vector<16xi32>,
    tpu.vector_store_idx %arg7[%get3A_161], %broadcast_in_dim3A_1 {add = true} : memref<1024xf32, #tpu.memory_space<vmem>>[vector<16xi32>], vector<16xf32>,
    %get3A_162 = arith.constant 96 : index
    %get3A_163 = tpu.vector_load %arg6[%get3A_162] {strides = array<i32>} : memref<1024xi32, #tpu.memory_space<vmem>>, vector<16xi32>,
    tpu.vector_store_idx %arg7[%get3A_163], %broadcast_in_dim3A_1 {add = true} : memref<1024xf32, #tpu.memory_space<vmem>>[vector<16xi32>], vector<16xf32>,
    %get3A_164 = arith.constant 112 : index
    %get3A_165 = tpu.vector_load %arg6[%get3A_164] {strides = array<i32>} : memref<1024xi32, #tpu.memory_space<vmem>>, vector<16xi32>,
    tpu.vector_store_idx %arg7[%get3A_165], %broadcast_in_dim3A_1 {add = true} : memref<1024xf32, #tpu.memory_space<vmem>>[vector<16xi32>], vector<16xf32>,
    %get3A_166 = arith.constant 128 : index
    %get3A_167 = tpu.vector_load %arg6[%get3A_166] {strides = array<i32>} : memref<1024xi32, #tpu.memory_space<vmem>>, vector<16xi32>,
    tpu.vector_store_idx %arg7[%get3A_167], %broadcast_in_dim3A_1 {add = true} : memref<1024xf32, #tpu.memory_space<vmem>>[vector<16xi32>], vector<16xf32>,
    %get3A_168 = arith.constant 144 : index
    %get3A_169 = tpu.vector_load %arg6[%get3A_168] {strides = array<i32>} : memref<1024xi32, #tpu.memory_space<vmem>>, vector<16xi32>,
    tpu.vector_store_idx %arg7[%get3A_169], %broadcast_in_dim3A_1 {add = true} : memref<1024xf32, #tpu.memory_space<vmem>>[vector<16xi32>], vector<16xf32>,
    %get3A_170 = arith.constant 160 : index
    %get3A_171 = tpu.vector_load %arg6[%get3A_170] {strides = array<i32>} : memref<1024xi32, #tpu.memory_space<vmem>>, vector<16xi32>,
    tpu.vector_store_idx %arg7[%get3A_171], %broadcast_in_dim3A_1 {add = true} : memref<1024xf32, #tpu.memory_space<vmem>>[vector<16xi32>], vector<16xf32>,
    %get3A_172 = arith.constant 176 : index
    %get3A_173 = tpu.vector_load %arg6[%get3A_172] {strides = array<i32>} : memref<1024xi32, #tpu.memory_space<vmem>>, vector<16xi32>,
    tpu.vector_store_idx %arg7[%get3A_173], %broadcast_in_dim3A_1 {add = true} : memref<1024xf32, #tpu.memory_space<vmem>>[vector<16xi32>], vector<16xf32>,
    %get3A_174 = arith.constant 192 : index
    %get3A_175 = tpu.vector_load %arg6[%get3A_174] {strides = array<i32>} : memref<1024xi32, #tpu.memory_space<vmem>>, vector<16xi32>,
    tpu.vector_store_idx %arg7[%get3A_175], %broadcast_in_dim3A_1 {add = true} : memref<1024xf32, #tpu.memory_space<vmem>>[vector<16xi32>], vector<16xf32>,
    %get3A_176 = arith.constant 208 : index
    %get3A_177 = tpu.vector_load %arg6[%get3A_176] {strides = array<i32>} : memref<1024xi32, #tpu.memory_space<vmem>>, vector<16xi32>,
    tpu.vector_store_idx %arg7[%get3A_177], %broadcast_in_dim3A_1 {add = true} : memref<1024xf32, #tpu.memory_space<vmem>>[vector<16xi32>], vector<16xf32>,
    %get3A_178 = arith.constant 224 : index
    %get3A_179 = tpu.vector_load %arg6[%get3A_178] {strides = array<i32>} : memref<1024xi32, #tpu.memory_space<vmem>>, vector<16xi32>,
    tpu.vector_store_idx %arg7[%get3A_179], %broadcast_in_dim3A_1 {add = true} : memref<1024xf32, #tpu.memory_space<vmem>>[vector<16xi32>], vector<16xf32>,
    %get3A_180 = arith.constant 240 : index
    %get3A_181 = tpu.vector_load %arg6[%get3A_180] {strides = array<i32>} : memref<1024xi32, #tpu.memory_space<vmem>>, vector<16xi32>,
    tpu.vector_store_idx %arg7[%get3A_181], %broadcast_in_dim3A_1 {add = true} : memref<1024xf32, #tpu.memory_space<vmem>>[vector<16xi32>], vector<16xf32>,
    %get3A_182 = arith.constant 256 : index
    %get3A_183 = tpu.vector_load %arg6[%get3A_182] {strides = array<i32>} : memref<1024xi32, #tpu.memory_space<vmem>>, vector<16xi32>,
    tpu.vector_store_idx %arg7[%get3A_183], %broadcast_in_dim3A_1 {add = true} : memref<1024xf32, #tpu.memory_space<vmem>>[vector<16xi32>], vector<16xf32>,
    %get3A_184 = arith.constant 272 : index
    %get3A_185 = tpu.vector_load %arg6[%get3A_184] {strides = array<i32>} : memref<1024xi32, #tpu.memory_space<vmem>>, vector<16xi32>,
    tpu.vector_store_idx %arg7[%get3A_185], %broadcast_in_dim3A_1 {add = true} : memref<1024xf32, #tpu.memory_space<vmem>>[vector<16xi32>], vector<16xf32>,
    %get3A_186 = arith.constant 288 : index
    %get3A_187 = tpu.vector_load %arg6[%get3A_186] {strides = array<i32>} : memref<1024xi32, #tpu.memory_space<vmem>>, vector<16xi32>,
    tpu.vector_store_idx %arg7[%get3A_187], %broadcast_in_dim3A_1 {add = true} : memref<1024xf32, #tpu.memory_space<vmem>>[vector<16xi32>], vector<16xf32>,
    %get3A_188 = arith.constant 304 : index
    %get3A_189 = tpu.vector_load %arg6[%get3A_188] {strides = array<i32>} : memref<1024xi32, #tpu.memory_space<vmem>>, vector<16xi32>,
    tpu.vector_store_idx %arg7[%get3A_189], %broadcast_in_dim3A_1 {add = true} : memref<1024xf32, #tpu.memory_space<vmem>>[vector<16xi32>], vector<16xf32>,
    %get3A_190 = arith.constant 320 : index
    %get3A_191 = tpu.vector_load %arg6[%get3A_190] {strides = array<i32>} : memref<1024xi32, #tpu.memory_space<vmem>>, vector<16xi32>,
    tpu.vector_store_idx %arg7[%get3A_191], %broadcast_in_dim3A_1 {add = true} : memref<1024xf32, #tpu.memory_space<vmem>>[vector<16xi32>], vector<16xf32>,
    %get3A_192 = arith.constant 336 : index
    %get3A_193 = tpu.vector_load %arg6[%get3A_192] {strides = array<i32>} : memref<1024xi32, #tpu.memory_space<vmem>>, vector<16xi32>,
    tpu.vector_store_idx %arg7[%get3A_193], %broadcast_in_dim3A_1 {add = true} : memref<1024xf32, #tpu.memory_space<vmem>>[vector<16xi32>], vector<16xf32>,
    %get3A_194 = arith.constant 352 : index
    %get3A_195 = tpu.vector_load %arg6[%get3A_194] {strides = array<i32>} : memref<1024xi32, #tpu.memory_space<vmem>>, vector<16xi32>,
    tpu.vector_store_idx %arg7[%get3A_195], %broadcast_in_dim3A_1 {add = true} : memref<1024xf32, #tpu.memory_space<vmem>>[vector<16xi32>], vector<16xf32>,
    %get3A_196 = arith.constant 368 : index
    %get3A_197 = tpu.vector_load %arg6[%get3A_196] {strides = array<i32>} : memref<1024xi32, #tpu.memory_space<vmem>>, vector<16xi32>,
    tpu.vector_store_idx %arg7[%get3A_197], %broadcast_in_dim3A_1 {add = true} : memref<1024xf32, #tpu.memory_space<vmem>>[vector<16xi32>], vector<16xf32>,
    %get3A_198 = arith.constant 384 : index
    %get3A_199 = tpu.vector_load %arg6[%get3A_198] {strides = array<i32>} : memref<1024xi32, #tpu.memory_space<vmem>>, vector<16xi32>,
    tpu.vector_store_idx %arg7[%get3A_199], %broadcast_in_dim3A_1 {add = true} : memref<1024xf32, #tpu.memory_space<vmem>>[vector<16xi32>], vector<16xf32>,
    %get3A_200 = arith.constant 400 : index
    %get3A_201 = tpu.vector_load %arg6[%get3A_200] {strides = array<i32>} : memref<1024xi32, #tpu.memory_space<vmem>>, vector<16xi32>,
    tpu.vector_store_idx %arg7[%get3A_201], %broadcast_in_dim3A_1 {add = true} : memref<1024xf32, #tpu.memory_space<vmem>>[vector<16xi32>], vector<16xf32>,
    %get3A_202 = arith.constant 416 : index
    %get3A_203 = tpu.vector_load %arg6[%get3A_202] {strides = array<i32>} : memref<1024xi32, #tpu.memory_space<vmem>>, vector<16xi32>,
    tpu.vector_store_idx %arg7[%get3A_203], %broadcast_in_dim3A_1 {add = true} : memref<1024xf32, #tpu.memory_space<vmem>>[vector<16xi32>], vector<16xf32>,
    %get3A_204 = arith.constant 432 : index
    %get3A_205 = tpu.vector_load %arg6[%get3A_204] {strides = array<i32>} : memref<1024xi32, #tpu.memory_space<vmem>>, vector<16xi32>,
    tpu.vector_store_idx %arg7[%get3A_205], %broadcast_in_dim3A_1 {add = true} : memref<1024xf32, #tpu.memory_space<vmem>>[vector<16xi32>], vector<16xf32>,
    %get3A_206 = arith.constant 448 : index
    %get3A_207 = tpu.vector_load %arg6[%get3A_206] {strides = array<i32>} : memref<1024xi32, #tpu.memory_space<vmem>>, vector<16xi32>,
    tpu.vector_store_idx %arg7[%get3A_207], %broadcast_in_dim3A_1 {add = true} : memref<1024xf32, #tpu.memory_space<vmem>>[vector<16xi32>], vector<16xf32>,
    %get3A_208 = arith.constant 464 : index
    %get3A_209 = tpu.vector_load %arg6[%get3A_208] {strides = array<i32>} : memref<1024xi32, #tpu.memory_space<vmem>>, vector<16xi32>,
    tpu.vector_store_idx %arg7[%get3A_209], %broadcast_in_dim3A_1 {add = true} : memref<1024xf32, #tpu.memory_space<vmem>>[vector<16xi32>], vector<16xf32>,
    %get3A_210 = arith.constant 480 : index
    %get3A_211 = tpu.vector_load %arg6[%get3A_210] {strides = array<i32>} : memref<1024xi32, #tpu.memory_space<vmem>>, vector<16xi32>,
    tpu.vector_store_idx %arg7[%get3A_211], %broadcast_in_dim3A_1 {add = true} : memref<1024xf32, #tpu.memory_space<vmem>>[vector<16xi32>], vector<16xf32>,
    %get3A_212 = arith.constant 496 : index
    %get3A_213 = tpu.vector_load %arg6[%get3A_212] {strides = array<i32>} : memref<1024xi32, #tpu.memory_space<vmem>>, vector<16xi32>,
    tpu.vector_store_idx %arg7[%get3A_213], %broadcast_in_dim3A_1 {add = true} : memref<1024xf32, #tpu.memory_space<vmem>>[vector<16xi32>], vector<16xf32>,
    %get3A_214 = arith.constant 512 : index
    %get3A_215 = tpu.vector_load %arg6[%get3A_214] {strides = array<i32>} : memref<1024xi32, #tpu.memory_space<vmem>>, vector<16xi32>,
    tpu.vector_store_idx %arg7[%get3A_215], %broadcast_in_dim3A_1 {add = true} : memref<1024xf32, #tpu.memory_space<vmem>>[vector<16xi32>], vector<16xf32>,
    %get3A_216 = arith.constant 528 : index
    %get3A_217 = tpu.vector_load %arg6[%get3A_216] {strides = array<i32>} : memref<1024xi32, #tpu.memory_space<vmem>>, vector<16xi32>,
    tpu.vector_store_idx %arg7[%get3A_217], %broadcast_in_dim3A_1 {add = true} : memref<1024xf32, #tpu.memory_space<vmem>>[vector<16xi32>], vector<16xf32>,
    %get3A_218 = arith.constant 544 : index
    %get3A_219 = tpu.vector_load %arg6[%get3A_218] {strides = array<i32>} : memref<1024xi32, #tpu.memory_space<vmem>>, vector<16xi32>,
    tpu.vector_store_idx %arg7[%get3A_219], %broadcast_in_dim3A_1 {add = true} : memref<1024xf32, #tpu.memory_space<vmem>>[vector<16xi32>], vector<16xf32>,
    %get3A_220 = arith.constant 560 : index
    %get3A_221 = tpu.vector_load %arg6[%get3A_220] {strides = array<i32>} : memref<1024xi32, #tpu.memory_space<vmem>>, vector<16xi32>,
    tpu.vector_store_idx %arg7[%get3A_221], %broadcast_in_dim3A_1 {add = true} : memref<1024xf32, #tpu.memory_space<vmem>>[vector<16xi32>], vector<16xf32>,
    %get3A_222 = arith.constant 576 : index
    %get3A_223 = tpu.vector_load %arg6[%get3A_222] {strides = array<i32>} : memref<1024xi32, #tpu.memory_space<vmem>>, vector<16xi32>,
    tpu.vector_store_idx %arg7[%get3A_223], %broadcast_in_dim3A_1 {add = true} : memref<1024xf32, #tpu.memory_space<vmem>>[vector<16xi32>], vector<16xf32>,
    %get3A_224 = arith.constant 592 : index
    %get3A_225 = tpu.vector_load %arg6[%get3A_224] {strides = array<i32>} : memref<1024xi32, #tpu.memory_space<vmem>>, vector<16xi32>,
    tpu.vector_store_idx %arg7[%get3A_225], %broadcast_in_dim3A_1 {add = true} : memref<1024xf32, #tpu.memory_space<vmem>>[vector<16xi32>], vector<16xf32>,
    %get3A_226 = arith.constant 608 : index
    %get3A_227 = tpu.vector_load %arg6[%get3A_226] {strides = array<i32>} : memref<1024xi32, #tpu.memory_space<vmem>>, vector<16xi32>,
    tpu.vector_store_idx %arg7[%get3A_227], %broadcast_in_dim3A_1 {add = true} : memref<1024xf32, #tpu.memory_space<vmem>>[vector<16xi32>], vector<16xf32>,
    %get3A_228 = arith.constant 624 : index
    %get3A_229 = tpu.vector_load %arg6[%get3A_228] {strides = array<i32>} : memref<1024xi32, #tpu.memory_space<vmem>>, vector<16xi32>,
    tpu.vector_store_idx %arg7[%get3A_229], %broadcast_in_dim3A_1 {add = true} : memref<1024xf32, #tpu.memory_space<vmem>>[vector<16xi32>], vector<16xf32>,
    %get3A_230 = arith.constant 640 : index
    %get3A_231 = tpu.vector_load %arg6[%get3A_230] {strides = array<i32>} : memref<1024xi32, #tpu.memory_space<vmem>>, vector<16xi32>,
    tpu.vector_store_idx %arg7[%get3A_231], %broadcast_in_dim3A_1 {add = true} : memref<1024xf32, #tpu.memory_space<vmem>>[vector<16xi32>], vector<16xf32>,
    %get3A_232 = arith.constant 656 : index
    %get3A_233 = tpu.vector_load %arg6[%get3A_232] {strides = array<i32>} : memref<1024xi32, #tpu.memory_space<vmem>>, vector<16xi32>,
    tpu.vector_store_idx %arg7[%get3A_233], %broadcast_in_dim3A_1 {add = true} : memref<1024xf32, #tpu.memory_space<vmem>>[vector<16xi32>], vector<16xf32>,
    %get3A_234 = arith.constant 672 : index
    %get3A_235 = tpu.vector_load %arg6[%get3A_234] {strides = array<i32>} : memref<1024xi32, #tpu.memory_space<vmem>>, vector<16xi32>,
    tpu.vector_store_idx %arg7[%get3A_235], %broadcast_in_dim3A_1 {add = true} : memref<1024xf32, #tpu.memory_space<vmem>>[vector<16xi32>], vector<16xf32>,
    %get3A_236 = arith.constant 688 : index
    %get3A_237 = tpu.vector_load %arg6[%get3A_236] {strides = array<i32>} : memref<1024xi32, #tpu.memory_space<vmem>>, vector<16xi32>,
    tpu.vector_store_idx %arg7[%get3A_237], %broadcast_in_dim3A_1 {add = true} : memref<1024xf32, #tpu.memory_space<vmem>>[vector<16xi32>], vector<16xf32>,
    %get3A_238 = arith.constant 704 : index
    %get3A_239 = tpu.vector_load %arg6[%get3A_238] {strides = array<i32>} : memref<1024xi32, #tpu.memory_space<vmem>>, vector<16xi32>,
    tpu.vector_store_idx %arg7[%get3A_239], %broadcast_in_dim3A_1 {add = true} : memref<1024xf32, #tpu.memory_space<vmem>>[vector<16xi32>], vector<16xf32>,
    %get3A_240 = arith.constant 720 : index
    %get3A_241 = tpu.vector_load %arg6[%get3A_240] {strides = array<i32>} : memref<1024xi32, #tpu.memory_space<vmem>>, vector<16xi32>,
    tpu.vector_store_idx %arg7[%get3A_241], %broadcast_in_dim3A_1 {add = true} : memref<1024xf32, #tpu.memory_space<vmem>>[vector<16xi32>], vector<16xf32>,
    %get3A_242 = arith.constant 736 : index
    %get3A_243 = tpu.vector_load %arg6[%get3A_242] {strides = array<i32>} : memref<1024xi32, #tpu.memory_space<vmem>>, vector<16xi32>,
    tpu.vector_store_idx %arg7[%get3A_243], %broadcast_in_dim3A_1 {add = true} : memref<1024xf32, #tpu.memory_space<vmem>>[vector<16xi32>], vector<16xf32>,
    %get3A_244 = arith.constant 752 : index
    %get3A_245 = tpu.vector_load %arg6[%get3A_244] {strides = array<i32>} : memref<1024xi32, #tpu.memory_space<vmem>>, vector<16xi32>,
    tpu.vector_store_idx %arg7[%get3A_245], %broadcast_in_dim3A_1 {add = true} : memref<1024xf32, #tpu.memory_space<vmem>>[vector<16xi32>], vector<16xf32>,
    %get3A_246 = arith.constant 768 : index
    %get3A_247 = tpu.vector_load %arg6[%get3A_246] {strides = array<i32>} : memref<1024xi32, #tpu.memory_space<vmem>>, vector<16xi32>,
    tpu.vector_store_idx %arg7[%get3A_247], %broadcast_in_dim3A_1 {add = true} : memref<1024xf32, #tpu.memory_space<vmem>>[vector<16xi32>], vector<16xf32>,
    %get3A_248 = arith.constant 784 : index
    %get3A_249 = tpu.vector_load %arg6[%get3A_248] {strides = array<i32>} : memref<1024xi32, #tpu.memory_space<vmem>>, vector<16xi32>,
    tpu.vector_store_idx %arg7[%get3A_249], %broadcast_in_dim3A_1 {add = true} : memref<1024xf32, #tpu.memory_space<vmem>>[vector<16xi32>], vector<16xf32>,
    %get3A_250 = arith.constant 800 : index
    %get3A_251 = tpu.vector_load %arg6[%get3A_250] {strides = array<i32>} : memref<1024xi32, #tpu.memory_space<vmem>>, vector<16xi32>,
    tpu.vector_store_idx %arg7[%get3A_251], %broadcast_in_dim3A_1 {add = true} : memref<1024xf32, #tpu.memory_space<vmem>>[vector<16xi32>], vector<16xf32>,
    %get3A_252 = arith.constant 816 : index
    %get3A_253 = tpu.vector_load %arg6[%get3A_252] {strides = array<i32>} : memref<1024xi32, #tpu.memory_space<vmem>>, vector<16xi32>,
    tpu.vector_store_idx %arg7[%get3A_253], %broadcast_in_dim3A_1 {add = true} : memref<1024xf32, #tpu.memory_space<vmem>>[vector<16xi32>], vector<16xf32>,
    %get3A_254 = arith.constant 832 : index
    %get3A_255 = tpu.vector_load %arg6[%get3A_254] {strides = array<i32>} : memref<1024xi32, #tpu.memory_space<vmem>>, vector<16xi32>,
    tpu.vector_store_idx %arg7[%get3A_255], %broadcast_in_dim3A_1 {add = true} : memref<1024xf32, #tpu.memory_space<vmem>>[vector<16xi32>], vector<16xf32>,
    %get3A_256 = arith.constant 848 : index
    %get3A_257 = tpu.vector_load %arg6[%get3A_256] {strides = array<i32>} : memref<1024xi32, #tpu.memory_space<vmem>>, vector<16xi32>,
    tpu.vector_store_idx %arg7[%get3A_257], %broadcast_in_dim3A_1 {add = true} : memref<1024xf32, #tpu.memory_space<vmem>>[vector<16xi32>], vector<16xf32>,
    %get3A_258 = arith.constant 864 : index
    %get3A_259 = tpu.vector_load %arg6[%get3A_258] {strides = array<i32>} : memref<1024xi32, #tpu.memory_space<vmem>>, vector<16xi32>,
    tpu.vector_store_idx %arg7[%get3A_259], %broadcast_in_dim3A_1 {add = true} : memref<1024xf32, #tpu.memory_space<vmem>>[vector<16xi32>], vector<16xf32>,
    %get3A_260 = arith.constant 880 : index
    %get3A_261 = tpu.vector_load %arg6[%get3A_260] {strides = array<i32>} : memref<1024xi32, #tpu.memory_space<vmem>>, vector<16xi32>,
    tpu.vector_store_idx %arg7[%get3A_261], %broadcast_in_dim3A_1 {add = true} : memref<1024xf32, #tpu.memory_space<vmem>>[vector<16xi32>], vector<16xf32>,
    %get3A_262 = arith.constant 896 : index
    %get3A_263 = tpu.vector_load %arg6[%get3A_262] {strides = array<i32>} : memref<1024xi32, #tpu.memory_space<vmem>>, vector<16xi32>,
    tpu.vector_store_idx %arg7[%get3A_263], %broadcast_in_dim3A_1 {add = true} : memref<1024xf32, #tpu.memory_space<vmem>>[vector<16xi32>], vector<16xf32>,
    %get3A_264 = arith.constant 912 : index
    %get3A_265 = tpu.vector_load %arg6[%get3A_264] {strides = array<i32>} : memref<1024xi32, #tpu.memory_space<vmem>>, vector<16xi32>,
    tpu.vector_store_idx %arg7[%get3A_265], %broadcast_in_dim3A_1 {add = true} : memref<1024xf32, #tpu.memory_space<vmem>>[vector<16xi32>], vector<16xf32>,
    %get3A_266 = arith.constant 928 : index
    %get3A_267 = tpu.vector_load %arg6[%get3A_266] {strides = array<i32>} : memref<1024xi32, #tpu.memory_space<vmem>>, vector<16xi32>,
    tpu.vector_store_idx %arg7[%get3A_267], %broadcast_in_dim3A_1 {add = true} : memref<1024xf32, #tpu.memory_space<vmem>>[vector<16xi32>], vector<16xf32>,
    %get3A_268 = arith.constant 944 : index
    %get3A_269 = tpu.vector_load %arg6[%get3A_268] {strides = array<i32>} : memref<1024xi32, #tpu.memory_space<vmem>>, vector<16xi32>,
    tpu.vector_store_idx %arg7[%get3A_269], %broadcast_in_dim3A_1 {add = true} : memref<1024xf32, #tpu.memory_space<vmem>>[vector<16xi32>], vector<16xf32>,
    %get3A_270 = arith.constant 960 : index
    %get3A_271 = tpu.vector_load %arg6[%get3A_270] {strides = array<i32>} : memref<1024xi32, #tpu.memory_space<vmem>>, vector<16xi32>,
    tpu.vector_store_idx %arg7[%get3A_271], %broadcast_in_dim3A_1 {add = true} : memref<1024xf32, #tpu.memory_space<vmem>>[vector<16xi32>], vector<16xf32>,
    %get3A_272 = arith.constant 976 : index
    %get3A_273 = tpu.vector_load %arg6[%get3A_272] {strides = array<i32>} : memref<1024xi32, #tpu.memory_space<vmem>>, vector<16xi32>,
    tpu.vector_store_idx %arg7[%get3A_273], %broadcast_in_dim3A_1 {add = true} : memref<1024xf32, #tpu.memory_space<vmem>>[vector<16xi32>], vector<16xf32>,
    %get3A_274 = arith.constant 992 : index
    %get3A_275 = tpu.vector_load %arg6[%get3A_274] {strides = array<i32>} : memref<1024xi32, #tpu.memory_space<vmem>>, vector<16xi32>,
    tpu.vector_store_idx %arg7[%get3A_275], %broadcast_in_dim3A_1 {add = true} : memref<1024xf32, #tpu.memory_space<vmem>>[vector<16xi32>], vector<16xf32>,
    %get3A_276 = arith.constant 1008 : index
    %get3A_277 = tpu.vector_load %arg6[%get3A_276] {strides = array<i32>} : memref<1024xi32, #tpu.memory_space<vmem>>, vector<16xi32>,
    tpu.vector_store_idx %arg7[%get3A_277], %broadcast_in_dim3A_1 {add = true} : memref<1024xf32, #tpu.memory_space<vmem>>[vector<16xi32>], vector<16xf32>,
    %mul3A_278 = arith.constant 1024 : i32
    %mul3A_279 = arith.muli %arg1, %mul3A_278 : i32
    "tpu.region"() ({
      %run_scoped3A = tpu.sem_alloc : memref<!tpu.dma_semaphore, #tpu.memory_space<semaphore_mem>>
      %dma_start3A_1200 = tpu.memref_slice %arg17[%mul3A_279] : memref<16384xf32, #tpu.memory_space<vmem_shared>> -> memref<1024xf32, #tpu.memory_space<vmem_shared>>
      %dma_start3A_1201 = tpu.memref_slice %arg17[%mul3A_279] : memref<16384xf32, #tpu.memory_space<vmem_shared>> -> memref<1024xf32, #tpu.memory_space<vmem_shared>>
      tpu.enqueue_dma source(%arg7 : memref<1024xf32, #tpu.memory_space<vmem>>) target(%dma_start3A_1201 : memref<1024xf32, #tpu.memory_space<vmem_shared>>) target_semaphore(%run_scoped3A : memref<!tpu.dma_semaphore, #tpu.memory_space<semaphore_mem>>)
      %dma_wait3A_1202 = tpu.memref_slice %arg17[%mul3A_279] : memref<16384xf32, #tpu.memory_space<vmem_shared>> -> memref<1024xf32, #tpu.memory_space<vmem_shared>>
      %dma_wait3A_1203 = tpu.memref_slice %arg17[%mul3A_279] : memref<16384xf32, #tpu.memory_space<vmem_shared>> -> memref<1024xf32, #tpu.memory_space<vmem_shared>>
      tpu.wait_dma2 semaphore(%run_scoped3A : memref<!tpu.dma_semaphore, #tpu.memory_space<semaphore_mem>>) src(%arg7 : memref<1024xf32, #tpu.memory_space<vmem>>) dst(%dma_wait3A_1203 : memref<1024xf32, #tpu.memory_space<vmem_shared>>)
      tpu.yield
    }) : () -> ()
    %barrier3A = arith.constant 0 : index
    tpu.barrier barrier_id(%barrier3A)
    %mul3A_280 = arith.constant 64 : i32
    %mul3A_281 = arith.muli %arg1, %mul3A_280 : i32
    %add3A_282 = arith.constant 0 : i32
    %add3A_283 = arith.addi %add3A_282, %mul3A_281 : i32
    %dma_start3A_284 = arith.constant 0 : i32
    %dma_start3A_285 = tpu.memref_slice %arg8[%dma_start3A_284] : memref<1024xf32, #tpu.memory_space<vmem>> -> memref<64xf32, #tpu.memory_space<vmem>>
    %dma_start3A_286 = tpu.memref_slice %arg17[%add3A_283] : memref<16384xf32, #tpu.memory_space<vmem_shared>> -> memref<64xf32, #tpu.memory_space<vmem_shared>>
    %dma_start3A_287 = arith.constant 0 : i32
    %dma_start3A_288 = tpu.memref_slice %arg8[%dma_start3A_287] : memref<1024xf32, #tpu.memory_space<vmem>> -> memref<64xf32, #tpu.memory_space<vmem>>
    %dma_start3A_289 = tpu.memref_slice %arg17[%add3A_283] : memref<16384xf32, #tpu.memory_space<vmem_shared>> -> memref<64xf32, #tpu.memory_space<vmem_shared>>
    tpu.enqueue_dma source(%dma_start3A_289 : memref<64xf32, #tpu.memory_space<vmem_shared>>) target(%dma_start3A_288 : memref<64xf32, #tpu.memory_space<vmem>>) target_semaphore(%arg22 : memref<!tpu.dma_semaphore, #tpu.memory_space<semaphore_mem>>)
    %mul3A_290 = arith.constant 64 : i32
    %mul3A_291 = arith.muli %arg1, %mul3A_290 : i32
    %add3A_292 = arith.constant 1024 : i32
    %add3A_293 = arith.addi %add3A_292, %mul3A_291 : i32
    %dma_start3A_294 = arith.constant 64 : i32
    %dma_start3A_295 = tpu.memref_slice %arg8[%dma_start3A_294] : memref<1024xf32, #tpu.memory_space<vmem>> -> memref<64xf32, #tpu.memory_space<vmem>>
    %dma_start3A_296 = tpu.memref_slice %arg17[%add3A_293] : memref<16384xf32, #tpu.memory_space<vmem_shared>> -> memref<64xf32, #tpu.memory_space<vmem_shared>>
    %dma_start3A_297 = arith.constant 64 : i32
    %dma_start3A_298 = tpu.memref_slice %arg8[%dma_start3A_297] : memref<1024xf32, #tpu.memory_space<vmem>> -> memref<64xf32, #tpu.memory_space<vmem>>
    %dma_start3A_299 = tpu.memref_slice %arg17[%add3A_293] : memref<16384xf32, #tpu.memory_space<vmem_shared>> -> memref<64xf32, #tpu.memory_space<vmem_shared>>
    tpu.enqueue_dma source(%dma_start3A_299 : memref<64xf32, #tpu.memory_space<vmem_shared>>) target(%dma_start3A_298 : memref<64xf32, #tpu.memory_space<vmem>>) target_semaphore(%arg22 : memref<!tpu.dma_semaphore, #tpu.memory_space<semaphore_mem>>)
    %mul3A_300 = arith.constant 64 : i32
    %mul3A_301 = arith.muli %arg1, %mul3A_300 : i32
    %add3A_302 = arith.constant 2048 : i32
    %add3A_303 = arith.addi %add3A_302, %mul3A_301 : i32
    %dma_start3A_304 = arith.constant 128 : i32
    %dma_start3A_305 = tpu.memref_slice %arg8[%dma_start3A_304] : memref<1024xf32, #tpu.memory_space<vmem>> -> memref<64xf32, #tpu.memory_space<vmem>>
    %dma_start3A_306 = tpu.memref_slice %arg17[%add3A_303] : memref<16384xf32, #tpu.memory_space<vmem_shared>> -> memref<64xf32, #tpu.memory_space<vmem_shared>>
    %dma_start3A_307 = arith.constant 128 : i32
    %dma_start3A_308 = tpu.memref_slice %arg8[%dma_start3A_307] : memref<1024xf32, #tpu.memory_space<vmem>> -> memref<64xf32, #tpu.memory_space<vmem>>
    %dma_start3A_309 = tpu.memref_slice %arg17[%add3A_303] : memref<16384xf32, #tpu.memory_space<vmem_shared>> -> memref<64xf32, #tpu.memory_space<vmem_shared>>
    tpu.enqueue_dma source(%dma_start3A_309 : memref<64xf32, #tpu.memory_space<vmem_shared>>) target(%dma_start3A_308 : memref<64xf32, #tpu.memory_space<vmem>>) target_semaphore(%arg22 : memref<!tpu.dma_semaphore, #tpu.memory_space<semaphore_mem>>)
    %mul3A_310 = arith.constant 64 : i32
    %mul3A_311 = arith.muli %arg1, %mul3A_310 : i32
    %add3A_312 = arith.constant 3072 : i32
    %add3A_313 = arith.addi %add3A_312, %mul3A_311 : i32
    %dma_start3A_314 = arith.constant 192 : i32
    %dma_start3A_315 = tpu.memref_slice %arg8[%dma_start3A_314] : memref<1024xf32, #tpu.memory_space<vmem>> -> memref<64xf32, #tpu.memory_space<vmem>>
    %dma_start3A_316 = tpu.memref_slice %arg17[%add3A_313] : memref<16384xf32, #tpu.memory_space<vmem_shared>> -> memref<64xf32, #tpu.memory_space<vmem_shared>>
    %dma_start3A_317 = arith.constant 192 : i32
    %dma_start3A_318 = tpu.memref_slice %arg8[%dma_start3A_317] : memref<1024xf32, #tpu.memory_space<vmem>> -> memref<64xf32, #tpu.memory_space<vmem>>
    %dma_start3A_319 = tpu.memref_slice %arg17[%add3A_313] : memref<16384xf32, #tpu.memory_space<vmem_shared>> -> memref<64xf32, #tpu.memory_space<vmem_shared>>
    tpu.enqueue_dma source(%dma_start3A_319 : memref<64xf32, #tpu.memory_space<vmem_shared>>) target(%dma_start3A_318 : memref<64xf32, #tpu.memory_space<vmem>>) target_semaphore(%arg22 : memref<!tpu.dma_semaphore, #tpu.memory_space<semaphore_mem>>)
    %mul3A_320 = arith.constant 64 : i32
    %mul3A_321 = arith.muli %arg1, %mul3A_320 : i32
    %add3A_322 = arith.constant 4096 : i32
    %add3A_323 = arith.addi %add3A_322, %mul3A_321 : i32
    %dma_start3A_324 = arith.constant 256 : i32
    %dma_start3A_325 = tpu.memref_slice %arg8[%dma_start3A_324] : memref<1024xf32, #tpu.memory_space<vmem>> -> memref<64xf32, #tpu.memory_space<vmem>>
    %dma_start3A_326 = tpu.memref_slice %arg17[%add3A_323] : memref<16384xf32, #tpu.memory_space<vmem_shared>> -> memref<64xf32, #tpu.memory_space<vmem_shared>>
    %dma_start3A_327 = arith.constant 256 : i32
    %dma_start3A_328 = tpu.memref_slice %arg8[%dma_start3A_327] : memref<1024xf32, #tpu.memory_space<vmem>> -> memref<64xf32, #tpu.memory_space<vmem>>
    %dma_start3A_329 = tpu.memref_slice %arg17[%add3A_323] : memref<16384xf32, #tpu.memory_space<vmem_shared>> -> memref<64xf32, #tpu.memory_space<vmem_shared>>
    tpu.enqueue_dma source(%dma_start3A_329 : memref<64xf32, #tpu.memory_space<vmem_shared>>) target(%dma_start3A_328 : memref<64xf32, #tpu.memory_space<vmem>>) target_semaphore(%arg22 : memref<!tpu.dma_semaphore, #tpu.memory_space<semaphore_mem>>)
    %mul3A_330 = arith.constant 64 : i32
    %mul3A_331 = arith.muli %arg1, %mul3A_330 : i32
    %add3A_332 = arith.constant 5120 : i32
    %add3A_333 = arith.addi %add3A_332, %mul3A_331 : i32
    %dma_start3A_334 = arith.constant 320 : i32
    %dma_start3A_335 = tpu.memref_slice %arg8[%dma_start3A_334] : memref<1024xf32, #tpu.memory_space<vmem>> -> memref<64xf32, #tpu.memory_space<vmem>>
    %dma_start3A_336 = tpu.memref_slice %arg17[%add3A_333] : memref<16384xf32, #tpu.memory_space<vmem_shared>> -> memref<64xf32, #tpu.memory_space<vmem_shared>>
    %dma_start3A_337 = arith.constant 320 : i32
    %dma_start3A_338 = tpu.memref_slice %arg8[%dma_start3A_337] : memref<1024xf32, #tpu.memory_space<vmem>> -> memref<64xf32, #tpu.memory_space<vmem>>
    %dma_start3A_339 = tpu.memref_slice %arg17[%add3A_333] : memref<16384xf32, #tpu.memory_space<vmem_shared>> -> memref<64xf32, #tpu.memory_space<vmem_shared>>
    tpu.enqueue_dma source(%dma_start3A_339 : memref<64xf32, #tpu.memory_space<vmem_shared>>) target(%dma_start3A_338 : memref<64xf32, #tpu.memory_space<vmem>>) target_semaphore(%arg22 : memref<!tpu.dma_semaphore, #tpu.memory_space<semaphore_mem>>)
    %mul3A_340 = arith.constant 64 : i32
    %mul3A_341 = arith.muli %arg1, %mul3A_340 : i32
    %add3A_342 = arith.constant 6144 : i32
    %add3A_343 = arith.addi %add3A_342, %mul3A_341 : i32
    %dma_start3A_344 = arith.constant 384 : i32
    %dma_start3A_345 = tpu.memref_slice %arg8[%dma_start3A_344] : memref<1024xf32, #tpu.memory_space<vmem>> -> memref<64xf32, #tpu.memory_space<vmem>>
    %dma_start3A_346 = tpu.memref_slice %arg17[%add3A_343] : memref<16384xf32, #tpu.memory_space<vmem_shared>> -> memref<64xf32, #tpu.memory_space<vmem_shared>>
    %dma_start3A_347 = arith.constant 384 : i32
    %dma_start3A_348 = tpu.memref_slice %arg8[%dma_start3A_347] : memref<1024xf32, #tpu.memory_space<vmem>> -> memref<64xf32, #tpu.memory_space<vmem>>
    %dma_start3A_349 = tpu.memref_slice %arg17[%add3A_343] : memref<16384xf32, #tpu.memory_space<vmem_shared>> -> memref<64xf32, #tpu.memory_space<vmem_shared>>
    tpu.enqueue_dma source(%dma_start3A_349 : memref<64xf32, #tpu.memory_space<vmem_shared>>) target(%dma_start3A_348 : memref<64xf32, #tpu.memory_space<vmem>>) target_semaphore(%arg22 : memref<!tpu.dma_semaphore, #tpu.memory_space<semaphore_mem>>)
    %mul3A_350 = arith.constant 64 : i32
    %mul3A_351 = arith.muli %arg1, %mul3A_350 : i32
    %add3A_352 = arith.constant 7168 : i32
    %add3A_353 = arith.addi %add3A_352, %mul3A_351 : i32
    %dma_start3A_354 = arith.constant 448 : i32
    %dma_start3A_355 = tpu.memref_slice %arg8[%dma_start3A_354] : memref<1024xf32, #tpu.memory_space<vmem>> -> memref<64xf32, #tpu.memory_space<vmem>>
    %dma_start3A_356 = tpu.memref_slice %arg17[%add3A_353] : memref<16384xf32, #tpu.memory_space<vmem_shared>> -> memref<64xf32, #tpu.memory_space<vmem_shared>>
    %dma_start3A_357 = arith.constant 448 : i32
    %dma_start3A_358 = tpu.memref_slice %arg8[%dma_start3A_357] : memref<1024xf32, #tpu.memory_space<vmem>> -> memref<64xf32, #tpu.memory_space<vmem>>
    %dma_start3A_359 = tpu.memref_slice %arg17[%add3A_353] : memref<16384xf32, #tpu.memory_space<vmem_shared>> -> memref<64xf32, #tpu.memory_space<vmem_shared>>
    tpu.enqueue_dma source(%dma_start3A_359 : memref<64xf32, #tpu.memory_space<vmem_shared>>) target(%dma_start3A_358 : memref<64xf32, #tpu.memory_space<vmem>>) target_semaphore(%arg22 : memref<!tpu.dma_semaphore, #tpu.memory_space<semaphore_mem>>)
    %mul3A_360 = arith.constant 64 : i32
    %mul3A_361 = arith.muli %arg1, %mul3A_360 : i32
    %add3A_362 = arith.constant 8192 : i32
    %add3A_363 = arith.addi %add3A_362, %mul3A_361 : i32
    %dma_start3A_364 = arith.constant 512 : i32
    %dma_start3A_365 = tpu.memref_slice %arg8[%dma_start3A_364] : memref<1024xf32, #tpu.memory_space<vmem>> -> memref<64xf32, #tpu.memory_space<vmem>>
    %dma_start3A_366 = tpu.memref_slice %arg17[%add3A_363] : memref<16384xf32, #tpu.memory_space<vmem_shared>> -> memref<64xf32, #tpu.memory_space<vmem_shared>>
    %dma_start3A_367 = arith.constant 512 : i32
    %dma_start3A_368 = tpu.memref_slice %arg8[%dma_start3A_367] : memref<1024xf32, #tpu.memory_space<vmem>> -> memref<64xf32, #tpu.memory_space<vmem>>
    %dma_start3A_369 = tpu.memref_slice %arg17[%add3A_363] : memref<16384xf32, #tpu.memory_space<vmem_shared>> -> memref<64xf32, #tpu.memory_space<vmem_shared>>
    tpu.enqueue_dma source(%dma_start3A_369 : memref<64xf32, #tpu.memory_space<vmem_shared>>) target(%dma_start3A_368 : memref<64xf32, #tpu.memory_space<vmem>>) target_semaphore(%arg22 : memref<!tpu.dma_semaphore, #tpu.memory_space<semaphore_mem>>)
    %mul3A_370 = arith.constant 64 : i32
    %mul3A_371 = arith.muli %arg1, %mul3A_370 : i32
    %add3A_372 = arith.constant 9216 : i32
    %add3A_373 = arith.addi %add3A_372, %mul3A_371 : i32
    %dma_start3A_374 = arith.constant 576 : i32
    %dma_start3A_375 = tpu.memref_slice %arg8[%dma_start3A_374] : memref<1024xf32, #tpu.memory_space<vmem>> -> memref<64xf32, #tpu.memory_space<vmem>>
    %dma_start3A_376 = tpu.memref_slice %arg17[%add3A_373] : memref<16384xf32, #tpu.memory_space<vmem_shared>> -> memref<64xf32, #tpu.memory_space<vmem_shared>>
    %dma_start3A_377 = arith.constant 576 : i32
    %dma_start3A_378 = tpu.memref_slice %arg8[%dma_start3A_377] : memref<1024xf32, #tpu.memory_space<vmem>> -> memref<64xf32, #tpu.memory_space<vmem>>
    %dma_start3A_379 = tpu.memref_slice %arg17[%add3A_373] : memref<16384xf32, #tpu.memory_space<vmem_shared>> -> memref<64xf32, #tpu.memory_space<vmem_shared>>
    tpu.enqueue_dma source(%dma_start3A_379 : memref<64xf32, #tpu.memory_space<vmem_shared>>) target(%dma_start3A_378 : memref<64xf32, #tpu.memory_space<vmem>>) target_semaphore(%arg22 : memref<!tpu.dma_semaphore, #tpu.memory_space<semaphore_mem>>)
    %mul3A_380 = arith.constant 64 : i32
    %mul3A_381 = arith.muli %arg1, %mul3A_380 : i32
    %add3A_382 = arith.constant 10240 : i32
    %add3A_383 = arith.addi %add3A_382, %mul3A_381 : i32
    %dma_start3A_384 = arith.constant 640 : i32
    %dma_start3A_385 = tpu.memref_slice %arg8[%dma_start3A_384] : memref<1024xf32, #tpu.memory_space<vmem>> -> memref<64xf32, #tpu.memory_space<vmem>>
    %dma_start3A_386 = tpu.memref_slice %arg17[%add3A_383] : memref<16384xf32, #tpu.memory_space<vmem_shared>> -> memref<64xf32, #tpu.memory_space<vmem_shared>>
    %dma_start3A_387 = arith.constant 640 : i32
    %dma_start3A_388 = tpu.memref_slice %arg8[%dma_start3A_387] : memref<1024xf32, #tpu.memory_space<vmem>> -> memref<64xf32, #tpu.memory_space<vmem>>
    %dma_start3A_389 = tpu.memref_slice %arg17[%add3A_383] : memref<16384xf32, #tpu.memory_space<vmem_shared>> -> memref<64xf32, #tpu.memory_space<vmem_shared>>
    tpu.enqueue_dma source(%dma_start3A_389 : memref<64xf32, #tpu.memory_space<vmem_shared>>) target(%dma_start3A_388 : memref<64xf32, #tpu.memory_space<vmem>>) target_semaphore(%arg22 : memref<!tpu.dma_semaphore, #tpu.memory_space<semaphore_mem>>)
    %mul3A_390 = arith.constant 64 : i32
    %mul3A_391 = arith.muli %arg1, %mul3A_390 : i32
    %add3A_392 = arith.constant 11264 : i32
    %add3A_393 = arith.addi %add3A_392, %mul3A_391 : i32
    %dma_start3A_394 = arith.constant 704 : i32
    %dma_start3A_395 = tpu.memref_slice %arg8[%dma_start3A_394] : memref<1024xf32, #tpu.memory_space<vmem>> -> memref<64xf32, #tpu.memory_space<vmem>>
    %dma_start3A_396 = tpu.memref_slice %arg17[%add3A_393] : memref<16384xf32, #tpu.memory_space<vmem_shared>> -> memref<64xf32, #tpu.memory_space<vmem_shared>>
    %dma_start3A_397 = arith.constant 704 : i32
    %dma_start3A_398 = tpu.memref_slice %arg8[%dma_start3A_397] : memref<1024xf32, #tpu.memory_space<vmem>> -> memref<64xf32, #tpu.memory_space<vmem>>
    %dma_start3A_399 = tpu.memref_slice %arg17[%add3A_393] : memref<16384xf32, #tpu.memory_space<vmem_shared>> -> memref<64xf32, #tpu.memory_space<vmem_shared>>
    tpu.enqueue_dma source(%dma_start3A_399 : memref<64xf32, #tpu.memory_space<vmem_shared>>) target(%dma_start3A_398 : memref<64xf32, #tpu.memory_space<vmem>>) target_semaphore(%arg22 : memref<!tpu.dma_semaphore, #tpu.memory_space<semaphore_mem>>)
    %mul3A_400 = arith.constant 64 : i32
    %mul3A_401 = arith.muli %arg1, %mul3A_400 : i32
    %add3A_402 = arith.constant 12288 : i32
    %add3A_403 = arith.addi %add3A_402, %mul3A_401 : i32
    %dma_start3A_404 = arith.constant 768 : i32
    %dma_start3A_405 = tpu.memref_slice %arg8[%dma_start3A_404] : memref<1024xf32, #tpu.memory_space<vmem>> -> memref<64xf32, #tpu.memory_space<vmem>>
    %dma_start3A_406 = tpu.memref_slice %arg17[%add3A_403] : memref<16384xf32, #tpu.memory_space<vmem_shared>> -> memref<64xf32, #tpu.memory_space<vmem_shared>>
    %dma_start3A_407 = arith.constant 768 : i32
    %dma_start3A_408 = tpu.memref_slice %arg8[%dma_start3A_407] : memref<1024xf32, #tpu.memory_space<vmem>> -> memref<64xf32, #tpu.memory_space<vmem>>
    %dma_start3A_409 = tpu.memref_slice %arg17[%add3A_403] : memref<16384xf32, #tpu.memory_space<vmem_shared>> -> memref<64xf32, #tpu.memory_space<vmem_shared>>
    tpu.enqueue_dma source(%dma_start3A_409 : memref<64xf32, #tpu.memory_space<vmem_shared>>) target(%dma_start3A_408 : memref<64xf32, #tpu.memory_space<vmem>>) target_semaphore(%arg22 : memref<!tpu.dma_semaphore, #tpu.memory_space<semaphore_mem>>)
    %mul3A_410 = arith.constant 64 : i32
    %mul3A_411 = arith.muli %arg1, %mul3A_410 : i32
    %add3A_412 = arith.constant 13312 : i32
    %add3A_413 = arith.addi %add3A_412, %mul3A_411 : i32
    %dma_start3A_414 = arith.constant 832 : i32
    %dma_start3A_415 = tpu.memref_slice %arg8[%dma_start3A_414] : memref<1024xf32, #tpu.memory_space<vmem>> -> memref<64xf32, #tpu.memory_space<vmem>>
    %dma_start3A_416 = tpu.memref_slice %arg17[%add3A_413] : memref<16384xf32, #tpu.memory_space<vmem_shared>> -> memref<64xf32, #tpu.memory_space<vmem_shared>>
    %dma_start3A_417 = arith.constant 832 : i32
    %dma_start3A_418 = tpu.memref_slice %arg8[%dma_start3A_417] : memref<1024xf32, #tpu.memory_space<vmem>> -> memref<64xf32, #tpu.memory_space<vmem>>
    %dma_start3A_419 = tpu.memref_slice %arg17[%add3A_413] : memref<16384xf32, #tpu.memory_space<vmem_shared>> -> memref<64xf32, #tpu.memory_space<vmem_shared>>
    tpu.enqueue_dma source(%dma_start3A_419 : memref<64xf32, #tpu.memory_space<vmem_shared>>) target(%dma_start3A_418 : memref<64xf32, #tpu.memory_space<vmem>>) target_semaphore(%arg22 : memref<!tpu.dma_semaphore, #tpu.memory_space<semaphore_mem>>)
    %mul3A_420 = arith.constant 64 : i32
    %mul3A_421 = arith.muli %arg1, %mul3A_420 : i32
    %add3A_422 = arith.constant 14336 : i32
    %add3A_423 = arith.addi %add3A_422, %mul3A_421 : i32
    %dma_start3A_424 = arith.constant 896 : i32
    %dma_start3A_425 = tpu.memref_slice %arg8[%dma_start3A_424] : memref<1024xf32, #tpu.memory_space<vmem>> -> memref<64xf32, #tpu.memory_space<vmem>>
    %dma_start3A_426 = tpu.memref_slice %arg17[%add3A_423] : memref<16384xf32, #tpu.memory_space<vmem_shared>> -> memref<64xf32, #tpu.memory_space<vmem_shared>>
    %dma_start3A_427 = arith.constant 896 : i32
    %dma_start3A_428 = tpu.memref_slice %arg8[%dma_start3A_427] : memref<1024xf32, #tpu.memory_space<vmem>> -> memref<64xf32, #tpu.memory_space<vmem>>
    %dma_start3A_429 = tpu.memref_slice %arg17[%add3A_423] : memref<16384xf32, #tpu.memory_space<vmem_shared>> -> memref<64xf32, #tpu.memory_space<vmem_shared>>
    tpu.enqueue_dma source(%dma_start3A_429 : memref<64xf32, #tpu.memory_space<vmem_shared>>) target(%dma_start3A_428 : memref<64xf32, #tpu.memory_space<vmem>>) target_semaphore(%arg22 : memref<!tpu.dma_semaphore, #tpu.memory_space<semaphore_mem>>)
    %mul3A_430 = arith.constant 64 : i32
    %mul3A_431 = arith.muli %arg1, %mul3A_430 : i32
    %add3A_432 = arith.constant 15360 : i32
    %add3A_433 = arith.addi %add3A_432, %mul3A_431 : i32
    %dma_start3A_434 = arith.constant 960 : i32
    %dma_start3A_435 = tpu.memref_slice %arg8[%dma_start3A_434] : memref<1024xf32, #tpu.memory_space<vmem>> -> memref<64xf32, #tpu.memory_space<vmem>>
    %dma_start3A_436 = tpu.memref_slice %arg17[%add3A_433] : memref<16384xf32, #tpu.memory_space<vmem_shared>> -> memref<64xf32, #tpu.memory_space<vmem_shared>>
    %dma_start3A_437 = arith.constant 960 : i32
    %dma_start3A_438 = tpu.memref_slice %arg8[%dma_start3A_437] : memref<1024xf32, #tpu.memory_space<vmem>> -> memref<64xf32, #tpu.memory_space<vmem>>
    %dma_start3A_439 = tpu.memref_slice %arg17[%add3A_433] : memref<16384xf32, #tpu.memory_space<vmem_shared>> -> memref<64xf32, #tpu.memory_space<vmem_shared>>
    tpu.enqueue_dma source(%dma_start3A_439 : memref<64xf32, #tpu.memory_space<vmem_shared>>) target(%dma_start3A_438 : memref<64xf32, #tpu.memory_space<vmem>>) target_semaphore(%arg22 : memref<!tpu.dma_semaphore, #tpu.memory_space<semaphore_mem>>)
    %dma_wait3A_440 = arith.constant 0 : i32
    %dma_wait3A_441 = tpu.memref_slice %arg8[%dma_wait3A_440] : memref<1024xf32, #tpu.memory_space<vmem>> -> memref<64xf32, #tpu.memory_space<vmem>>
    %dma_wait3A_442 = tpu.memref_slice %arg17[%add3A_283] : memref<16384xf32, #tpu.memory_space<vmem_shared>> -> memref<64xf32, #tpu.memory_space<vmem_shared>>
    %dma_wait3A_443 = arith.constant 0 : i32
    %dma_wait3A_444 = tpu.memref_slice %arg8[%dma_wait3A_443] : memref<1024xf32, #tpu.memory_space<vmem>> -> memref<64xf32, #tpu.memory_space<vmem>>
    %dma_wait3A_445 = tpu.memref_slice %arg17[%add3A_283] : memref<16384xf32, #tpu.memory_space<vmem_shared>> -> memref<64xf32, #tpu.memory_space<vmem_shared>>
    tpu.wait_dma2 semaphore(%arg22 : memref<!tpu.dma_semaphore, #tpu.memory_space<semaphore_mem>>) src(%dma_wait3A_445 : memref<64xf32, #tpu.memory_space<vmem_shared>>) dst(%dma_wait3A_444 : memref<64xf32, #tpu.memory_space<vmem>>)
    %dma_wait3A_446 = arith.constant 64 : i32
    %dma_wait3A_447 = tpu.memref_slice %arg8[%dma_wait3A_446] : memref<1024xf32, #tpu.memory_space<vmem>> -> memref<64xf32, #tpu.memory_space<vmem>>
    %dma_wait3A_448 = tpu.memref_slice %arg17[%add3A_293] : memref<16384xf32, #tpu.memory_space<vmem_shared>> -> memref<64xf32, #tpu.memory_space<vmem_shared>>
    %dma_wait3A_449 = arith.constant 64 : i32
    %dma_wait3A_450 = tpu.memref_slice %arg8[%dma_wait3A_449] : memref<1024xf32, #tpu.memory_space<vmem>> -> memref<64xf32, #tpu.memory_space<vmem>>
    %dma_wait3A_451 = tpu.memref_slice %arg17[%add3A_293] : memref<16384xf32, #tpu.memory_space<vmem_shared>> -> memref<64xf32, #tpu.memory_space<vmem_shared>>
    tpu.wait_dma2 semaphore(%arg22 : memref<!tpu.dma_semaphore, #tpu.memory_space<semaphore_mem>>) src(%dma_wait3A_451 : memref<64xf32, #tpu.memory_space<vmem_shared>>) dst(%dma_wait3A_450 : memref<64xf32, #tpu.memory_space<vmem>>)
    %dma_wait3A_452 = arith.constant 128 : i32
    %dma_wait3A_453 = tpu.memref_slice %arg8[%dma_wait3A_452] : memref<1024xf32, #tpu.memory_space<vmem>> -> memref<64xf32, #tpu.memory_space<vmem>>
    %dma_wait3A_454 = tpu.memref_slice %arg17[%add3A_303] : memref<16384xf32, #tpu.memory_space<vmem_shared>> -> memref<64xf32, #tpu.memory_space<vmem_shared>>
    %dma_wait3A_455 = arith.constant 128 : i32
    %dma_wait3A_456 = tpu.memref_slice %arg8[%dma_wait3A_455] : memref<1024xf32, #tpu.memory_space<vmem>> -> memref<64xf32, #tpu.memory_space<vmem>>
    %dma_wait3A_457 = tpu.memref_slice %arg17[%add3A_303] : memref<16384xf32, #tpu.memory_space<vmem_shared>> -> memref<64xf32, #tpu.memory_space<vmem_shared>>
    tpu.wait_dma2 semaphore(%arg22 : memref<!tpu.dma_semaphore, #tpu.memory_space<semaphore_mem>>) src(%dma_wait3A_457 : memref<64xf32, #tpu.memory_space<vmem_shared>>) dst(%dma_wait3A_456 : memref<64xf32, #tpu.memory_space<vmem>>)
    %dma_wait3A_458 = arith.constant 192 : i32
    %dma_wait3A_459 = tpu.memref_slice %arg8[%dma_wait3A_458] : memref<1024xf32, #tpu.memory_space<vmem>> -> memref<64xf32, #tpu.memory_space<vmem>>
    %dma_wait3A_460 = tpu.memref_slice %arg17[%add3A_313] : memref<16384xf32, #tpu.memory_space<vmem_shared>> -> memref<64xf32, #tpu.memory_space<vmem_shared>>
    %dma_wait3A_461 = arith.constant 192 : i32
    %dma_wait3A_462 = tpu.memref_slice %arg8[%dma_wait3A_461] : memref<1024xf32, #tpu.memory_space<vmem>> -> memref<64xf32, #tpu.memory_space<vmem>>
    %dma_wait3A_463 = tpu.memref_slice %arg17[%add3A_313] : memref<16384xf32, #tpu.memory_space<vmem_shared>> -> memref<64xf32, #tpu.memory_space<vmem_shared>>
    tpu.wait_dma2 semaphore(%arg22 : memref<!tpu.dma_semaphore, #tpu.memory_space<semaphore_mem>>) src(%dma_wait3A_463 : memref<64xf32, #tpu.memory_space<vmem_shared>>) dst(%dma_wait3A_462 : memref<64xf32, #tpu.memory_space<vmem>>)
    %dma_wait3A_464 = arith.constant 256 : i32
    %dma_wait3A_465 = tpu.memref_slice %arg8[%dma_wait3A_464] : memref<1024xf32, #tpu.memory_space<vmem>> -> memref<64xf32, #tpu.memory_space<vmem>>
    %dma_wait3A_466 = tpu.memref_slice %arg17[%add3A_323] : memref<16384xf32, #tpu.memory_space<vmem_shared>> -> memref<64xf32, #tpu.memory_space<vmem_shared>>
    %dma_wait3A_467 = arith.constant 256 : i32
    %dma_wait3A_468 = tpu.memref_slice %arg8[%dma_wait3A_467] : memref<1024xf32, #tpu.memory_space<vmem>> -> memref<64xf32, #tpu.memory_space<vmem>>
    %dma_wait3A_469 = tpu.memref_slice %arg17[%add3A_323] : memref<16384xf32, #tpu.memory_space<vmem_shared>> -> memref<64xf32, #tpu.memory_space<vmem_shared>>
    tpu.wait_dma2 semaphore(%arg22 : memref<!tpu.dma_semaphore, #tpu.memory_space<semaphore_mem>>) src(%dma_wait3A_469 : memref<64xf32, #tpu.memory_space<vmem_shared>>) dst(%dma_wait3A_468 : memref<64xf32, #tpu.memory_space<vmem>>)
    %dma_wait3A_470 = arith.constant 320 : i32
    %dma_wait3A_471 = tpu.memref_slice %arg8[%dma_wait3A_470] : memref<1024xf32, #tpu.memory_space<vmem>> -> memref<64xf32, #tpu.memory_space<vmem>>
    %dma_wait3A_472 = tpu.memref_slice %arg17[%add3A_333] : memref<16384xf32, #tpu.memory_space<vmem_shared>> -> memref<64xf32, #tpu.memory_space<vmem_shared>>
    %dma_wait3A_473 = arith.constant 320 : i32
    %dma_wait3A_474 = tpu.memref_slice %arg8[%dma_wait3A_473] : memref<1024xf32, #tpu.memory_space<vmem>> -> memref<64xf32, #tpu.memory_space<vmem>>
    %dma_wait3A_475 = tpu.memref_slice %arg17[%add3A_333] : memref<16384xf32, #tpu.memory_space<vmem_shared>> -> memref<64xf32, #tpu.memory_space<vmem_shared>>
    tpu.wait_dma2 semaphore(%arg22 : memref<!tpu.dma_semaphore, #tpu.memory_space<semaphore_mem>>) src(%dma_wait3A_475 : memref<64xf32, #tpu.memory_space<vmem_shared>>) dst(%dma_wait3A_474 : memref<64xf32, #tpu.memory_space<vmem>>)
    %dma_wait3A_476 = arith.constant 384 : i32
    %dma_wait3A_477 = tpu.memref_slice %arg8[%dma_wait3A_476] : memref<1024xf32, #tpu.memory_space<vmem>> -> memref<64xf32, #tpu.memory_space<vmem>>
    %dma_wait3A_478 = tpu.memref_slice %arg17[%add3A_343] : memref<16384xf32, #tpu.memory_space<vmem_shared>> -> memref<64xf32, #tpu.memory_space<vmem_shared>>
    %dma_wait3A_479 = arith.constant 384 : i32
    %dma_wait3A_480 = tpu.memref_slice %arg8[%dma_wait3A_479] : memref<1024xf32, #tpu.memory_space<vmem>> -> memref<64xf32, #tpu.memory_space<vmem>>
    %dma_wait3A_481 = tpu.memref_slice %arg17[%add3A_343] : memref<16384xf32, #tpu.memory_space<vmem_shared>> -> memref<64xf32, #tpu.memory_space<vmem_shared>>
    tpu.wait_dma2 semaphore(%arg22 : memref<!tpu.dma_semaphore, #tpu.memory_space<semaphore_mem>>) src(%dma_wait3A_481 : memref<64xf32, #tpu.memory_space<vmem_shared>>) dst(%dma_wait3A_480 : memref<64xf32, #tpu.memory_space<vmem>>)
    %dma_wait3A_482 = arith.constant 448 : i32
    %dma_wait3A_483 = tpu.memref_slice %arg8[%dma_wait3A_482] : memref<1024xf32, #tpu.memory_space<vmem>> -> memref<64xf32, #tpu.memory_space<vmem>>
    %dma_wait3A_484 = tpu.memref_slice %arg17[%add3A_353] : memref<16384xf32, #tpu.memory_space<vmem_shared>> -> memref<64xf32, #tpu.memory_space<vmem_shared>>
    %dma_wait3A_485 = arith.constant 448 : i32
    %dma_wait3A_486 = tpu.memref_slice %arg8[%dma_wait3A_485] : memref<1024xf32, #tpu.memory_space<vmem>> -> memref<64xf32, #tpu.memory_space<vmem>>
    %dma_wait3A_487 = tpu.memref_slice %arg17[%add3A_353] : memref<16384xf32, #tpu.memory_space<vmem_shared>> -> memref<64xf32, #tpu.memory_space<vmem_shared>>
    tpu.wait_dma2 semaphore(%arg22 : memref<!tpu.dma_semaphore, #tpu.memory_space<semaphore_mem>>) src(%dma_wait3A_487 : memref<64xf32, #tpu.memory_space<vmem_shared>>) dst(%dma_wait3A_486 : memref<64xf32, #tpu.memory_space<vmem>>)
    %dma_wait3A_488 = arith.constant 512 : i32
    %dma_wait3A_489 = tpu.memref_slice %arg8[%dma_wait3A_488] : memref<1024xf32, #tpu.memory_space<vmem>> -> memref<64xf32, #tpu.memory_space<vmem>>
    %dma_wait3A_490 = tpu.memref_slice %arg17[%add3A_363] : memref<16384xf32, #tpu.memory_space<vmem_shared>> -> memref<64xf32, #tpu.memory_space<vmem_shared>>
    %dma_wait3A_491 = arith.constant 512 : i32
    %dma_wait3A_492 = tpu.memref_slice %arg8[%dma_wait3A_491] : memref<1024xf32, #tpu.memory_space<vmem>> -> memref<64xf32, #tpu.memory_space<vmem>>
    %dma_wait3A_493 = tpu.memref_slice %arg17[%add3A_363] : memref<16384xf32, #tpu.memory_space<vmem_shared>> -> memref<64xf32, #tpu.memory_space<vmem_shared>>
    tpu.wait_dma2 semaphore(%arg22 : memref<!tpu.dma_semaphore, #tpu.memory_space<semaphore_mem>>) src(%dma_wait3A_493 : memref<64xf32, #tpu.memory_space<vmem_shared>>) dst(%dma_wait3A_492 : memref<64xf32, #tpu.memory_space<vmem>>)
    %dma_wait3A_494 = arith.constant 576 : i32
    %dma_wait3A_495 = tpu.memref_slice %arg8[%dma_wait3A_494] : memref<1024xf32, #tpu.memory_space<vmem>> -> memref<64xf32, #tpu.memory_space<vmem>>
    %dma_wait3A_496 = tpu.memref_slice %arg17[%add3A_373] : memref<16384xf32, #tpu.memory_space<vmem_shared>> -> memref<64xf32, #tpu.memory_space<vmem_shared>>
    %dma_wait3A_497 = arith.constant 576 : i32
    %dma_wait3A_498 = tpu.memref_slice %arg8[%dma_wait3A_497] : memref<1024xf32, #tpu.memory_space<vmem>> -> memref<64xf32, #tpu.memory_space<vmem>>
    %dma_wait3A_499 = tpu.memref_slice %arg17[%add3A_373] : memref<16384xf32, #tpu.memory_space<vmem_shared>> -> memref<64xf32, #tpu.memory_space<vmem_shared>>
    tpu.wait_dma2 semaphore(%arg22 : memref<!tpu.dma_semaphore, #tpu.memory_space<semaphore_mem>>) src(%dma_wait3A_499 : memref<64xf32, #tpu.memory_space<vmem_shared>>) dst(%dma_wait3A_498 : memref<64xf32, #tpu.memory_space<vmem>>)
    %dma_wait3A_500 = arith.constant 640 : i32
    %dma_wait3A_501 = tpu.memref_slice %arg8[%dma_wait3A_500] : memref<1024xf32, #tpu.memory_space<vmem>> -> memref<64xf32, #tpu.memory_space<vmem>>
    %dma_wait3A_502 = tpu.memref_slice %arg17[%add3A_383] : memref<16384xf32, #tpu.memory_space<vmem_shared>> -> memref<64xf32, #tpu.memory_space<vmem_shared>>
    %dma_wait3A_503 = arith.constant 640 : i32
    %dma_wait3A_504 = tpu.memref_slice %arg8[%dma_wait3A_503] : memref<1024xf32, #tpu.memory_space<vmem>> -> memref<64xf32, #tpu.memory_space<vmem>>
    %dma_wait3A_505 = tpu.memref_slice %arg17[%add3A_383] : memref<16384xf32, #tpu.memory_space<vmem_shared>> -> memref<64xf32, #tpu.memory_space<vmem_shared>>
    tpu.wait_dma2 semaphore(%arg22 : memref<!tpu.dma_semaphore, #tpu.memory_space<semaphore_mem>>) src(%dma_wait3A_505 : memref<64xf32, #tpu.memory_space<vmem_shared>>) dst(%dma_wait3A_504 : memref<64xf32, #tpu.memory_space<vmem>>)
    %dma_wait3A_506 = arith.constant 704 : i32
    %dma_wait3A_507 = tpu.memref_slice %arg8[%dma_wait3A_506] : memref<1024xf32, #tpu.memory_space<vmem>> -> memref<64xf32, #tpu.memory_space<vmem>>
    %dma_wait3A_508 = tpu.memref_slice %arg17[%add3A_393] : memref<16384xf32, #tpu.memory_space<vmem_shared>> -> memref<64xf32, #tpu.memory_space<vmem_shared>>
    %dma_wait3A_509 = arith.constant 704 : i32
    %dma_wait3A_510 = tpu.memref_slice %arg8[%dma_wait3A_509] : memref<1024xf32, #tpu.memory_space<vmem>> -> memref<64xf32, #tpu.memory_space<vmem>>
    %dma_wait3A_511 = tpu.memref_slice %arg17[%add3A_393] : memref<16384xf32, #tpu.memory_space<vmem_shared>> -> memref<64xf32, #tpu.memory_space<vmem_shared>>
    tpu.wait_dma2 semaphore(%arg22 : memref<!tpu.dma_semaphore, #tpu.memory_space<semaphore_mem>>) src(%dma_wait3A_511 : memref<64xf32, #tpu.memory_space<vmem_shared>>) dst(%dma_wait3A_510 : memref<64xf32, #tpu.memory_space<vmem>>)
    %dma_wait3A_512 = arith.constant 768 : i32
    %dma_wait3A_513 = tpu.memref_slice %arg8[%dma_wait3A_512] : memref<1024xf32, #tpu.memory_space<vmem>> -> memref<64xf32, #tpu.memory_space<vmem>>
    %dma_wait3A_514 = tpu.memref_slice %arg17[%add3A_403] : memref<16384xf32, #tpu.memory_space<vmem_shared>> -> memref<64xf32, #tpu.memory_space<vmem_shared>>
    %dma_wait3A_515 = arith.constant 768 : i32
    %dma_wait3A_516 = tpu.memref_slice %arg8[%dma_wait3A_515] : memref<1024xf32, #tpu.memory_space<vmem>> -> memref<64xf32, #tpu.memory_space<vmem>>
    %dma_wait3A_517 = tpu.memref_slice %arg17[%add3A_403] : memref<16384xf32, #tpu.memory_space<vmem_shared>> -> memref<64xf32, #tpu.memory_space<vmem_shared>>
    tpu.wait_dma2 semaphore(%arg22 : memref<!tpu.dma_semaphore, #tpu.memory_space<semaphore_mem>>) src(%dma_wait3A_517 : memref<64xf32, #tpu.memory_space<vmem_shared>>) dst(%dma_wait3A_516 : memref<64xf32, #tpu.memory_space<vmem>>)
    %dma_wait3A_518 = arith.constant 832 : i32
    %dma_wait3A_519 = tpu.memref_slice %arg8[%dma_wait3A_518] : memref<1024xf32, #tpu.memory_space<vmem>> -> memref<64xf32, #tpu.memory_space<vmem>>
    %dma_wait3A_520 = tpu.memref_slice %arg17[%add3A_413] : memref<16384xf32, #tpu.memory_space<vmem_shared>> -> memref<64xf32, #tpu.memory_space<vmem_shared>>
    %dma_wait3A_521 = arith.constant 832 : i32
    %dma_wait3A_522 = tpu.memref_slice %arg8[%dma_wait3A_521] : memref<1024xf32, #tpu.memory_space<vmem>> -> memref<64xf32, #tpu.memory_space<vmem>>
    %dma_wait3A_523 = tpu.memref_slice %arg17[%add3A_413] : memref<16384xf32, #tpu.memory_space<vmem_shared>> -> memref<64xf32, #tpu.memory_space<vmem_shared>>
    tpu.wait_dma2 semaphore(%arg22 : memref<!tpu.dma_semaphore, #tpu.memory_space<semaphore_mem>>) src(%dma_wait3A_523 : memref<64xf32, #tpu.memory_space<vmem_shared>>) dst(%dma_wait3A_522 : memref<64xf32, #tpu.memory_space<vmem>>)
    %dma_wait3A_524 = arith.constant 896 : i32
    %dma_wait3A_525 = tpu.memref_slice %arg8[%dma_wait3A_524] : memref<1024xf32, #tpu.memory_space<vmem>> -> memref<64xf32, #tpu.memory_space<vmem>>
    %dma_wait3A_526 = tpu.memref_slice %arg17[%add3A_423] : memref<16384xf32, #tpu.memory_space<vmem_shared>> -> memref<64xf32, #tpu.memory_space<vmem_shared>>
    %dma_wait3A_527 = arith.constant 896 : i32
    %dma_wait3A_528 = tpu.memref_slice %arg8[%dma_wait3A_527] : memref<1024xf32, #tpu.memory_space<vmem>> -> memref<64xf32, #tpu.memory_space<vmem>>
    %dma_wait3A_529 = tpu.memref_slice %arg17[%add3A_423] : memref<16384xf32, #tpu.memory_space<vmem_shared>> -> memref<64xf32, #tpu.memory_space<vmem_shared>>
    tpu.wait_dma2 semaphore(%arg22 : memref<!tpu.dma_semaphore, #tpu.memory_space<semaphore_mem>>) src(%dma_wait3A_529 : memref<64xf32, #tpu.memory_space<vmem_shared>>) dst(%dma_wait3A_528 : memref<64xf32, #tpu.memory_space<vmem>>)
    %dma_wait3A_530 = arith.constant 960 : i32
    %dma_wait3A_531 = tpu.memref_slice %arg8[%dma_wait3A_530] : memref<1024xf32, #tpu.memory_space<vmem>> -> memref<64xf32, #tpu.memory_space<vmem>>
    %dma_wait3A_532 = tpu.memref_slice %arg17[%add3A_433] : memref<16384xf32, #tpu.memory_space<vmem_shared>> -> memref<64xf32, #tpu.memory_space<vmem_shared>>
    %dma_wait3A_533 = arith.constant 960 : i32
    %dma_wait3A_534 = tpu.memref_slice %arg8[%dma_wait3A_533] : memref<1024xf32, #tpu.memory_space<vmem>> -> memref<64xf32, #tpu.memory_space<vmem>>
    %dma_wait3A_535 = tpu.memref_slice %arg17[%add3A_433] : memref<16384xf32, #tpu.memory_space<vmem_shared>> -> memref<64xf32, #tpu.memory_space<vmem_shared>>
    tpu.wait_dma2 semaphore(%arg22 : memref<!tpu.dma_semaphore, #tpu.memory_space<semaphore_mem>>) src(%dma_wait3A_535 : memref<64xf32, #tpu.memory_space<vmem_shared>>) dst(%dma_wait3A_534 : memref<64xf32, #tpu.memory_space<vmem>>)
    %broadcast_in_dim3A_536 = arith.constant 0.000000e+00 : f32
    %broadcast_in_dim3A_537 = vector.broadcast %broadcast_in_dim3A_536 : f32 to vector<16xf32>
    %broadcast_in_dim3A_538 = arith.constant 0.000000e+00 : f32
    %broadcast_in_dim3A_539 = vector.broadcast %broadcast_in_dim3A_538 : f32 to vector<16xf32>
    %broadcast_in_dim3A_540 = arith.constant 0.000000e+00 : f32
    %broadcast_in_dim3A_541 = vector.broadcast %broadcast_in_dim3A_540 : f32 to vector<16xf32>
    %broadcast_in_dim3A_542 = arith.constant 0.000000e+00 : f32
    %broadcast_in_dim3A_543 = vector.broadcast %broadcast_in_dim3A_542 : f32 to vector<16xf32>
    %get3A_544 = arith.constant 0 : index
    %get3A_545 = tpu.vector_load %arg8[%get3A_544] {strides = array<i32>} : memref<1024xf32, #tpu.memory_space<vmem>>, vector<16xf32>,
    %add3A_546 = arith.addf %broadcast_in_dim3A_537, %get3A_545 : vector<16xf32>
    %get3A_547 = arith.constant 16 : index
    %get3A_548 = tpu.vector_load %arg8[%get3A_547] {strides = array<i32>} : memref<1024xf32, #tpu.memory_space<vmem>>, vector<16xf32>,
    %add3A_549 = arith.addf %broadcast_in_dim3A_539, %get3A_548 : vector<16xf32>
    %get3A_550 = arith.constant 32 : index
    %get3A_551 = tpu.vector_load %arg8[%get3A_550] {strides = array<i32>} : memref<1024xf32, #tpu.memory_space<vmem>>, vector<16xf32>,
    %add3A_552 = arith.addf %broadcast_in_dim3A_541, %get3A_551 : vector<16xf32>
    %get3A_553 = arith.constant 48 : index
    %get3A_554 = tpu.vector_load %arg8[%get3A_553] {strides = array<i32>} : memref<1024xf32, #tpu.memory_space<vmem>>, vector<16xf32>,
    %add3A_555 = arith.addf %broadcast_in_dim3A_543, %get3A_554 : vector<16xf32>
    %get3A_556 = arith.constant 64 : index
    %get3A_557 = tpu.vector_load %arg8[%get3A_556] {strides = array<i32>} : memref<1024xf32, #tpu.memory_space<vmem>>, vector<16xf32>,
    %add3A_558 = arith.addf %add3A_546, %get3A_557 : vector<16xf32>
    %get3A_559 = arith.constant 80 : index
    %get3A_560 = tpu.vector_load %arg8[%get3A_559] {strides = array<i32>} : memref<1024xf32, #tpu.memory_space<vmem>>, vector<16xf32>,
    %add3A_561 = arith.addf %add3A_549, %get3A_560 : vector<16xf32>
    %get3A_562 = arith.constant 96 : index
    %get3A_563 = tpu.vector_load %arg8[%get3A_562] {strides = array<i32>} : memref<1024xf32, #tpu.memory_space<vmem>>, vector<16xf32>,
    %add3A_564 = arith.addf %add3A_552, %get3A_563 : vector<16xf32>
    %get3A_565 = arith.constant 112 : index
    %get3A_566 = tpu.vector_load %arg8[%get3A_565] {strides = array<i32>} : memref<1024xf32, #tpu.memory_space<vmem>>, vector<16xf32>,
    %add3A_567 = arith.addf %add3A_555, %get3A_566 : vector<16xf32>
    %get3A_568 = arith.constant 128 : index
    %get3A_569 = tpu.vector_load %arg8[%get3A_568] {strides = array<i32>} : memref<1024xf32, #tpu.memory_space<vmem>>, vector<16xf32>,
    %add3A_570 = arith.addf %add3A_558, %get3A_569 : vector<16xf32>
    %get3A_571 = arith.constant 144 : index
    %get3A_572 = tpu.vector_load %arg8[%get3A_571] {strides = array<i32>} : memref<1024xf32, #tpu.memory_space<vmem>>, vector<16xf32>,
    %add3A_573 = arith.addf %add3A_561, %get3A_572 : vector<16xf32>
    %get3A_574 = arith.constant 160 : index
    %get3A_575 = tpu.vector_load %arg8[%get3A_574] {strides = array<i32>} : memref<1024xf32, #tpu.memory_space<vmem>>, vector<16xf32>,
    %add3A_576 = arith.addf %add3A_564, %get3A_575 : vector<16xf32>
    %get3A_577 = arith.constant 176 : index
    %get3A_578 = tpu.vector_load %arg8[%get3A_577] {strides = array<i32>} : memref<1024xf32, #tpu.memory_space<vmem>>, vector<16xf32>,
    %add3A_579 = arith.addf %add3A_567, %get3A_578 : vector<16xf32>
    %get3A_580 = arith.constant 192 : index
    %get3A_581 = tpu.vector_load %arg8[%get3A_580] {strides = array<i32>} : memref<1024xf32, #tpu.memory_space<vmem>>, vector<16xf32>,
    %add3A_582 = arith.addf %add3A_570, %get3A_581 : vector<16xf32>
    %get3A_583 = arith.constant 208 : index
    %get3A_584 = tpu.vector_load %arg8[%get3A_583] {strides = array<i32>} : memref<1024xf32, #tpu.memory_space<vmem>>, vector<16xf32>,
    %add3A_585 = arith.addf %add3A_573, %get3A_584 : vector<16xf32>
    %get3A_586 = arith.constant 224 : index
    %get3A_587 = tpu.vector_load %arg8[%get3A_586] {strides = array<i32>} : memref<1024xf32, #tpu.memory_space<vmem>>, vector<16xf32>,
    %add3A_588 = arith.addf %add3A_576, %get3A_587 : vector<16xf32>
    %get3A_589 = arith.constant 240 : index
    %get3A_590 = tpu.vector_load %arg8[%get3A_589] {strides = array<i32>} : memref<1024xf32, #tpu.memory_space<vmem>>, vector<16xf32>,
    %add3A_591 = arith.addf %add3A_579, %get3A_590 : vector<16xf32>
    %get3A_592 = arith.constant 256 : index
    %get3A_593 = tpu.vector_load %arg8[%get3A_592] {strides = array<i32>} : memref<1024xf32, #tpu.memory_space<vmem>>, vector<16xf32>,
    %add3A_594 = arith.addf %add3A_582, %get3A_593 : vector<16xf32>
    %get3A_595 = arith.constant 272 : index
    %get3A_596 = tpu.vector_load %arg8[%get3A_595] {strides = array<i32>} : memref<1024xf32, #tpu.memory_space<vmem>>, vector<16xf32>,
    %add3A_597 = arith.addf %add3A_585, %get3A_596 : vector<16xf32>
    %get3A_598 = arith.constant 288 : index
    %get3A_599 = tpu.vector_load %arg8[%get3A_598] {strides = array<i32>} : memref<1024xf32, #tpu.memory_space<vmem>>, vector<16xf32>,
    %add3A_600 = arith.addf %add3A_588, %get3A_599 : vector<16xf32>
    %get3A_601 = arith.constant 304 : index
    %get3A_602 = tpu.vector_load %arg8[%get3A_601] {strides = array<i32>} : memref<1024xf32, #tpu.memory_space<vmem>>, vector<16xf32>,
    %add3A_603 = arith.addf %add3A_591, %get3A_602 : vector<16xf32>
    %get3A_604 = arith.constant 320 : index
    %get3A_605 = tpu.vector_load %arg8[%get3A_604] {strides = array<i32>} : memref<1024xf32, #tpu.memory_space<vmem>>, vector<16xf32>,
    %add3A_606 = arith.addf %add3A_594, %get3A_605 : vector<16xf32>
    %get3A_607 = arith.constant 336 : index
    %get3A_608 = tpu.vector_load %arg8[%get3A_607] {strides = array<i32>} : memref<1024xf32, #tpu.memory_space<vmem>>, vector<16xf32>,
    %add3A_609 = arith.addf %add3A_597, %get3A_608 : vector<16xf32>
    %get3A_610 = arith.constant 352 : index
    %get3A_611 = tpu.vector_load %arg8[%get3A_610] {strides = array<i32>} : memref<1024xf32, #tpu.memory_space<vmem>>, vector<16xf32>,
    %add3A_612 = arith.addf %add3A_600, %get3A_611 : vector<16xf32>
    %get3A_613 = arith.constant 368 : index
    %get3A_614 = tpu.vector_load %arg8[%get3A_613] {strides = array<i32>} : memref<1024xf32, #tpu.memory_space<vmem>>, vector<16xf32>,
    %add3A_615 = arith.addf %add3A_603, %get3A_614 : vector<16xf32>
    %get3A_616 = arith.constant 384 : index
    %get3A_617 = tpu.vector_load %arg8[%get3A_616] {strides = array<i32>} : memref<1024xf32, #tpu.memory_space<vmem>>, vector<16xf32>,
    %add3A_618 = arith.addf %add3A_606, %get3A_617 : vector<16xf32>
    %get3A_619 = arith.constant 400 : index
    %get3A_620 = tpu.vector_load %arg8[%get3A_619] {strides = array<i32>} : memref<1024xf32, #tpu.memory_space<vmem>>, vector<16xf32>,
    %add3A_621 = arith.addf %add3A_609, %get3A_620 : vector<16xf32>
    %get3A_622 = arith.constant 416 : index
    %get3A_623 = tpu.vector_load %arg8[%get3A_622] {strides = array<i32>} : memref<1024xf32, #tpu.memory_space<vmem>>, vector<16xf32>,
    %add3A_624 = arith.addf %add3A_612, %get3A_623 : vector<16xf32>
    %get3A_625 = arith.constant 432 : index
    %get3A_626 = tpu.vector_load %arg8[%get3A_625] {strides = array<i32>} : memref<1024xf32, #tpu.memory_space<vmem>>, vector<16xf32>,
    %add3A_627 = arith.addf %add3A_615, %get3A_626 : vector<16xf32>
    %get3A_628 = arith.constant 448 : index
    %get3A_629 = tpu.vector_load %arg8[%get3A_628] {strides = array<i32>} : memref<1024xf32, #tpu.memory_space<vmem>>, vector<16xf32>,
    %add3A_630 = arith.addf %add3A_618, %get3A_629 : vector<16xf32>
    %get3A_631 = arith.constant 464 : index
    %get3A_632 = tpu.vector_load %arg8[%get3A_631] {strides = array<i32>} : memref<1024xf32, #tpu.memory_space<vmem>>, vector<16xf32>,
    %add3A_633 = arith.addf %add3A_621, %get3A_632 : vector<16xf32>
    %get3A_634 = arith.constant 480 : index
    %get3A_635 = tpu.vector_load %arg8[%get3A_634] {strides = array<i32>} : memref<1024xf32, #tpu.memory_space<vmem>>, vector<16xf32>,
    %add3A_636 = arith.addf %add3A_624, %get3A_635 : vector<16xf32>
    %get3A_637 = arith.constant 496 : index
    %get3A_638 = tpu.vector_load %arg8[%get3A_637] {strides = array<i32>} : memref<1024xf32, #tpu.memory_space<vmem>>, vector<16xf32>,
    %add3A_639 = arith.addf %add3A_627, %get3A_638 : vector<16xf32>
    %get3A_640 = arith.constant 512 : index
    %get3A_641 = tpu.vector_load %arg8[%get3A_640] {strides = array<i32>} : memref<1024xf32, #tpu.memory_space<vmem>>, vector<16xf32>,
    %add3A_642 = arith.addf %add3A_630, %get3A_641 : vector<16xf32>
    %get3A_643 = arith.constant 528 : index
    %get3A_644 = tpu.vector_load %arg8[%get3A_643] {strides = array<i32>} : memref<1024xf32, #tpu.memory_space<vmem>>, vector<16xf32>,
    %add3A_645 = arith.addf %add3A_633, %get3A_644 : vector<16xf32>
    %get3A_646 = arith.constant 544 : index
    %get3A_647 = tpu.vector_load %arg8[%get3A_646] {strides = array<i32>} : memref<1024xf32, #tpu.memory_space<vmem>>, vector<16xf32>,
    %add3A_648 = arith.addf %add3A_636, %get3A_647 : vector<16xf32>
    %get3A_649 = arith.constant 560 : index
    %get3A_650 = tpu.vector_load %arg8[%get3A_649] {strides = array<i32>} : memref<1024xf32, #tpu.memory_space<vmem>>, vector<16xf32>,
    %add3A_651 = arith.addf %add3A_639, %get3A_650 : vector<16xf32>
    %get3A_652 = arith.constant 576 : index
    %get3A_653 = tpu.vector_load %arg8[%get3A_652] {strides = array<i32>} : memref<1024xf32, #tpu.memory_space<vmem>>, vector<16xf32>,
    %add3A_654 = arith.addf %add3A_642, %get3A_653 : vector<16xf32>
    %get3A_655 = arith.constant 592 : index
    %get3A_656 = tpu.vector_load %arg8[%get3A_655] {strides = array<i32>} : memref<1024xf32, #tpu.memory_space<vmem>>, vector<16xf32>,
    %add3A_657 = arith.addf %add3A_645, %get3A_656 : vector<16xf32>
    %get3A_658 = arith.constant 608 : index
    %get3A_659 = tpu.vector_load %arg8[%get3A_658] {strides = array<i32>} : memref<1024xf32, #tpu.memory_space<vmem>>, vector<16xf32>,
    %add3A_660 = arith.addf %add3A_648, %get3A_659 : vector<16xf32>
    %get3A_661 = arith.constant 624 : index
    %get3A_662 = tpu.vector_load %arg8[%get3A_661] {strides = array<i32>} : memref<1024xf32, #tpu.memory_space<vmem>>, vector<16xf32>,
    %add3A_663 = arith.addf %add3A_651, %get3A_662 : vector<16xf32>
    %get3A_664 = arith.constant 640 : index
    %get3A_665 = tpu.vector_load %arg8[%get3A_664] {strides = array<i32>} : memref<1024xf32, #tpu.memory_space<vmem>>, vector<16xf32>,
    %add3A_666 = arith.addf %add3A_654, %get3A_665 : vector<16xf32>
    %get3A_667 = arith.constant 656 : index
    %get3A_668 = tpu.vector_load %arg8[%get3A_667] {strides = array<i32>} : memref<1024xf32, #tpu.memory_space<vmem>>, vector<16xf32>,
    %add3A_669 = arith.addf %add3A_657, %get3A_668 : vector<16xf32>
    %get3A_670 = arith.constant 672 : index
    %get3A_671 = tpu.vector_load %arg8[%get3A_670] {strides = array<i32>} : memref<1024xf32, #tpu.memory_space<vmem>>, vector<16xf32>,
    %add3A_672 = arith.addf %add3A_660, %get3A_671 : vector<16xf32>
    %get3A_673 = arith.constant 688 : index
    %get3A_674 = tpu.vector_load %arg8[%get3A_673] {strides = array<i32>} : memref<1024xf32, #tpu.memory_space<vmem>>, vector<16xf32>,
    %add3A_675 = arith.addf %add3A_663, %get3A_674 : vector<16xf32>
    %get3A_676 = arith.constant 704 : index
    %get3A_677 = tpu.vector_load %arg8[%get3A_676] {strides = array<i32>} : memref<1024xf32, #tpu.memory_space<vmem>>, vector<16xf32>,
    %add3A_678 = arith.addf %add3A_666, %get3A_677 : vector<16xf32>
    %get3A_679 = arith.constant 720 : index
    %get3A_680 = tpu.vector_load %arg8[%get3A_679] {strides = array<i32>} : memref<1024xf32, #tpu.memory_space<vmem>>, vector<16xf32>,
    %add3A_681 = arith.addf %add3A_669, %get3A_680 : vector<16xf32>
    %get3A_682 = arith.constant 736 : index
    %get3A_683 = tpu.vector_load %arg8[%get3A_682] {strides = array<i32>} : memref<1024xf32, #tpu.memory_space<vmem>>, vector<16xf32>,
    %add3A_684 = arith.addf %add3A_672, %get3A_683 : vector<16xf32>
    %get3A_685 = arith.constant 752 : index
    %get3A_686 = tpu.vector_load %arg8[%get3A_685] {strides = array<i32>} : memref<1024xf32, #tpu.memory_space<vmem>>, vector<16xf32>,
    %add3A_687 = arith.addf %add3A_675, %get3A_686 : vector<16xf32>
    %get3A_688 = arith.constant 768 : index
    %get3A_689 = tpu.vector_load %arg8[%get3A_688] {strides = array<i32>} : memref<1024xf32, #tpu.memory_space<vmem>>, vector<16xf32>,
    %add3A_690 = arith.addf %add3A_678, %get3A_689 : vector<16xf32>
    %get3A_691 = arith.constant 784 : index
    %get3A_692 = tpu.vector_load %arg8[%get3A_691] {strides = array<i32>} : memref<1024xf32, #tpu.memory_space<vmem>>, vector<16xf32>,
    %add3A_693 = arith.addf %add3A_681, %get3A_692 : vector<16xf32>
    %get3A_694 = arith.constant 800 : index
    %get3A_695 = tpu.vector_load %arg8[%get3A_694] {strides = array<i32>} : memref<1024xf32, #tpu.memory_space<vmem>>, vector<16xf32>,
    %add3A_696 = arith.addf %add3A_684, %get3A_695 : vector<16xf32>
    %get3A_697 = arith.constant 816 : index
    %get3A_698 = tpu.vector_load %arg8[%get3A_697] {strides = array<i32>} : memref<1024xf32, #tpu.memory_space<vmem>>, vector<16xf32>,
    %add3A_699 = arith.addf %add3A_687, %get3A_698 : vector<16xf32>
    %get3A_700 = arith.constant 832 : index
    %get3A_701 = tpu.vector_load %arg8[%get3A_700] {strides = array<i32>} : memref<1024xf32, #tpu.memory_space<vmem>>, vector<16xf32>,
    %add3A_702 = arith.addf %add3A_690, %get3A_701 : vector<16xf32>
    %get3A_703 = arith.constant 848 : index
    %get3A_704 = tpu.vector_load %arg8[%get3A_703] {strides = array<i32>} : memref<1024xf32, #tpu.memory_space<vmem>>, vector<16xf32>,
    %add3A_705 = arith.addf %add3A_693, %get3A_704 : vector<16xf32>
    %get3A_706 = arith.constant 864 : index
    %get3A_707 = tpu.vector_load %arg8[%get3A_706] {strides = array<i32>} : memref<1024xf32, #tpu.memory_space<vmem>>, vector<16xf32>,
    %add3A_708 = arith.addf %add3A_696, %get3A_707 : vector<16xf32>
    %get3A_709 = arith.constant 880 : index
    %get3A_710 = tpu.vector_load %arg8[%get3A_709] {strides = array<i32>} : memref<1024xf32, #tpu.memory_space<vmem>>, vector<16xf32>,
    %add3A_711 = arith.addf %add3A_699, %get3A_710 : vector<16xf32>
    %get3A_712 = arith.constant 896 : index
    %get3A_713 = tpu.vector_load %arg8[%get3A_712] {strides = array<i32>} : memref<1024xf32, #tpu.memory_space<vmem>>, vector<16xf32>,
    %add3A_714 = arith.addf %add3A_702, %get3A_713 : vector<16xf32>
    %get3A_715 = arith.constant 912 : index
    %get3A_716 = tpu.vector_load %arg8[%get3A_715] {strides = array<i32>} : memref<1024xf32, #tpu.memory_space<vmem>>, vector<16xf32>,
    %add3A_717 = arith.addf %add3A_705, %get3A_716 : vector<16xf32>
    %get3A_718 = arith.constant 928 : index
    %get3A_719 = tpu.vector_load %arg8[%get3A_718] {strides = array<i32>} : memref<1024xf32, #tpu.memory_space<vmem>>, vector<16xf32>,
    %add3A_720 = arith.addf %add3A_708, %get3A_719 : vector<16xf32>
    %get3A_721 = arith.constant 944 : index
    %get3A_722 = tpu.vector_load %arg8[%get3A_721] {strides = array<i32>} : memref<1024xf32, #tpu.memory_space<vmem>>, vector<16xf32>,
    %add3A_723 = arith.addf %add3A_711, %get3A_722 : vector<16xf32>
    %get3A_724 = arith.constant 960 : index
    %get3A_725 = tpu.vector_load %arg8[%get3A_724] {strides = array<i32>} : memref<1024xf32, #tpu.memory_space<vmem>>, vector<16xf32>,
    %add3A_726 = arith.addf %add3A_714, %get3A_725 : vector<16xf32>
    %get3A_727 = arith.constant 976 : index
    %get3A_728 = tpu.vector_load %arg8[%get3A_727] {strides = array<i32>} : memref<1024xf32, #tpu.memory_space<vmem>>, vector<16xf32>,
    %add3A_729 = arith.addf %add3A_717, %get3A_728 : vector<16xf32>
    %get3A_730 = arith.constant 992 : index
    %get3A_731 = tpu.vector_load %arg8[%get3A_730] {strides = array<i32>} : memref<1024xf32, #tpu.memory_space<vmem>>, vector<16xf32>,
    %add3A_732 = arith.addf %add3A_720, %get3A_731 : vector<16xf32>
    %get3A_733 = arith.constant 1008 : index
    %get3A_734 = tpu.vector_load %arg8[%get3A_733] {strides = array<i32>} : memref<1024xf32, #tpu.memory_space<vmem>>, vector<16xf32>,
    %add3A_735 = arith.addf %add3A_723, %get3A_734 : vector<16xf32>
    %broadcast_in_dim3A_736 = arith.constant 0.000000e+00 : f32
    %broadcast_in_dim3A_737 = vector.broadcast %broadcast_in_dim3A_736 : f32 to vector<16xf32>
    %gt3A = arith.constant 0.000000e+00 : f32
    %gt3A_738 = vector.broadcast %gt3A : f32 to vector<16xf32>
    %gt3A_739 = arith.cmpf ogt, %add3A_726, %gt3A_738 : vector<16xf32>
    %mul3A_740 = arith.constant 6.10351563E-5 : f32
    %mul3A_741 = vector.broadcast %mul3A_740 : f32 to vector<16xf32>
    %mul3A_742 = arith.mulf %add3A_726, %mul3A_741 : vector<16xf32>
    %select_n3A = arith.select %gt3A_739, %mul3A_742, %broadcast_in_dim3A_1 : vector<16xi1>, vector<16xf32>
    %div3A = arith.constant 1.000000e+00 : f32
    %div3A_743 = vector.broadcast %div3A : f32 to vector<16xf32>
    %div3A_744 = arith.divf %div3A_743, %select_n3A : vector<16xf32>
    %select_n3A_745 = arith.select %gt3A_739, %div3A_744, %broadcast_in_dim3A_3 : vector<16xi1>, vector<16xf32>
    %swap3A_746 = arith.constant 0 : index
    %swap3A_747 = tpu.vector_load %arg9[%swap3A_746] {strides = array<i32>} : memref<64xf32, #tpu.memory_space<vmem>>, vector<16xf32>,
    tpu.vector_store %arg9[%swap3A_746], %select_n3A_745 {strides = array<i32>} : memref<64xf32, #tpu.memory_space<vmem>>, vector<16xf32>,
    %mul3A_748 = arith.mulf %add3A_726, %select_n3A_745 : vector<16xf32>
    %add3A_749 = arith.addf %broadcast_in_dim3A_737, %mul3A_748 : vector<16xf32>
    %gt3A_750 = arith.constant 0.000000e+00 : f32
    %gt3A_751 = vector.broadcast %gt3A_750 : f32 to vector<16xf32>
    %gt3A_752 = arith.cmpf ogt, %add3A_729, %gt3A_751 : vector<16xf32>
    %mul3A_753 = arith.constant 6.10351563E-5 : f32
    %mul3A_754 = vector.broadcast %mul3A_753 : f32 to vector<16xf32>
    %mul3A_755 = arith.mulf %add3A_729, %mul3A_754 : vector<16xf32>
    %select_n3A_756 = arith.select %gt3A_752, %mul3A_755, %broadcast_in_dim3A_1 : vector<16xi1>, vector<16xf32>
    %div3A_757 = arith.constant 1.000000e+00 : f32
    %div3A_758 = vector.broadcast %div3A_757 : f32 to vector<16xf32>
    %div3A_759 = arith.divf %div3A_758, %select_n3A_756 : vector<16xf32>
    %select_n3A_760 = arith.select %gt3A_752, %div3A_759, %broadcast_in_dim3A_3 : vector<16xi1>, vector<16xf32>
    %swap3A_761 = arith.constant 16 : index
    %swap3A_762 = tpu.vector_load %arg9[%swap3A_761] {strides = array<i32>} : memref<64xf32, #tpu.memory_space<vmem>>, vector<16xf32>,
    tpu.vector_store %arg9[%swap3A_761], %select_n3A_760 {strides = array<i32>} : memref<64xf32, #tpu.memory_space<vmem>>, vector<16xf32>,
    %mul3A_763 = arith.mulf %add3A_729, %select_n3A_760 : vector<16xf32>
    %add3A_764 = arith.addf %add3A_749, %mul3A_763 : vector<16xf32>
    %gt3A_765 = arith.constant 0.000000e+00 : f32
    %gt3A_766 = vector.broadcast %gt3A_765 : f32 to vector<16xf32>
    %gt3A_767 = arith.cmpf ogt, %add3A_732, %gt3A_766 : vector<16xf32>
    %mul3A_768 = arith.constant 6.10351563E-5 : f32
    %mul3A_769 = vector.broadcast %mul3A_768 : f32 to vector<16xf32>
    %mul3A_770 = arith.mulf %add3A_732, %mul3A_769 : vector<16xf32>
    %select_n3A_771 = arith.select %gt3A_767, %mul3A_770, %broadcast_in_dim3A_1 : vector<16xi1>, vector<16xf32>
    %div3A_772 = arith.constant 1.000000e+00 : f32
    %div3A_773 = vector.broadcast %div3A_772 : f32 to vector<16xf32>
    %div3A_774 = arith.divf %div3A_773, %select_n3A_771 : vector<16xf32>
    %select_n3A_775 = arith.select %gt3A_767, %div3A_774, %broadcast_in_dim3A_3 : vector<16xi1>, vector<16xf32>
    %swap3A_776 = arith.constant 32 : index
    %swap3A_777 = tpu.vector_load %arg9[%swap3A_776] {strides = array<i32>} : memref<64xf32, #tpu.memory_space<vmem>>, vector<16xf32>,
    tpu.vector_store %arg9[%swap3A_776], %select_n3A_775 {strides = array<i32>} : memref<64xf32, #tpu.memory_space<vmem>>, vector<16xf32>,
    %mul3A_778 = arith.mulf %add3A_732, %select_n3A_775 : vector<16xf32>
    %add3A_779 = arith.addf %add3A_764, %mul3A_778 : vector<16xf32>
    %gt3A_780 = arith.constant 0.000000e+00 : f32
    %gt3A_781 = vector.broadcast %gt3A_780 : f32 to vector<16xf32>
    %gt3A_782 = arith.cmpf ogt, %add3A_735, %gt3A_781 : vector<16xf32>
    %mul3A_783 = arith.constant 6.10351563E-5 : f32
    %mul3A_784 = vector.broadcast %mul3A_783 : f32 to vector<16xf32>
    %mul3A_785 = arith.mulf %add3A_735, %mul3A_784 : vector<16xf32>
    %select_n3A_786 = arith.select %gt3A_782, %mul3A_785, %broadcast_in_dim3A_1 : vector<16xi1>, vector<16xf32>
    %div3A_787 = arith.constant 1.000000e+00 : f32
    %div3A_788 = vector.broadcast %div3A_787 : f32 to vector<16xf32>
    %div3A_789 = arith.divf %div3A_788, %select_n3A_786 : vector<16xf32>
    %select_n3A_790 = arith.select %gt3A_782, %div3A_789, %broadcast_in_dim3A_3 : vector<16xi1>, vector<16xf32>
    %swap3A_791 = arith.constant 48 : index
    %swap3A_792 = tpu.vector_load %arg9[%swap3A_791] {strides = array<i32>} : memref<64xf32, #tpu.memory_space<vmem>>, vector<16xf32>,
    tpu.vector_store %arg9[%swap3A_791], %select_n3A_790 {strides = array<i32>} : memref<64xf32, #tpu.memory_space<vmem>>, vector<16xf32>,
    %mul3A_793 = arith.mulf %add3A_735, %select_n3A_790 : vector<16xf32>
    %add3A_794 = arith.addf %add3A_779, %mul3A_793 : vector<16xf32>
    %swap3A_795 = arith.constant 0 : index
    %swap3A_796 = tpu.vector_load %arg15[%swap3A_795] {strides = array<i32>} : memref<16xf32, #tpu.memory_space<vmem>>, vector<16xf32>,
    tpu.vector_store %arg15[%swap3A_795], %add3A_794 {strides = array<i32>} : memref<16xf32, #tpu.memory_space<vmem>>, vector<16xf32>,
    %mul3A_797 = arith.constant 64 : i32
    %mul3A_798 = arith.muli %arg1, %mul3A_797 : i32
    "tpu.region"() ({
      %run_scoped3A = tpu.sem_alloc : memref<!tpu.dma_semaphore, #tpu.memory_space<semaphore_mem>>
      %dma_start3A_1200 = tpu.memref_slice %arg18[%mul3A_798] : memref<1024xf32, #tpu.memory_space<vmem_shared>> -> memref<64xf32, #tpu.memory_space<vmem_shared>>
      %dma_start3A_1201 = tpu.memref_slice %arg18[%mul3A_798] : memref<1024xf32, #tpu.memory_space<vmem_shared>> -> memref<64xf32, #tpu.memory_space<vmem_shared>>
      tpu.enqueue_dma source(%arg9 : memref<64xf32, #tpu.memory_space<vmem>>) target(%dma_start3A_1201 : memref<64xf32, #tpu.memory_space<vmem_shared>>) target_semaphore(%run_scoped3A : memref<!tpu.dma_semaphore, #tpu.memory_space<semaphore_mem>>)
      %dma_wait3A_1202 = tpu.memref_slice %arg18[%mul3A_798] : memref<1024xf32, #tpu.memory_space<vmem_shared>> -> memref<64xf32, #tpu.memory_space<vmem_shared>>
      %dma_wait3A_1203 = tpu.memref_slice %arg18[%mul3A_798] : memref<1024xf32, #tpu.memory_space<vmem_shared>> -> memref<64xf32, #tpu.memory_space<vmem_shared>>
      tpu.wait_dma2 semaphore(%run_scoped3A : memref<!tpu.dma_semaphore, #tpu.memory_space<semaphore_mem>>) src(%arg9 : memref<64xf32, #tpu.memory_space<vmem>>) dst(%dma_wait3A_1203 : memref<64xf32, #tpu.memory_space<vmem_shared>>)
      tpu.yield
    }) : () -> ()
    %mul3A_799 = arith.constant 16 : i32
    %mul3A_800 = arith.muli %arg1, %mul3A_799 : i32
    "tpu.region"() ({
      %run_scoped3A = tpu.sem_alloc : memref<!tpu.dma_semaphore, #tpu.memory_space<semaphore_mem>>
      %dma_start3A_1200 = tpu.memref_slice %arg19[%mul3A_800] : memref<256xf32, #tpu.memory_space<vmem_shared>> -> memref<16xf32, #tpu.memory_space<vmem_shared>>
      %dma_start3A_1201 = tpu.memref_slice %arg19[%mul3A_800] : memref<256xf32, #tpu.memory_space<vmem_shared>> -> memref<16xf32, #tpu.memory_space<vmem_shared>>
      tpu.enqueue_dma source(%arg15 : memref<16xf32, #tpu.memory_space<vmem>>) target(%dma_start3A_1201 : memref<16xf32, #tpu.memory_space<vmem_shared>>) target_semaphore(%run_scoped3A : memref<!tpu.dma_semaphore, #tpu.memory_space<semaphore_mem>>)
      %dma_wait3A_1202 = tpu.memref_slice %arg19[%mul3A_800] : memref<256xf32, #tpu.memory_space<vmem_shared>> -> memref<16xf32, #tpu.memory_space<vmem_shared>>
      %dma_wait3A_1203 = tpu.memref_slice %arg19[%mul3A_800] : memref<256xf32, #tpu.memory_space<vmem_shared>> -> memref<16xf32, #tpu.memory_space<vmem_shared>>
      tpu.wait_dma2 semaphore(%run_scoped3A : memref<!tpu.dma_semaphore, #tpu.memory_space<semaphore_mem>>) src(%arg15 : memref<16xf32, #tpu.memory_space<vmem>>) dst(%dma_wait3A_1203 : memref<16xf32, #tpu.memory_space<vmem_shared>>)
      tpu.yield
    }) : () -> ()
    %barrier3A_801 = arith.constant 0 : index
    tpu.barrier barrier_id(%barrier3A_801)
    tpu.enqueue_dma source(%arg18 : memref<1024xf32, #tpu.memory_space<vmem_shared>>) target(%arg10 : memref<1024xf32, #tpu.memory_space<vmem>>) target_semaphore(%arg20 : memref<!tpu.dma_semaphore, #tpu.memory_space<semaphore_mem>>)
    tpu.enqueue_dma source(%arg19 : memref<256xf32, #tpu.memory_space<vmem_shared>>) target(%arg16 : memref<256xf32, #tpu.memory_space<vmem>>) target_semaphore(%arg22 : memref<!tpu.dma_semaphore, #tpu.memory_space<semaphore_mem>>)
    tpu.wait_dma2 semaphore(%arg20 : memref<!tpu.dma_semaphore, #tpu.memory_space<semaphore_mem>>) src(%arg18 : memref<1024xf32, #tpu.memory_space<vmem_shared>>) dst(%arg10 : memref<1024xf32, #tpu.memory_space<vmem>>)
    tpu.wait_dma2 semaphore(%arg22 : memref<!tpu.dma_semaphore, #tpu.memory_space<semaphore_mem>>) src(%arg19 : memref<256xf32, #tpu.memory_space<vmem_shared>>) dst(%arg16 : memref<256xf32, #tpu.memory_space<vmem>>)
    %broadcast_in_dim3A_802 = arith.constant 0.000000e+00 : f32
    %broadcast_in_dim3A_803 = vector.broadcast %broadcast_in_dim3A_802 : f32 to vector<16xf32>
    %get3A_804 = arith.constant 0 : index
    %get3A_805 = tpu.vector_load %arg16[%get3A_804] {strides = array<i32>} : memref<256xf32, #tpu.memory_space<vmem>>, vector<16xf32>,
    %add3A_806 = arith.addf %broadcast_in_dim3A_803, %get3A_805 : vector<16xf32>
    %get3A_807 = arith.constant 16 : index
    %get3A_808 = tpu.vector_load %arg16[%get3A_807] {strides = array<i32>} : memref<256xf32, #tpu.memory_space<vmem>>, vector<16xf32>,
    %add3A_809 = arith.addf %add3A_806, %get3A_808 : vector<16xf32>
    %get3A_810 = arith.constant 32 : index
    %get3A_811 = tpu.vector_load %arg16[%get3A_810] {strides = array<i32>} : memref<256xf32, #tpu.memory_space<vmem>>, vector<16xf32>,
    %add3A_812 = arith.addf %add3A_809, %get3A_811 : vector<16xf32>
    %get3A_813 = arith.constant 48 : index
    %get3A_814 = tpu.vector_load %arg16[%get3A_813] {strides = array<i32>} : memref<256xf32, #tpu.memory_space<vmem>>, vector<16xf32>,
    %add3A_815 = arith.addf %add3A_812, %get3A_814 : vector<16xf32>
    %get3A_816 = arith.constant 64 : index
    %get3A_817 = tpu.vector_load %arg16[%get3A_816] {strides = array<i32>} : memref<256xf32, #tpu.memory_space<vmem>>, vector<16xf32>,
    %add3A_818 = arith.addf %add3A_815, %get3A_817 : vector<16xf32>
    %get3A_819 = arith.constant 80 : index
    %get3A_820 = tpu.vector_load %arg16[%get3A_819] {strides = array<i32>} : memref<256xf32, #tpu.memory_space<vmem>>, vector<16xf32>,
    %add3A_821 = arith.addf %add3A_818, %get3A_820 : vector<16xf32>
    %get3A_822 = arith.constant 96 : index
    %get3A_823 = tpu.vector_load %arg16[%get3A_822] {strides = array<i32>} : memref<256xf32, #tpu.memory_space<vmem>>, vector<16xf32>,
    %add3A_824 = arith.addf %add3A_821, %get3A_823 : vector<16xf32>
    %get3A_825 = arith.constant 112 : index
    %get3A_826 = tpu.vector_load %arg16[%get3A_825] {strides = array<i32>} : memref<256xf32, #tpu.memory_space<vmem>>, vector<16xf32>,
    %add3A_827 = arith.addf %add3A_824, %get3A_826 : vector<16xf32>
    %get3A_828 = arith.constant 128 : index
    %get3A_829 = tpu.vector_load %arg16[%get3A_828] {strides = array<i32>} : memref<256xf32, #tpu.memory_space<vmem>>, vector<16xf32>,
    %add3A_830 = arith.addf %add3A_827, %get3A_829 : vector<16xf32>
    %get3A_831 = arith.constant 144 : index
    %get3A_832 = tpu.vector_load %arg16[%get3A_831] {strides = array<i32>} : memref<256xf32, #tpu.memory_space<vmem>>, vector<16xf32>,
    %add3A_833 = arith.addf %add3A_830, %get3A_832 : vector<16xf32>
    %get3A_834 = arith.constant 160 : index
    %get3A_835 = tpu.vector_load %arg16[%get3A_834] {strides = array<i32>} : memref<256xf32, #tpu.memory_space<vmem>>, vector<16xf32>,
    %add3A_836 = arith.addf %add3A_833, %get3A_835 : vector<16xf32>
    %get3A_837 = arith.constant 176 : index
    %get3A_838 = tpu.vector_load %arg16[%get3A_837] {strides = array<i32>} : memref<256xf32, #tpu.memory_space<vmem>>, vector<16xf32>,
    %add3A_839 = arith.addf %add3A_836, %get3A_838 : vector<16xf32>
    %get3A_840 = arith.constant 192 : index
    %get3A_841 = tpu.vector_load %arg16[%get3A_840] {strides = array<i32>} : memref<256xf32, #tpu.memory_space<vmem>>, vector<16xf32>,
    %add3A_842 = arith.addf %add3A_839, %get3A_841 : vector<16xf32>
    %get3A_843 = arith.constant 208 : index
    %get3A_844 = tpu.vector_load %arg16[%get3A_843] {strides = array<i32>} : memref<256xf32, #tpu.memory_space<vmem>>, vector<16xf32>,
    %add3A_845 = arith.addf %add3A_842, %get3A_844 : vector<16xf32>
    %get3A_846 = arith.constant 224 : index
    %get3A_847 = tpu.vector_load %arg16[%get3A_846] {strides = array<i32>} : memref<256xf32, #tpu.memory_space<vmem>>, vector<16xf32>,
    %add3A_848 = arith.addf %add3A_845, %get3A_847 : vector<16xf32>
    %get3A_849 = arith.constant 240 : index
    %get3A_850 = tpu.vector_load %arg16[%get3A_849] {strides = array<i32>} : memref<256xf32, #tpu.memory_space<vmem>>, vector<16xf32>,
    %add3A_851 = arith.addf %add3A_848, %get3A_850 : vector<16xf32>
    %reduce_sum3A = arith.constant true
    %reduce_sum3A_852 = vector.broadcast %reduce_sum3A : i1 to vector<16xi1>
    %reduce_sum3A_853 = tpu.scan <sum>, %add3A_851 masked %reduce_sum3A_852 : vector<16xf32>, vector<16xi1> -> vector<16xf32>
    %reduce_sum3A_854 = vector.extract %reduce_sum3A_853[15] : f32 from vector<16xf32>
    %broadcast_in_dim3A_855 = vector.broadcast %reduce_sum3A_854 : f32 to vector<16xf32>
    %mul3A_856 = arith.constant 6.10351563E-5 : f32
    %mul3A_857 = vector.broadcast %mul3A_856 : f32 to vector<16xf32>
    %mul3A_858 = arith.mulf %broadcast_in_dim3A_855, %mul3A_857 : vector<16xf32>
    %div3A_859 = arith.divf %broadcast_in_dim3A_1, %mul3A_858 : vector<16xf32>
    %dma_wait3A_860 = tpu.memref_slice %arg3[%mul3A_11] : memref<16384xi32, #tpu.memory_space<hbm>> -> memref<512xi32, #tpu.memory_space<hbm>>
    %dma_wait3A_861 = tpu.memref_slice %arg3[%mul3A_11] : memref<16384xi32, #tpu.memory_space<hbm>> -> memref<512xi32, #tpu.memory_space<hbm>>
    tpu.wait_dma2 semaphore(%arg21 : memref<!tpu.dma_semaphore, #tpu.memory_space<semaphore_mem>>) src(%dma_wait3A_861 : memref<512xi32, #tpu.memory_space<hbm>>) dst(%arg11 : memref<512xi32, #tpu.memory_space<vmem>>)
    %dma_wait3A_862 = tpu.memref_slice %arg2[%mul3A_15] : memref<16384xf32, #tpu.memory_space<hbm>> -> memref<512xf32, #tpu.memory_space<hbm>>
    %dma_wait3A_863 = tpu.memref_slice %arg2[%mul3A_15] : memref<16384xf32, #tpu.memory_space<hbm>> -> memref<512xf32, #tpu.memory_space<hbm>>
    tpu.wait_dma2 semaphore(%arg21 : memref<!tpu.dma_semaphore, #tpu.memory_space<semaphore_mem>>) src(%dma_wait3A_863 : memref<512xf32, #tpu.memory_space<hbm>>) dst(%arg12 : memref<512xf32, #tpu.memory_space<vmem>>)
    %dma_wait3A_864 = arith.constant 0 : i32
    %dma_wait3A_865 = tpu.memref_slice %arg14[%dma_wait3A_864] : memref<16xi32, #tpu.memory_space<vmem>> -> memref<1xi32, #tpu.memory_space<vmem>>
    %dma_wait3A_866 = arith.constant 0 : i32
    %dma_wait3A_867 = tpu.memref_slice %arg14[%dma_wait3A_866] : memref<16xi32, #tpu.memory_space<vmem>> -> memref<1xi32, #tpu.memory_space<vmem>>
    tpu.wait_dma2 semaphore(%arg21 : memref<!tpu.dma_semaphore, #tpu.memory_space<semaphore_mem>>) src(%arg4 : memref<1xi32, #tpu.memory_space<hbm>>) dst(%dma_wait3A_867 : memref<1xi32, #tpu.memory_space<vmem>>)
    %get3A_868 = arith.constant 0 : index
    %get3A_869 = tpu.vector_load %arg14[%get3A_868] {strides = array<i32>} : memref<16xi32, #tpu.memory_space<vmem>>, vector<16xi32>,
    %reduce_sum3A_870 = arith.constant true
    %reduce_sum3A_871 = vector.broadcast %reduce_sum3A_870 : i1 to vector<16xi1>
    %reduce_sum3A_872 = tpu.scan <sum>, %get3A_869 masked %reduce_sum3A_871 : vector<16xi32>, vector<16xi1> -> vector<16xi32>
    %reduce_sum3A_873 = vector.extract %reduce_sum3A_872[15] : i32 from vector<16xi32>
    %broadcast_in_dim3A_874 = vector.broadcast %reduce_sum3A_873 : i32 to vector<16xi32>
    %eq3A = arith.constant 0 : i32
    %eq3A_875 = vector.broadcast %eq3A : i32 to vector<16xi32>
    %eq3A_876 = arith.cmpi eq, %broadcast_in_dim3A_874, %eq3A_875 : vector<16xi32>
    %broadcast_in_dim3A_877 = arith.constant 1.000000e-03 : f32
    %broadcast_in_dim3A_878 = vector.broadcast %broadcast_in_dim3A_877 : f32 to vector<16xf32>
    %get3A_879 = arith.constant 0 : index
    %get3A_880 = tpu.vector_load %arg11[%get3A_879] {strides = array<i32>} : memref<512xi32, #tpu.memory_space<vmem>>, vector<16xi32>,
    %gather3A = tpu.vector_load_idx %arg10[%get3A_880] : memref<1024xf32, #tpu.memory_space<vmem>>[vector<16xi32>], vector<16xf32>,
    %mul3A_881 = arith.mulf %gather3A, %div3A_859 : vector<16xf32>
    %select_n3A_882 = arith.select %eq3A_876, %mul3A_881, %broadcast_in_dim3A_878 : vector<16xi1>, vector<16xf32>
    %get3A_883 = arith.constant 0 : index
    %get3A_884 = tpu.vector_load %arg12[%get3A_883] {strides = array<i32>} : memref<512xf32, #tpu.memory_space<vmem>>, vector<16xf32>,
    %mul3A_885 = arith.mulf %get3A_884, %select_n3A_882 : vector<16xf32>
    %swap3A_886 = arith.constant 0 : index
    %swap3A_887 = tpu.vector_load %arg13[%swap3A_886] {strides = array<i32>} : memref<512xf32, #tpu.memory_space<vmem>>, vector<16xf32>,
    tpu.vector_store %arg13[%swap3A_886], %mul3A_885 {strides = array<i32>} : memref<512xf32, #tpu.memory_space<vmem>>, vector<16xf32>,
    %get3A_888 = arith.constant 16 : index
    %get3A_889 = tpu.vector_load %arg11[%get3A_888] {strides = array<i32>} : memref<512xi32, #tpu.memory_space<vmem>>, vector<16xi32>,
    %gather3A_890 = tpu.vector_load_idx %arg10[%get3A_889] : memref<1024xf32, #tpu.memory_space<vmem>>[vector<16xi32>], vector<16xf32>,
    %mul3A_891 = arith.mulf %gather3A_890, %div3A_859 : vector<16xf32>
    %select_n3A_892 = arith.select %eq3A_876, %mul3A_891, %broadcast_in_dim3A_878 : vector<16xi1>, vector<16xf32>
    %get3A_893 = arith.constant 16 : index
    %get3A_894 = tpu.vector_load %arg12[%get3A_893] {strides = array<i32>} : memref<512xf32, #tpu.memory_space<vmem>>, vector<16xf32>,
    %mul3A_895 = arith.mulf %get3A_894, %select_n3A_892 : vector<16xf32>
    %swap3A_896 = arith.constant 16 : index
    %swap3A_897 = tpu.vector_load %arg13[%swap3A_896] {strides = array<i32>} : memref<512xf32, #tpu.memory_space<vmem>>, vector<16xf32>,
    tpu.vector_store %arg13[%swap3A_896], %mul3A_895 {strides = array<i32>} : memref<512xf32, #tpu.memory_space<vmem>>, vector<16xf32>,
    %get3A_898 = arith.constant 32 : index
    %get3A_899 = tpu.vector_load %arg11[%get3A_898] {strides = array<i32>} : memref<512xi32, #tpu.memory_space<vmem>>, vector<16xi32>,
    %gather3A_900 = tpu.vector_load_idx %arg10[%get3A_899] : memref<1024xf32, #tpu.memory_space<vmem>>[vector<16xi32>], vector<16xf32>,
    %mul3A_901 = arith.mulf %gather3A_900, %div3A_859 : vector<16xf32>
    %select_n3A_902 = arith.select %eq3A_876, %mul3A_901, %broadcast_in_dim3A_878 : vector<16xi1>, vector<16xf32>
    %get3A_903 = arith.constant 32 : index
    %get3A_904 = tpu.vector_load %arg12[%get3A_903] {strides = array<i32>} : memref<512xf32, #tpu.memory_space<vmem>>, vector<16xf32>,
    %mul3A_905 = arith.mulf %get3A_904, %select_n3A_902 : vector<16xf32>
    %swap3A_906 = arith.constant 32 : index
    %swap3A_907 = tpu.vector_load %arg13[%swap3A_906] {strides = array<i32>} : memref<512xf32, #tpu.memory_space<vmem>>, vector<16xf32>,
    tpu.vector_store %arg13[%swap3A_906], %mul3A_905 {strides = array<i32>} : memref<512xf32, #tpu.memory_space<vmem>>, vector<16xf32>,
    %get3A_908 = arith.constant 48 : index
    %get3A_909 = tpu.vector_load %arg11[%get3A_908] {strides = array<i32>} : memref<512xi32, #tpu.memory_space<vmem>>, vector<16xi32>,
    %gather3A_910 = tpu.vector_load_idx %arg10[%get3A_909] : memref<1024xf32, #tpu.memory_space<vmem>>[vector<16xi32>], vector<16xf32>,
    %mul3A_911 = arith.mulf %gather3A_910, %div3A_859 : vector<16xf32>
    %select_n3A_912 = arith.select %eq3A_876, %mul3A_911, %broadcast_in_dim3A_878 : vector<16xi1>, vector<16xf32>
    %get3A_913 = arith.constant 48 : index
    %get3A_914 = tpu.vector_load %arg12[%get3A_913] {strides = array<i32>} : memref<512xf32, #tpu.memory_space<vmem>>, vector<16xf32>,
    %mul3A_915 = arith.mulf %get3A_914, %select_n3A_912 : vector<16xf32>
    %swap3A_916 = arith.constant 48 : index
    %swap3A_917 = tpu.vector_load %arg13[%swap3A_916] {strides = array<i32>} : memref<512xf32, #tpu.memory_space<vmem>>, vector<16xf32>,
    tpu.vector_store %arg13[%swap3A_916], %mul3A_915 {strides = array<i32>} : memref<512xf32, #tpu.memory_space<vmem>>, vector<16xf32>,
    %get3A_918 = arith.constant 64 : index
    %get3A_919 = tpu.vector_load %arg11[%get3A_918] {strides = array<i32>} : memref<512xi32, #tpu.memory_space<vmem>>, vector<16xi32>,
    %gather3A_920 = tpu.vector_load_idx %arg10[%get3A_919] : memref<1024xf32, #tpu.memory_space<vmem>>[vector<16xi32>], vector<16xf32>,
    %mul3A_921 = arith.mulf %gather3A_920, %div3A_859 : vector<16xf32>
    %select_n3A_922 = arith.select %eq3A_876, %mul3A_921, %broadcast_in_dim3A_878 : vector<16xi1>, vector<16xf32>
    %get3A_923 = arith.constant 64 : index
    %get3A_924 = tpu.vector_load %arg12[%get3A_923] {strides = array<i32>} : memref<512xf32, #tpu.memory_space<vmem>>, vector<16xf32>,
    %mul3A_925 = arith.mulf %get3A_924, %select_n3A_922 : vector<16xf32>
    %swap3A_926 = arith.constant 64 : index
    %swap3A_927 = tpu.vector_load %arg13[%swap3A_926] {strides = array<i32>} : memref<512xf32, #tpu.memory_space<vmem>>, vector<16xf32>,
    tpu.vector_store %arg13[%swap3A_926], %mul3A_925 {strides = array<i32>} : memref<512xf32, #tpu.memory_space<vmem>>, vector<16xf32>,
    %get3A_928 = arith.constant 80 : index
    %get3A_929 = tpu.vector_load %arg11[%get3A_928] {strides = array<i32>} : memref<512xi32, #tpu.memory_space<vmem>>, vector<16xi32>,
    %gather3A_930 = tpu.vector_load_idx %arg10[%get3A_929] : memref<1024xf32, #tpu.memory_space<vmem>>[vector<16xi32>], vector<16xf32>,
    %mul3A_931 = arith.mulf %gather3A_930, %div3A_859 : vector<16xf32>
    %select_n3A_932 = arith.select %eq3A_876, %mul3A_931, %broadcast_in_dim3A_878 : vector<16xi1>, vector<16xf32>
    %get3A_933 = arith.constant 80 : index
    %get3A_934 = tpu.vector_load %arg12[%get3A_933] {strides = array<i32>} : memref<512xf32, #tpu.memory_space<vmem>>, vector<16xf32>,
    %mul3A_935 = arith.mulf %get3A_934, %select_n3A_932 : vector<16xf32>
    %swap3A_936 = arith.constant 80 : index
    %swap3A_937 = tpu.vector_load %arg13[%swap3A_936] {strides = array<i32>} : memref<512xf32, #tpu.memory_space<vmem>>, vector<16xf32>,
    tpu.vector_store %arg13[%swap3A_936], %mul3A_935 {strides = array<i32>} : memref<512xf32, #tpu.memory_space<vmem>>, vector<16xf32>,
    %get3A_938 = arith.constant 96 : index
    %get3A_939 = tpu.vector_load %arg11[%get3A_938] {strides = array<i32>} : memref<512xi32, #tpu.memory_space<vmem>>, vector<16xi32>,
    %gather3A_940 = tpu.vector_load_idx %arg10[%get3A_939] : memref<1024xf32, #tpu.memory_space<vmem>>[vector<16xi32>], vector<16xf32>,
    %mul3A_941 = arith.mulf %gather3A_940, %div3A_859 : vector<16xf32>
    %select_n3A_942 = arith.select %eq3A_876, %mul3A_941, %broadcast_in_dim3A_878 : vector<16xi1>, vector<16xf32>
    %get3A_943 = arith.constant 96 : index
    %get3A_944 = tpu.vector_load %arg12[%get3A_943] {strides = array<i32>} : memref<512xf32, #tpu.memory_space<vmem>>, vector<16xf32>,
    %mul3A_945 = arith.mulf %get3A_944, %select_n3A_942 : vector<16xf32>
    %swap3A_946 = arith.constant 96 : index
    %swap3A_947 = tpu.vector_load %arg13[%swap3A_946] {strides = array<i32>} : memref<512xf32, #tpu.memory_space<vmem>>, vector<16xf32>,
    tpu.vector_store %arg13[%swap3A_946], %mul3A_945 {strides = array<i32>} : memref<512xf32, #tpu.memory_space<vmem>>, vector<16xf32>,
    %get3A_948 = arith.constant 112 : index
    %get3A_949 = tpu.vector_load %arg11[%get3A_948] {strides = array<i32>} : memref<512xi32, #tpu.memory_space<vmem>>, vector<16xi32>,
    %gather3A_950 = tpu.vector_load_idx %arg10[%get3A_949] : memref<1024xf32, #tpu.memory_space<vmem>>[vector<16xi32>], vector<16xf32>,
    %mul3A_951 = arith.mulf %gather3A_950, %div3A_859 : vector<16xf32>
    %select_n3A_952 = arith.select %eq3A_876, %mul3A_951, %broadcast_in_dim3A_878 : vector<16xi1>, vector<16xf32>
    %get3A_953 = arith.constant 112 : index
    %get3A_954 = tpu.vector_load %arg12[%get3A_953] {strides = array<i32>} : memref<512xf32, #tpu.memory_space<vmem>>, vector<16xf32>,
    %mul3A_955 = arith.mulf %get3A_954, %select_n3A_952 : vector<16xf32>
    %swap3A_956 = arith.constant 112 : index
    %swap3A_957 = tpu.vector_load %arg13[%swap3A_956] {strides = array<i32>} : memref<512xf32, #tpu.memory_space<vmem>>, vector<16xf32>,
    tpu.vector_store %arg13[%swap3A_956], %mul3A_955 {strides = array<i32>} : memref<512xf32, #tpu.memory_space<vmem>>, vector<16xf32>,
    %get3A_958 = arith.constant 128 : index
    %get3A_959 = tpu.vector_load %arg11[%get3A_958] {strides = array<i32>} : memref<512xi32, #tpu.memory_space<vmem>>, vector<16xi32>,
    %gather3A_960 = tpu.vector_load_idx %arg10[%get3A_959] : memref<1024xf32, #tpu.memory_space<vmem>>[vector<16xi32>], vector<16xf32>,
    %mul3A_961 = arith.mulf %gather3A_960, %div3A_859 : vector<16xf32>
    %select_n3A_962 = arith.select %eq3A_876, %mul3A_961, %broadcast_in_dim3A_878 : vector<16xi1>, vector<16xf32>
    %get3A_963 = arith.constant 128 : index
    %get3A_964 = tpu.vector_load %arg12[%get3A_963] {strides = array<i32>} : memref<512xf32, #tpu.memory_space<vmem>>, vector<16xf32>,
    %mul3A_965 = arith.mulf %get3A_964, %select_n3A_962 : vector<16xf32>
    %swap3A_966 = arith.constant 128 : index
    %swap3A_967 = tpu.vector_load %arg13[%swap3A_966] {strides = array<i32>} : memref<512xf32, #tpu.memory_space<vmem>>, vector<16xf32>,
    tpu.vector_store %arg13[%swap3A_966], %mul3A_965 {strides = array<i32>} : memref<512xf32, #tpu.memory_space<vmem>>, vector<16xf32>,
    %get3A_968 = arith.constant 144 : index
    %get3A_969 = tpu.vector_load %arg11[%get3A_968] {strides = array<i32>} : memref<512xi32, #tpu.memory_space<vmem>>, vector<16xi32>,
    %gather3A_970 = tpu.vector_load_idx %arg10[%get3A_969] : memref<1024xf32, #tpu.memory_space<vmem>>[vector<16xi32>], vector<16xf32>,
    %mul3A_971 = arith.mulf %gather3A_970, %div3A_859 : vector<16xf32>
    %select_n3A_972 = arith.select %eq3A_876, %mul3A_971, %broadcast_in_dim3A_878 : vector<16xi1>, vector<16xf32>
    %get3A_973 = arith.constant 144 : index
    %get3A_974 = tpu.vector_load %arg12[%get3A_973] {strides = array<i32>} : memref<512xf32, #tpu.memory_space<vmem>>, vector<16xf32>,
    %mul3A_975 = arith.mulf %get3A_974, %select_n3A_972 : vector<16xf32>
    %swap3A_976 = arith.constant 144 : index
    %swap3A_977 = tpu.vector_load %arg13[%swap3A_976] {strides = array<i32>} : memref<512xf32, #tpu.memory_space<vmem>>, vector<16xf32>,
    tpu.vector_store %arg13[%swap3A_976], %mul3A_975 {strides = array<i32>} : memref<512xf32, #tpu.memory_space<vmem>>, vector<16xf32>,
    %get3A_978 = arith.constant 160 : index
    %get3A_979 = tpu.vector_load %arg11[%get3A_978] {strides = array<i32>} : memref<512xi32, #tpu.memory_space<vmem>>, vector<16xi32>,
    %gather3A_980 = tpu.vector_load_idx %arg10[%get3A_979] : memref<1024xf32, #tpu.memory_space<vmem>>[vector<16xi32>], vector<16xf32>,
    %mul3A_981 = arith.mulf %gather3A_980, %div3A_859 : vector<16xf32>
    %select_n3A_982 = arith.select %eq3A_876, %mul3A_981, %broadcast_in_dim3A_878 : vector<16xi1>, vector<16xf32>
    %get3A_983 = arith.constant 160 : index
    %get3A_984 = tpu.vector_load %arg12[%get3A_983] {strides = array<i32>} : memref<512xf32, #tpu.memory_space<vmem>>, vector<16xf32>,
    %mul3A_985 = arith.mulf %get3A_984, %select_n3A_982 : vector<16xf32>
    %swap3A_986 = arith.constant 160 : index
    %swap3A_987 = tpu.vector_load %arg13[%swap3A_986] {strides = array<i32>} : memref<512xf32, #tpu.memory_space<vmem>>, vector<16xf32>,
    tpu.vector_store %arg13[%swap3A_986], %mul3A_985 {strides = array<i32>} : memref<512xf32, #tpu.memory_space<vmem>>, vector<16xf32>,
    %get3A_988 = arith.constant 176 : index
    %get3A_989 = tpu.vector_load %arg11[%get3A_988] {strides = array<i32>} : memref<512xi32, #tpu.memory_space<vmem>>, vector<16xi32>,
    %gather3A_990 = tpu.vector_load_idx %arg10[%get3A_989] : memref<1024xf32, #tpu.memory_space<vmem>>[vector<16xi32>], vector<16xf32>,
    %mul3A_991 = arith.mulf %gather3A_990, %div3A_859 : vector<16xf32>
    %select_n3A_992 = arith.select %eq3A_876, %mul3A_991, %broadcast_in_dim3A_878 : vector<16xi1>, vector<16xf32>
    %get3A_993 = arith.constant 176 : index
    %get3A_994 = tpu.vector_load %arg12[%get3A_993] {strides = array<i32>} : memref<512xf32, #tpu.memory_space<vmem>>, vector<16xf32>,
    %mul3A_995 = arith.mulf %get3A_994, %select_n3A_992 : vector<16xf32>
    %swap3A_996 = arith.constant 176 : index
    %swap3A_997 = tpu.vector_load %arg13[%swap3A_996] {strides = array<i32>} : memref<512xf32, #tpu.memory_space<vmem>>, vector<16xf32>,
    tpu.vector_store %arg13[%swap3A_996], %mul3A_995 {strides = array<i32>} : memref<512xf32, #tpu.memory_space<vmem>>, vector<16xf32>,
    %get3A_998 = arith.constant 192 : index
    %get3A_999 = tpu.vector_load %arg11[%get3A_998] {strides = array<i32>} : memref<512xi32, #tpu.memory_space<vmem>>, vector<16xi32>,
    %gather3A_1000 = tpu.vector_load_idx %arg10[%get3A_999] : memref<1024xf32, #tpu.memory_space<vmem>>[vector<16xi32>], vector<16xf32>,
    %mul3A_1001 = arith.mulf %gather3A_1000, %div3A_859 : vector<16xf32>
    %select_n3A_1002 = arith.select %eq3A_876, %mul3A_1001, %broadcast_in_dim3A_878 : vector<16xi1>, vector<16xf32>
    %get3A_1003 = arith.constant 192 : index
    %get3A_1004 = tpu.vector_load %arg12[%get3A_1003] {strides = array<i32>} : memref<512xf32, #tpu.memory_space<vmem>>, vector<16xf32>,
    %mul3A_1005 = arith.mulf %get3A_1004, %select_n3A_1002 : vector<16xf32>
    %swap3A_1006 = arith.constant 192 : index
    %swap3A_1007 = tpu.vector_load %arg13[%swap3A_1006] {strides = array<i32>} : memref<512xf32, #tpu.memory_space<vmem>>, vector<16xf32>,
    tpu.vector_store %arg13[%swap3A_1006], %mul3A_1005 {strides = array<i32>} : memref<512xf32, #tpu.memory_space<vmem>>, vector<16xf32>,
    %get3A_1008 = arith.constant 208 : index
    %get3A_1009 = tpu.vector_load %arg11[%get3A_1008] {strides = array<i32>} : memref<512xi32, #tpu.memory_space<vmem>>, vector<16xi32>,
    %gather3A_1010 = tpu.vector_load_idx %arg10[%get3A_1009] : memref<1024xf32, #tpu.memory_space<vmem>>[vector<16xi32>], vector<16xf32>,
    %mul3A_1011 = arith.mulf %gather3A_1010, %div3A_859 : vector<16xf32>
    %select_n3A_1012 = arith.select %eq3A_876, %mul3A_1011, %broadcast_in_dim3A_878 : vector<16xi1>, vector<16xf32>
    %get3A_1013 = arith.constant 208 : index
    %get3A_1014 = tpu.vector_load %arg12[%get3A_1013] {strides = array<i32>} : memref<512xf32, #tpu.memory_space<vmem>>, vector<16xf32>,
    %mul3A_1015 = arith.mulf %get3A_1014, %select_n3A_1012 : vector<16xf32>
    %swap3A_1016 = arith.constant 208 : index
    %swap3A_1017 = tpu.vector_load %arg13[%swap3A_1016] {strides = array<i32>} : memref<512xf32, #tpu.memory_space<vmem>>, vector<16xf32>,
    tpu.vector_store %arg13[%swap3A_1016], %mul3A_1015 {strides = array<i32>} : memref<512xf32, #tpu.memory_space<vmem>>, vector<16xf32>,
    %get3A_1018 = arith.constant 224 : index
    %get3A_1019 = tpu.vector_load %arg11[%get3A_1018] {strides = array<i32>} : memref<512xi32, #tpu.memory_space<vmem>>, vector<16xi32>,
    %gather3A_1020 = tpu.vector_load_idx %arg10[%get3A_1019] : memref<1024xf32, #tpu.memory_space<vmem>>[vector<16xi32>], vector<16xf32>,
    %mul3A_1021 = arith.mulf %gather3A_1020, %div3A_859 : vector<16xf32>
    %select_n3A_1022 = arith.select %eq3A_876, %mul3A_1021, %broadcast_in_dim3A_878 : vector<16xi1>, vector<16xf32>
    %get3A_1023 = arith.constant 224 : index
    %get3A_1024 = tpu.vector_load %arg12[%get3A_1023] {strides = array<i32>} : memref<512xf32, #tpu.memory_space<vmem>>, vector<16xf32>,
    %mul3A_1025 = arith.mulf %get3A_1024, %select_n3A_1022 : vector<16xf32>
    %swap3A_1026 = arith.constant 224 : index
    %swap3A_1027 = tpu.vector_load %arg13[%swap3A_1026] {strides = array<i32>} : memref<512xf32, #tpu.memory_space<vmem>>, vector<16xf32>,
    tpu.vector_store %arg13[%swap3A_1026], %mul3A_1025 {strides = array<i32>} : memref<512xf32, #tpu.memory_space<vmem>>, vector<16xf32>,
    %get3A_1028 = arith.constant 240 : index
    %get3A_1029 = tpu.vector_load %arg11[%get3A_1028] {strides = array<i32>} : memref<512xi32, #tpu.memory_space<vmem>>, vector<16xi32>,
    %gather3A_1030 = tpu.vector_load_idx %arg10[%get3A_1029] : memref<1024xf32, #tpu.memory_space<vmem>>[vector<16xi32>], vector<16xf32>,
    %mul3A_1031 = arith.mulf %gather3A_1030, %div3A_859 : vector<16xf32>
    %select_n3A_1032 = arith.select %eq3A_876, %mul3A_1031, %broadcast_in_dim3A_878 : vector<16xi1>, vector<16xf32>
    %get3A_1033 = arith.constant 240 : index
    %get3A_1034 = tpu.vector_load %arg12[%get3A_1033] {strides = array<i32>} : memref<512xf32, #tpu.memory_space<vmem>>, vector<16xf32>,
    %mul3A_1035 = arith.mulf %get3A_1034, %select_n3A_1032 : vector<16xf32>
    %swap3A_1036 = arith.constant 240 : index
    %swap3A_1037 = tpu.vector_load %arg13[%swap3A_1036] {strides = array<i32>} : memref<512xf32, #tpu.memory_space<vmem>>, vector<16xf32>,
    tpu.vector_store %arg13[%swap3A_1036], %mul3A_1035 {strides = array<i32>} : memref<512xf32, #tpu.memory_space<vmem>>, vector<16xf32>,
    %get3A_1038 = arith.constant 256 : index
    %get3A_1039 = tpu.vector_load %arg11[%get3A_1038] {strides = array<i32>} : memref<512xi32, #tpu.memory_space<vmem>>, vector<16xi32>,
    %gather3A_1040 = tpu.vector_load_idx %arg10[%get3A_1039] : memref<1024xf32, #tpu.memory_space<vmem>>[vector<16xi32>], vector<16xf32>,
    %mul3A_1041 = arith.mulf %gather3A_1040, %div3A_859 : vector<16xf32>
    %select_n3A_1042 = arith.select %eq3A_876, %mul3A_1041, %broadcast_in_dim3A_878 : vector<16xi1>, vector<16xf32>
    %get3A_1043 = arith.constant 256 : index
    %get3A_1044 = tpu.vector_load %arg12[%get3A_1043] {strides = array<i32>} : memref<512xf32, #tpu.memory_space<vmem>>, vector<16xf32>,
    %mul3A_1045 = arith.mulf %get3A_1044, %select_n3A_1042 : vector<16xf32>
    %swap3A_1046 = arith.constant 256 : index
    %swap3A_1047 = tpu.vector_load %arg13[%swap3A_1046] {strides = array<i32>} : memref<512xf32, #tpu.memory_space<vmem>>, vector<16xf32>,
    tpu.vector_store %arg13[%swap3A_1046], %mul3A_1045 {strides = array<i32>} : memref<512xf32, #tpu.memory_space<vmem>>, vector<16xf32>,
    %get3A_1048 = arith.constant 272 : index
    %get3A_1049 = tpu.vector_load %arg11[%get3A_1048] {strides = array<i32>} : memref<512xi32, #tpu.memory_space<vmem>>, vector<16xi32>,
    %gather3A_1050 = tpu.vector_load_idx %arg10[%get3A_1049] : memref<1024xf32, #tpu.memory_space<vmem>>[vector<16xi32>], vector<16xf32>,
    %mul3A_1051 = arith.mulf %gather3A_1050, %div3A_859 : vector<16xf32>
    %select_n3A_1052 = arith.select %eq3A_876, %mul3A_1051, %broadcast_in_dim3A_878 : vector<16xi1>, vector<16xf32>
    %get3A_1053 = arith.constant 272 : index
    %get3A_1054 = tpu.vector_load %arg12[%get3A_1053] {strides = array<i32>} : memref<512xf32, #tpu.memory_space<vmem>>, vector<16xf32>,
    %mul3A_1055 = arith.mulf %get3A_1054, %select_n3A_1052 : vector<16xf32>
    %swap3A_1056 = arith.constant 272 : index
    %swap3A_1057 = tpu.vector_load %arg13[%swap3A_1056] {strides = array<i32>} : memref<512xf32, #tpu.memory_space<vmem>>, vector<16xf32>,
    tpu.vector_store %arg13[%swap3A_1056], %mul3A_1055 {strides = array<i32>} : memref<512xf32, #tpu.memory_space<vmem>>, vector<16xf32>,
    %get3A_1058 = arith.constant 288 : index
    %get3A_1059 = tpu.vector_load %arg11[%get3A_1058] {strides = array<i32>} : memref<512xi32, #tpu.memory_space<vmem>>, vector<16xi32>,
    %gather3A_1060 = tpu.vector_load_idx %arg10[%get3A_1059] : memref<1024xf32, #tpu.memory_space<vmem>>[vector<16xi32>], vector<16xf32>,
    %mul3A_1061 = arith.mulf %gather3A_1060, %div3A_859 : vector<16xf32>
    %select_n3A_1062 = arith.select %eq3A_876, %mul3A_1061, %broadcast_in_dim3A_878 : vector<16xi1>, vector<16xf32>
    %get3A_1063 = arith.constant 288 : index
    %get3A_1064 = tpu.vector_load %arg12[%get3A_1063] {strides = array<i32>} : memref<512xf32, #tpu.memory_space<vmem>>, vector<16xf32>,
    %mul3A_1065 = arith.mulf %get3A_1064, %select_n3A_1062 : vector<16xf32>
    %swap3A_1066 = arith.constant 288 : index
    %swap3A_1067 = tpu.vector_load %arg13[%swap3A_1066] {strides = array<i32>} : memref<512xf32, #tpu.memory_space<vmem>>, vector<16xf32>,
    tpu.vector_store %arg13[%swap3A_1066], %mul3A_1065 {strides = array<i32>} : memref<512xf32, #tpu.memory_space<vmem>>, vector<16xf32>,
    %get3A_1068 = arith.constant 304 : index
    %get3A_1069 = tpu.vector_load %arg11[%get3A_1068] {strides = array<i32>} : memref<512xi32, #tpu.memory_space<vmem>>, vector<16xi32>,
    %gather3A_1070 = tpu.vector_load_idx %arg10[%get3A_1069] : memref<1024xf32, #tpu.memory_space<vmem>>[vector<16xi32>], vector<16xf32>,
    %mul3A_1071 = arith.mulf %gather3A_1070, %div3A_859 : vector<16xf32>
    %select_n3A_1072 = arith.select %eq3A_876, %mul3A_1071, %broadcast_in_dim3A_878 : vector<16xi1>, vector<16xf32>
    %get3A_1073 = arith.constant 304 : index
    %get3A_1074 = tpu.vector_load %arg12[%get3A_1073] {strides = array<i32>} : memref<512xf32, #tpu.memory_space<vmem>>, vector<16xf32>,
    %mul3A_1075 = arith.mulf %get3A_1074, %select_n3A_1072 : vector<16xf32>
    %swap3A_1076 = arith.constant 304 : index
    %swap3A_1077 = tpu.vector_load %arg13[%swap3A_1076] {strides = array<i32>} : memref<512xf32, #tpu.memory_space<vmem>>, vector<16xf32>,
    tpu.vector_store %arg13[%swap3A_1076], %mul3A_1075 {strides = array<i32>} : memref<512xf32, #tpu.memory_space<vmem>>, vector<16xf32>,
    %get3A_1078 = arith.constant 320 : index
    %get3A_1079 = tpu.vector_load %arg11[%get3A_1078] {strides = array<i32>} : memref<512xi32, #tpu.memory_space<vmem>>, vector<16xi32>,
    %gather3A_1080 = tpu.vector_load_idx %arg10[%get3A_1079] : memref<1024xf32, #tpu.memory_space<vmem>>[vector<16xi32>], vector<16xf32>,
    %mul3A_1081 = arith.mulf %gather3A_1080, %div3A_859 : vector<16xf32>
    %select_n3A_1082 = arith.select %eq3A_876, %mul3A_1081, %broadcast_in_dim3A_878 : vector<16xi1>, vector<16xf32>
    %get3A_1083 = arith.constant 320 : index
    %get3A_1084 = tpu.vector_load %arg12[%get3A_1083] {strides = array<i32>} : memref<512xf32, #tpu.memory_space<vmem>>, vector<16xf32>,
    %mul3A_1085 = arith.mulf %get3A_1084, %select_n3A_1082 : vector<16xf32>
    %swap3A_1086 = arith.constant 320 : index
    %swap3A_1087 = tpu.vector_load %arg13[%swap3A_1086] {strides = array<i32>} : memref<512xf32, #tpu.memory_space<vmem>>, vector<16xf32>,
    tpu.vector_store %arg13[%swap3A_1086], %mul3A_1085 {strides = array<i32>} : memref<512xf32, #tpu.memory_space<vmem>>, vector<16xf32>,
    %get3A_1088 = arith.constant 336 : index
    %get3A_1089 = tpu.vector_load %arg11[%get3A_1088] {strides = array<i32>} : memref<512xi32, #tpu.memory_space<vmem>>, vector<16xi32>,
    %gather3A_1090 = tpu.vector_load_idx %arg10[%get3A_1089] : memref<1024xf32, #tpu.memory_space<vmem>>[vector<16xi32>], vector<16xf32>,
    %mul3A_1091 = arith.mulf %gather3A_1090, %div3A_859 : vector<16xf32>
    %select_n3A_1092 = arith.select %eq3A_876, %mul3A_1091, %broadcast_in_dim3A_878 : vector<16xi1>, vector<16xf32>
    %get3A_1093 = arith.constant 336 : index
    %get3A_1094 = tpu.vector_load %arg12[%get3A_1093] {strides = array<i32>} : memref<512xf32, #tpu.memory_space<vmem>>, vector<16xf32>,
    %mul3A_1095 = arith.mulf %get3A_1094, %select_n3A_1092 : vector<16xf32>
    %swap3A_1096 = arith.constant 336 : index
    %swap3A_1097 = tpu.vector_load %arg13[%swap3A_1096] {strides = array<i32>} : memref<512xf32, #tpu.memory_space<vmem>>, vector<16xf32>,
    tpu.vector_store %arg13[%swap3A_1096], %mul3A_1095 {strides = array<i32>} : memref<512xf32, #tpu.memory_space<vmem>>, vector<16xf32>,
    %get3A_1098 = arith.constant 352 : index
    %get3A_1099 = tpu.vector_load %arg11[%get3A_1098] {strides = array<i32>} : memref<512xi32, #tpu.memory_space<vmem>>, vector<16xi32>,
    %gather3A_1100 = tpu.vector_load_idx %arg10[%get3A_1099] : memref<1024xf32, #tpu.memory_space<vmem>>[vector<16xi32>], vector<16xf32>,
    %mul3A_1101 = arith.mulf %gather3A_1100, %div3A_859 : vector<16xf32>
    %select_n3A_1102 = arith.select %eq3A_876, %mul3A_1101, %broadcast_in_dim3A_878 : vector<16xi1>, vector<16xf32>
    %get3A_1103 = arith.constant 352 : index
    %get3A_1104 = tpu.vector_load %arg12[%get3A_1103] {strides = array<i32>} : memref<512xf32, #tpu.memory_space<vmem>>, vector<16xf32>,
    %mul3A_1105 = arith.mulf %get3A_1104, %select_n3A_1102 : vector<16xf32>
    %swap3A_1106 = arith.constant 352 : index
    %swap3A_1107 = tpu.vector_load %arg13[%swap3A_1106] {strides = array<i32>} : memref<512xf32, #tpu.memory_space<vmem>>, vector<16xf32>,
    tpu.vector_store %arg13[%swap3A_1106], %mul3A_1105 {strides = array<i32>} : memref<512xf32, #tpu.memory_space<vmem>>, vector<16xf32>,
    %get3A_1108 = arith.constant 368 : index
    %get3A_1109 = tpu.vector_load %arg11[%get3A_1108] {strides = array<i32>} : memref<512xi32, #tpu.memory_space<vmem>>, vector<16xi32>,
    %gather3A_1110 = tpu.vector_load_idx %arg10[%get3A_1109] : memref<1024xf32, #tpu.memory_space<vmem>>[vector<16xi32>], vector<16xf32>,
    %mul3A_1111 = arith.mulf %gather3A_1110, %div3A_859 : vector<16xf32>
    %select_n3A_1112 = arith.select %eq3A_876, %mul3A_1111, %broadcast_in_dim3A_878 : vector<16xi1>, vector<16xf32>
    %get3A_1113 = arith.constant 368 : index
    %get3A_1114 = tpu.vector_load %arg12[%get3A_1113] {strides = array<i32>} : memref<512xf32, #tpu.memory_space<vmem>>, vector<16xf32>,
    %mul3A_1115 = arith.mulf %get3A_1114, %select_n3A_1112 : vector<16xf32>
    %swap3A_1116 = arith.constant 368 : index
    %swap3A_1117 = tpu.vector_load %arg13[%swap3A_1116] {strides = array<i32>} : memref<512xf32, #tpu.memory_space<vmem>>, vector<16xf32>,
    tpu.vector_store %arg13[%swap3A_1116], %mul3A_1115 {strides = array<i32>} : memref<512xf32, #tpu.memory_space<vmem>>, vector<16xf32>,
    %get3A_1118 = arith.constant 384 : index
    %get3A_1119 = tpu.vector_load %arg11[%get3A_1118] {strides = array<i32>} : memref<512xi32, #tpu.memory_space<vmem>>, vector<16xi32>,
    %gather3A_1120 = tpu.vector_load_idx %arg10[%get3A_1119] : memref<1024xf32, #tpu.memory_space<vmem>>[vector<16xi32>], vector<16xf32>,
    %mul3A_1121 = arith.mulf %gather3A_1120, %div3A_859 : vector<16xf32>
    %select_n3A_1122 = arith.select %eq3A_876, %mul3A_1121, %broadcast_in_dim3A_878 : vector<16xi1>, vector<16xf32>
    %get3A_1123 = arith.constant 384 : index
    %get3A_1124 = tpu.vector_load %arg12[%get3A_1123] {strides = array<i32>} : memref<512xf32, #tpu.memory_space<vmem>>, vector<16xf32>,
    %mul3A_1125 = arith.mulf %get3A_1124, %select_n3A_1122 : vector<16xf32>
    %swap3A_1126 = arith.constant 384 : index
    %swap3A_1127 = tpu.vector_load %arg13[%swap3A_1126] {strides = array<i32>} : memref<512xf32, #tpu.memory_space<vmem>>, vector<16xf32>,
    tpu.vector_store %arg13[%swap3A_1126], %mul3A_1125 {strides = array<i32>} : memref<512xf32, #tpu.memory_space<vmem>>, vector<16xf32>,
    %get3A_1128 = arith.constant 400 : index
    %get3A_1129 = tpu.vector_load %arg11[%get3A_1128] {strides = array<i32>} : memref<512xi32, #tpu.memory_space<vmem>>, vector<16xi32>,
    %gather3A_1130 = tpu.vector_load_idx %arg10[%get3A_1129] : memref<1024xf32, #tpu.memory_space<vmem>>[vector<16xi32>], vector<16xf32>,
    %mul3A_1131 = arith.mulf %gather3A_1130, %div3A_859 : vector<16xf32>
    %select_n3A_1132 = arith.select %eq3A_876, %mul3A_1131, %broadcast_in_dim3A_878 : vector<16xi1>, vector<16xf32>
    %get3A_1133 = arith.constant 400 : index
    %get3A_1134 = tpu.vector_load %arg12[%get3A_1133] {strides = array<i32>} : memref<512xf32, #tpu.memory_space<vmem>>, vector<16xf32>,
    %mul3A_1135 = arith.mulf %get3A_1134, %select_n3A_1132 : vector<16xf32>
    %swap3A_1136 = arith.constant 400 : index
    %swap3A_1137 = tpu.vector_load %arg13[%swap3A_1136] {strides = array<i32>} : memref<512xf32, #tpu.memory_space<vmem>>, vector<16xf32>,
    tpu.vector_store %arg13[%swap3A_1136], %mul3A_1135 {strides = array<i32>} : memref<512xf32, #tpu.memory_space<vmem>>, vector<16xf32>,
    %get3A_1138 = arith.constant 416 : index
    %get3A_1139 = tpu.vector_load %arg11[%get3A_1138] {strides = array<i32>} : memref<512xi32, #tpu.memory_space<vmem>>, vector<16xi32>,
    %gather3A_1140 = tpu.vector_load_idx %arg10[%get3A_1139] : memref<1024xf32, #tpu.memory_space<vmem>>[vector<16xi32>], vector<16xf32>,
    %mul3A_1141 = arith.mulf %gather3A_1140, %div3A_859 : vector<16xf32>
    %select_n3A_1142 = arith.select %eq3A_876, %mul3A_1141, %broadcast_in_dim3A_878 : vector<16xi1>, vector<16xf32>
    %get3A_1143 = arith.constant 416 : index
    %get3A_1144 = tpu.vector_load %arg12[%get3A_1143] {strides = array<i32>} : memref<512xf32, #tpu.memory_space<vmem>>, vector<16xf32>,
    %mul3A_1145 = arith.mulf %get3A_1144, %select_n3A_1142 : vector<16xf32>
    %swap3A_1146 = arith.constant 416 : index
    %swap3A_1147 = tpu.vector_load %arg13[%swap3A_1146] {strides = array<i32>} : memref<512xf32, #tpu.memory_space<vmem>>, vector<16xf32>,
    tpu.vector_store %arg13[%swap3A_1146], %mul3A_1145 {strides = array<i32>} : memref<512xf32, #tpu.memory_space<vmem>>, vector<16xf32>,
    %get3A_1148 = arith.constant 432 : index
    %get3A_1149 = tpu.vector_load %arg11[%get3A_1148] {strides = array<i32>} : memref<512xi32, #tpu.memory_space<vmem>>, vector<16xi32>,
    %gather3A_1150 = tpu.vector_load_idx %arg10[%get3A_1149] : memref<1024xf32, #tpu.memory_space<vmem>>[vector<16xi32>], vector<16xf32>,
    %mul3A_1151 = arith.mulf %gather3A_1150, %div3A_859 : vector<16xf32>
    %select_n3A_1152 = arith.select %eq3A_876, %mul3A_1151, %broadcast_in_dim3A_878 : vector<16xi1>, vector<16xf32>
    %get3A_1153 = arith.constant 432 : index
    %get3A_1154 = tpu.vector_load %arg12[%get3A_1153] {strides = array<i32>} : memref<512xf32, #tpu.memory_space<vmem>>, vector<16xf32>,
    %mul3A_1155 = arith.mulf %get3A_1154, %select_n3A_1152 : vector<16xf32>
    %swap3A_1156 = arith.constant 432 : index
    %swap3A_1157 = tpu.vector_load %arg13[%swap3A_1156] {strides = array<i32>} : memref<512xf32, #tpu.memory_space<vmem>>, vector<16xf32>,
    tpu.vector_store %arg13[%swap3A_1156], %mul3A_1155 {strides = array<i32>} : memref<512xf32, #tpu.memory_space<vmem>>, vector<16xf32>,
    %get3A_1158 = arith.constant 448 : index
    %get3A_1159 = tpu.vector_load %arg11[%get3A_1158] {strides = array<i32>} : memref<512xi32, #tpu.memory_space<vmem>>, vector<16xi32>,
    %gather3A_1160 = tpu.vector_load_idx %arg10[%get3A_1159] : memref<1024xf32, #tpu.memory_space<vmem>>[vector<16xi32>], vector<16xf32>,
    %mul3A_1161 = arith.mulf %gather3A_1160, %div3A_859 : vector<16xf32>
    %select_n3A_1162 = arith.select %eq3A_876, %mul3A_1161, %broadcast_in_dim3A_878 : vector<16xi1>, vector<16xf32>
    %get3A_1163 = arith.constant 448 : index
    %get3A_1164 = tpu.vector_load %arg12[%get3A_1163] {strides = array<i32>} : memref<512xf32, #tpu.memory_space<vmem>>, vector<16xf32>,
    %mul3A_1165 = arith.mulf %get3A_1164, %select_n3A_1162 : vector<16xf32>
    %swap3A_1166 = arith.constant 448 : index
    %swap3A_1167 = tpu.vector_load %arg13[%swap3A_1166] {strides = array<i32>} : memref<512xf32, #tpu.memory_space<vmem>>, vector<16xf32>,
    tpu.vector_store %arg13[%swap3A_1166], %mul3A_1165 {strides = array<i32>} : memref<512xf32, #tpu.memory_space<vmem>>, vector<16xf32>,
    %get3A_1168 = arith.constant 464 : index
    %get3A_1169 = tpu.vector_load %arg11[%get3A_1168] {strides = array<i32>} : memref<512xi32, #tpu.memory_space<vmem>>, vector<16xi32>,
    %gather3A_1170 = tpu.vector_load_idx %arg10[%get3A_1169] : memref<1024xf32, #tpu.memory_space<vmem>>[vector<16xi32>], vector<16xf32>,
    %mul3A_1171 = arith.mulf %gather3A_1170, %div3A_859 : vector<16xf32>
    %select_n3A_1172 = arith.select %eq3A_876, %mul3A_1171, %broadcast_in_dim3A_878 : vector<16xi1>, vector<16xf32>
    %get3A_1173 = arith.constant 464 : index
    %get3A_1174 = tpu.vector_load %arg12[%get3A_1173] {strides = array<i32>} : memref<512xf32, #tpu.memory_space<vmem>>, vector<16xf32>,
    %mul3A_1175 = arith.mulf %get3A_1174, %select_n3A_1172 : vector<16xf32>
    %swap3A_1176 = arith.constant 464 : index
    %swap3A_1177 = tpu.vector_load %arg13[%swap3A_1176] {strides = array<i32>} : memref<512xf32, #tpu.memory_space<vmem>>, vector<16xf32>,
    tpu.vector_store %arg13[%swap3A_1176], %mul3A_1175 {strides = array<i32>} : memref<512xf32, #tpu.memory_space<vmem>>, vector<16xf32>,
    %get3A_1178 = arith.constant 480 : index
    %get3A_1179 = tpu.vector_load %arg11[%get3A_1178] {strides = array<i32>} : memref<512xi32, #tpu.memory_space<vmem>>, vector<16xi32>,
    %gather3A_1180 = tpu.vector_load_idx %arg10[%get3A_1179] : memref<1024xf32, #tpu.memory_space<vmem>>[vector<16xi32>], vector<16xf32>,
    %mul3A_1181 = arith.mulf %gather3A_1180, %div3A_859 : vector<16xf32>
    %select_n3A_1182 = arith.select %eq3A_876, %mul3A_1181, %broadcast_in_dim3A_878 : vector<16xi1>, vector<16xf32>
    %get3A_1183 = arith.constant 480 : index
    %get3A_1184 = tpu.vector_load %arg12[%get3A_1183] {strides = array<i32>} : memref<512xf32, #tpu.memory_space<vmem>>, vector<16xf32>,
    %mul3A_1185 = arith.mulf %get3A_1184, %select_n3A_1182 : vector<16xf32>
    %swap3A_1186 = arith.constant 480 : index
    %swap3A_1187 = tpu.vector_load %arg13[%swap3A_1186] {strides = array<i32>} : memref<512xf32, #tpu.memory_space<vmem>>, vector<16xf32>,
    tpu.vector_store %arg13[%swap3A_1186], %mul3A_1185 {strides = array<i32>} : memref<512xf32, #tpu.memory_space<vmem>>, vector<16xf32>,
    %get3A_1188 = arith.constant 496 : index
    %get3A_1189 = tpu.vector_load %arg11[%get3A_1188] {strides = array<i32>} : memref<512xi32, #tpu.memory_space<vmem>>, vector<16xi32>,
    %gather3A_1190 = tpu.vector_load_idx %arg10[%get3A_1189] : memref<1024xf32, #tpu.memory_space<vmem>>[vector<16xi32>], vector<16xf32>,
    %mul3A_1191 = arith.mulf %gather3A_1190, %div3A_859 : vector<16xf32>
    %select_n3A_1192 = arith.select %eq3A_876, %mul3A_1191, %broadcast_in_dim3A_878 : vector<16xi1>, vector<16xf32>
    %get3A_1193 = arith.constant 496 : index
    %get3A_1194 = tpu.vector_load %arg12[%get3A_1193] {strides = array<i32>} : memref<512xf32, #tpu.memory_space<vmem>>, vector<16xf32>,
    %mul3A_1195 = arith.mulf %get3A_1194, %select_n3A_1192 : vector<16xf32>
    %swap3A_1196 = arith.constant 496 : index
    %swap3A_1197 = tpu.vector_load %arg13[%swap3A_1196] {strides = array<i32>} : memref<512xf32, #tpu.memory_space<vmem>>, vector<16xf32>,
    tpu.vector_store %arg13[%swap3A_1196], %mul3A_1195 {strides = array<i32>} : memref<512xf32, #tpu.memory_space<vmem>>, vector<16xf32>,
    %mul3A_1198 = arith.constant 512 : i32
    %mul3A_1199 = arith.muli %add3A, %mul3A_1198 : i32
    "tpu.region"() ({
      %run_scoped3A = tpu.sem_alloc : memref<!tpu.dma_semaphore, #tpu.memory_space<semaphore_mem>>
      %dma_start3A_1200 = tpu.memref_slice %arg5[%mul3A_1199] : memref<16384xf32, #tpu.memory_space<hbm>> -> memref<512xf32, #tpu.memory_space<hbm>>
      %dma_start3A_1201 = tpu.memref_slice %arg5[%mul3A_1199] : memref<16384xf32, #tpu.memory_space<hbm>> -> memref<512xf32, #tpu.memory_space<hbm>>
      tpu.enqueue_dma source(%arg13 : memref<512xf32, #tpu.memory_space<vmem>>) target(%dma_start3A_1201 : memref<512xf32, #tpu.memory_space<hbm>>) target_semaphore(%run_scoped3A : memref<!tpu.dma_semaphore, #tpu.memory_space<semaphore_mem>>)
      %dma_wait3A_1202 = tpu.memref_slice %arg5[%mul3A_1199] : memref<16384xf32, #tpu.memory_space<hbm>> -> memref<512xf32, #tpu.memory_space<hbm>>
      %dma_wait3A_1203 = tpu.memref_slice %arg5[%mul3A_1199] : memref<16384xf32, #tpu.memory_space<hbm>> -> memref<512xf32, #tpu.memory_space<hbm>>
      tpu.wait_dma2 semaphore(%run_scoped3A : memref<!tpu.dma_semaphore, #tpu.memory_space<semaphore_mem>>) src(%arg13 : memref<512xf32, #tpu.memory_space<vmem>>) dst(%dma_wait3A_1203 : memref<512xf32, #tpu.memory_space<hbm>>)
      tpu.yield
    }) : () -> ()
    return
  }
}

</mosaic_0001>

<sc_bundles>
// kernel: kernel.3.cloned.1.call-start
scs
__scs_entry_jumppad:
0x0: {  	(pc) =	sbr.rel $0x88, $3  }
0x1: {  	(tag) =	ssettag $0x0;
	lr =	simm.s32 $0x1  }
0x2: {  	[smem:$0x3F9E] =	sst lr;
	_ =	strace $0xD0000000  }
0x3: {  	_ = 	snop  }
0x4: {  	_ = 	snop  }
0x5: {  	_ = 	snop  }
0x6: {  	_ = 	snop  }
0x7: {  	_ = 	snop  }
__scs_overlays_trampoline_lowered:
0x8: {  	[smem:$0x3FAD] =	sst s0  }
0x9: {  	[smem:$0x3FAE] =	sst s1  }
0xa: {  	[smem:$0x3FAF] =	sst s2  }
0xb: {  	[smem:$0x3FB0] =	sst s3  }
0xc: {  	[smem:$0x3FB1] =	sst s4  }
0xd: {  	[smem:$0x3FB2] =	sst s5  }
0xe: {  	[smem:$0x3FB3] =	sst s6  }
0xf: {  	[smem:$0x3FB4] =	sst s7  }
0x10: {  	[smem:$0x3FB5] =	sst s8  }
0x11: {  	[smem:$0x3FB6] =	sst s9;
	s0 =	simm.s32 @!p0 $0x0  }
0x12: {  	s1 =	sld [smem:$0x3F9C];
	s0 =	simm.s32 @p0 $0x1  }
0x13: {  	[smem:$0x3FB7] =	sst s0;
	s0 =	simm.s32 @!p1 $0x0  }
0x14: {  	s2 =	sld [smem:$0x3F9B];
	s0 =	simm.s32 @p1 $0x1  }
0x15: {  	[smem:$0x3FB8] =	sst s0;
	s0 =	simm.s32 @!p2 $0x0  }
0x16: {  	s3 =	sld [smem:$0x3FDB];
	s0 =	simm.s32 @p2 $0x1  }
0x17: {  	s4 =	simm.s32 $0x1BF5;
	[smem:$0x3FBA] =	sst s0  }
0x18: {  	s0 =	sld [smem:$0x3F9D];
	_ =	swait.ge [sflag:s4], $0x0  }
0x19: {  	s7 =	sld [smem:$0x3F9E]  }
0x1a: {  	s8 =	sadd.s32 $0xFFFFE003, lr  }
0x1b: {  	s9 =	sadd.s32 $0xFFFFFEF7, lr;
	s5 =	simm.s32 $0xFFFFFFFF;
	p2 =	slt.u32 s8, $0xFFFFF086  }
0x1c: {  	p1 =	slt.u32 s9, $0xF7A;
	s5 =	simm.s32 @!p2 $0x0  }
0x1d: {  	s5 =	simm.s32 @p1 $0x1;
	p0 =	seq.s32 s7, s2  }
0x1e: {  	s7 =	smul.u32 @!p0 $0xF7A, s2;
	p2 =	seq.s32 @!p0 s5, $0x0  }
0x1f: {  	s9 =	smul.u32 $0xF7A, s1;
	s8 =	simm.s32 @!p0 $0x1BF5;
	p2 =	por !p2, p0  }
0x20: {  	[sflag:s8] =	ssyncset.s32 @!p0 $0xFFFFF086;
	s6 =	sadd.s32 @!p0 s3, s7;
	s7 =	simm.s32 @!p0 $0x108  }
0x21: {  	s3 =	sadd.s32 s3, s9;
	s6 =	sadd.s32 @!p0 $0x88, s6;
	s7 =	simm.s32 @p2 $0x1082  }
0x22: {  	[simem:s7], [sflag:s8] =	dma.local @!p0 [hbm:s6], $0xF7A  }
0x23: {  	s9 =	sor.u32 $0xD0000000, s2;
	s6 =	simm.s32 $0x108;
	_ =	swait.ge @!p0 [sflag:s8], $0x0  }
0x24: {  	s3 =	sadd.s32 $0x88, s3;
	s6 =	simm.s32 @!p1 $0x1082;
	[sflag:s4] =	ssyncset.s32 $0xFFFFF086  }
0x25: {  	[simem:s6], [sflag:s4] =	dma.local [hbm:s3], $0xF7A  }
0x26: {  	[smem:$0x3F9E] =	sst s1;
	(tag) =	ssettag s2;
	_ =	strace s9  }
0x27: {  	s1 =	sld [smem:$0x3FAE]  }
0x28: {  	s2 =	sld [smem:$0x3FAF]  }
0x29: {  	s4 =	sld [smem:$0x3FB1]  }
0x2a: {  	p0 =	seq.s32 s5, $0x0;
	s5 =	sld [smem:$0x3FB2]  }
0x2b: {  	s6 =	sld [smem:$0x3FB3]  }
0x2c: {  	s7 =	sld [smem:$0x3FB4]  }
0x2d: {  	s3 =	simm.s32 $0x108;
	s8 =	sld [smem:$0x3FB5]  }
0x2e: {  	s3 =	simm.s32 @!p0 $0x1082;
	s9 =	sld [smem:$0x3FB6]  }
0x2f: {  	lr =	sadd.s32 s0, s3;
	s0 =	sld [smem:$0x3FAD]  }
0x30: {  	s3 =	sld [smem:$0x3FB0]  }
0x31: {  	[smem:$0x3FB9] =	sst s10  }
0x32: {  	s10 =	sld [smem:$0x3FB7];
	_ =	sdelay $0x3  }
0x33: {  	p0 =	seq.s32 s10, $0x1;
	s10 =	sld [smem:$0x3FB9];
	_ =	sdelay $0x3  }
0x34: {  	[smem:$0x3FB9] =	sst s10  }
0x35: {  	s10 =	sld [smem:$0x3FB8];
	_ =	sdelay $0x3  }
0x36: {  	p1 =	seq.s32 s10, $0x1;
	s10 =	sld [smem:$0x3FB9];
	_ =	sdelay $0x3  }
0x37: {  	[smem:$0x3FB9] =	sst s10  }
0x38: {  	s10 =	sld [smem:$0x3FBA]  }
0x39: {  	_ = 	snop;
	(pc) =	sbr.ind lr, $3  }
0x3a: {  	_ = 	snop  }
0x3b: {  	_ = 	snop  }
0x3c: {  	p2 =	seq.s32 s10, $0x1;
	s10 =	sld [smem:$0x3FB9]  }
0x3d: {  	_ =	shalt  }
0x3e: {  	_ =	shalt  }
0x3f: {  	_ =	shalt  }
0x40: {  	_ =	shalt  }
0x41: {  	_ =	shalt  }
0x42: {  	_ =	shalt  }
0x43: {  	_ =	shalt  }
0x44: {  	_ =	shalt  }
0x45: {  	_ =	shalt  }
0x46: {  	_ =	shalt  }
0x47: {  	_ =	shalt  }
0x48: {  	_ =	shalt  }
0x49: {  	_ =	shalt  }
0x4a: {  	_ =	shalt  }
0x4b: {  	_ =	shalt  }
0x4c: {  	_ =	shalt  }
0x4d: {  	_ =	shalt  }
0x4e: {  	_ =	shalt  }
0x4f: {  	_ =	shalt  }
0x50: {  	_ =	shalt  }
0x51: {  	_ =	shalt  }
0x52: {  	_ =	shalt  }
0x53: {  	_ =	shalt  }
0x54: {  	_ =	shalt  }
0x55: {  	_ =	shalt  }
0x56: {  	_ =	shalt  }
0x57: {  	_ =	shalt  }
0x58: {  	_ =	shalt  }
0x59: {  	_ =	shalt  }
0x5a: {  	_ =	shalt  }
0x5b: {  	_ =	shalt  }
0x5c: {  	_ =	shalt  }
0x5d: {  	_ =	shalt  }
0x5e: {  	_ =	shalt  }
0x5f: {  	_ =	shalt  }
0x60: {  	_ =	shalt  }
0x61: {  	_ =	shalt  }
0x62: {  	_ =	shalt  }
0x63: {  	_ =	shalt  }
0x64: {  	_ =	shalt  }
0x65: {  	_ =	shalt  }
0x66: {  	_ =	shalt  }
0x67: {  	_ =	shalt  }
0x68: {  	_ =	shalt  }
0x69: {  	_ =	shalt  }
0x6a: {  	_ =	shalt  }
0x6b: {  	_ =	shalt  }
0x6c: {  	_ =	shalt  }
0x6d: {  	_ =	shalt  }
0x6e: {  	_ =	shalt  }
0x6f: {  	_ =	shalt  }
0x70: {  	_ =	shalt  }
0x71: {  	_ =	shalt  }
0x72: {  	_ =	shalt  }
0x73: {  	_ =	shalt  }
0x74: {  	_ =	shalt  }
0x75: {  	_ =	shalt  }
0x76: {  	_ =	shalt  }
0x77: {  	_ =	shalt  }
0x78: {  	_ =	shalt  }
0x79: {  	_ =	shalt  }
0x7a: {  	_ =	shalt  }
0x7b: {  	_ =	shalt  }
0x7c: {  	_ =	shalt  }
0x7d: {  	_ =	shalt  }
0x7e: {  	_ =	shalt  }
0x7f: {  	_ =	shalt  }
0x80: {  	_ =	shalt  }
0x81: {  	_ =	shalt  }
0x82: {  	_ =	shalt  }
0x83: {  	_ =	shalt  }
0x84: {  	_ =	shalt  }
0x85: {  	_ =	shalt  }
0x86: {  	_ =	shalt  }
0x87: {  	_ =	shalt  }
.Lfunc_end0:
.L_simem_size_0:
called_computation_lowered:
.L_overlay_start_0:
0x88: {  	s2 =	sld [smem:$0x3FD9]  }
0x89: {  	s3 =	sld [smem:$0x3FFE];
	_ =	sdelay $0x1  }
0x8a: {  	s1 =	srdreg.scid  }
0x8b: {  	s0 =	sand.u32 $0x1, s1  }
0x8c: {  	s18 =	sshll.u32 s0, $0xA;
	s2 =	sadd.s32 s3, s2  }
0x8d: {  	s2 =	sadd.s32 s2, s18  }
0x8e: {  	[smem:$0x3FC5] =	sst s2  }
0x8f: {  	_ = 	snop  }
0x90: {  	s2 =	sld [smem:$0x3FC9]  }
0x91: {  	s19 =	sld [smem:$0x3FC8]  }
0x92: {  	s4 =	sld [smem:$0x3FC7]  }
0x93: {  	s5 =	sld [smem:$0x3FD0];
	(tm) =	ssettm $0x1  }
0x94: {  	s6 =	sld [smem:$0x3FFB];
	_ =	sdelay $0x3  }
0x95: {  	_ =	strace s6  }
0x96: {  	s6 =	sld [smem:$0x3FFC];
	_ =	sdelay $0x3  }
0x97: {  	_ =	strace s6  }
0x98: {  	s6 =	sld [smem:$0x3FFD];
	_ =	sdelay $0x3  }
0x99: {  	_ =	strace s6  }
0x9a: {  	_ =	strace $0x8FFFFFFF  }
0x9b: {  	s20 =	sld [smem:$0x3FDB];
	_ =	sdelay $0x1  }
0x9c: {  	s7 =	simm.s32 $_scs_section_size  }
0x9d: {  	s8 =	simm.s32 $_size__tile_overlayer_lowered;
	s9 =	simm.s32 $_tile_overlayer_lowered  }
0x9e: {  	s23 =	simm.s32 $0x1BFF;
	s22 =	sshll.u32 s9, $0x1;
	s6 =	sadd.s32 s7, s20  }
0x9f: {  	s10 =	simm.s32 $0x0;
	s21 =	sshll.u32 s8, $0x1;
	s8 =	sadd.s32 s22, s6  }
0xa0: {  	[timem:s10], [sflag:s23] =	dma.local [hbm:s8], s21  }
0xa1: {  	_ =	swait.ge [sflag:s23], s21  }
0xa2: {  	s7 =	ssub.s32 $0x0, s21;
	[sflag:s23] =	ssyncset.done $0x0  }
0xa3: {  	[sflag:s23] =	ssyncadd.s32 s7;
	_ =	sdelay $0x1  }
0xa4: {  	s24 =	simm.s32 $0x1B8B  }
0xa5: {  	_ =	swait.ge [sflag:s24], $0x1  }
0xa6: {  	[sflag:s24] =	ssyncset.done $0x0  }
0xa7: {  	s25 =	simm.s32 $0x1B8E;
	[sflag:s24] =	ssyncadd.s32 $0xFFFFFFFF  }
0xa8: {  	s26 =	simm.s32 $execute0_lowered;
	[smem:$0x3FD2] =	sst s25  }
0xa9: {  	s7 =	sshll.u32 s26, $0x1;
	_ =	strace $0x80000046;
	[dreg:$0x1] =	wrdreg $0xFFFFFFFF  }
0xaa: {  	s28 =	simm.s32 $_size_execute0_lowered;
	s6 =	sadd.s32 s6, s7;
	[dreg:$0x0] =	wrdreg $0x0  }
0xab: {  	s7 =	sshll.u32 s28, $0x1;
	[dreg:$0x2] =	wrdreg s6  }
0xac: {  	[dreg:$0x3] =	wrdreg s7  }
0xad: {  	[dreg:$0x4] =	wrdreg $0xC0  }
0xae: {  	_ =	task [dreg:s10], $0x5FFFF  }
0xaf: {  	[dreg:$0x1] =	wrdreg $0xFFFFFFFF  }
0xb0: {  	[dreg:$0x0] =	wrdreg $0x60  }
0xb1: {  	[dreg:$0x2] =	wrdreg s2  }
0xb2: {  	[dreg:$0x3] =	wrdreg s19  }
0xb3: {  	[dreg:$0x4] =	wrdreg s4  }
0xb4: {  	[dreg:$0x5] =	wrdreg s5  }
0xb5: {  	[dreg:$0x6] =	wrdreg $0x18800  }
0xb6: {  	[dreg:$0x7] =	wrdreg $0x1C800  }
0xb7: {  	[dreg:$0x8] =	wrdreg $0x1CC00  }
0xb8: {  	[dreg:$0x9] =	wrdreg $0x9  }
0xb9: {  	_ =	task.clear_ibuf [dreg:s10], $0xAFFFF;
	_ =	strace $0x90000046  }
0xba: {  	s29 =	simm.s32 $0x9;
	_ =	strace $0x80000048  }
0xbb: {  	_ =	swait.ge [sflag:s29], $0x1  }
0xbc: {  	[sflag:s29] =	ssyncadd.s32 $0xFFFFFFFF  }
0xbd: {  	_ =	strace $0x90000048  }
0xbe: {  	_ =	sfence  }
0xbf: {  	s30 =	sld [smem:$0x0];
	_ =	sdelay $0x2  }
0xc0: {  	s31 =	sshll.u32 s1, $0xD;
	s1 =	sshrl.u32 s1, $0x2  }
0xc1: {  	s3 =	sand.u32 $0x4000, s31;
	s1 =	sadd.s32 s1, s30  }
0xc2: {  	s0 =	sor.u32 s3, s0;
	s1 =	sshll.u32 s1, $0x11  }
0xc3: {  	s0 =	sor.u32 s1, s0  }
0xc4: {  	s0 =	sadd.s32 $0x8F2B, s0  }
0xc5: {  	[sflag:s0] =	ssyncadd.remote.s32 $0x1  }
0xc6: {  	_ =	sfence.sel $0xFFFF  }
0xc7: {  	[dreg:$0x0] =	wrdreg $0xFFFFFFFF;
	(pc) =	sbr.abs _section_cstart, $3  }
0xc8: {  	[dreg:$0x1] =	wrdreg $0xFFFFFFFF  }
0xc9: {  	_ =	task.clear_ibuf [dreg:s10], $0x2FFFF;
	_ =	strace $0x9FFFFFFF  }
0xca: {  	(tm) =	ssettm $0x7FFFFFFF  }
0xcb: {  	_ =	shalt  }
tec
execute0_lowered:
.L_overlay_start_1:
0x0: {  	(tag) =	ssettag $0x1  }
0x1: {  	s0 =	rddreg [dreg:$0x0]  }
0x2: {  	s5 =	rddreg [dreg:$0x1]  }
0x3: {  	s1 =	rddreg [dreg:$0x2]  }
0x4: {  	s6 =	rddreg [dreg:$0x3]  }
0x5: {  	s7 =	rddreg [dreg:$0x4]  }
0x6: {  	s3 =	rddreg [dreg:$0x6]  }
0x7: {  	s8 =	srdreg.scid;
	s4 =	simm.s32 $0x0;
	[dreg:$0x8] =	wrdreg s1  }
0x8: {  	s2 =	stileid.u32;
	s1 =	rddreg [dreg:$0x5];
	s8 =	sand.u32 $0x1, s8  }
0x9: {  	[smem:$0x7FF] =	sst s4;
	s9 =	sshll.u32 s2, $0x7;
	s17 =	sshll.u32 s2, $0xA  }
0xa: {  	s18 =	sshll.u32 s2, $0x6;
	s10 =	sshll.u32 s8, $0x6;
	s11 =	sadd.s32 s5, s9  }
0xb: {  	_ =	strace $0x80000047;
	s19 =	sadd.s32 s17, s7;
	[dreg:$0x9] =	wrdreg s11  }
0xc: {  	s17 =	sadd.s32 s18, s1;
	s9 =	sor.u32 s10, s9;
	[dreg:$0xc] =	wrdreg s19  }
0xd: {  	[dreg:$0x1c] =	wrdreg s17;
	s5 =	sadd.s32 s5, s9  }
0xe: {  	s0 =	sadd.s32 s0, s9;
	[dreg:$0xa] =	wrdreg s5;
	s5 =	sadd.s32 s18, s7  }
0xf: {  	[dreg:$0xb] =	wrdreg s0;
	s20 =	sadd.s32 $0x400, s5  }
0x10: {  	s21 =	sadd.s32 $0x800, s5;
	[dreg:$0xd] =	wrdreg s20  }
0x11: {  	s22 =	sadd.s32 $0xC00, s5;
	[dreg:$0xe] =	wrdreg s21  }
0x12: {  	s23 =	sadd.s32 $0x1000, s5;
	[dreg:$0xf] =	wrdreg s22  }
0x13: {  	s24 =	sadd.s32 $0x1400, s5;
	[dreg:$0x10] =	wrdreg s23  }
0x14: {  	s25 =	sadd.s32 $0x1800, s5;
	[dreg:$0x11] =	wrdreg s24  }
0x15: {  	s26 =	sadd.s32 $0x1C00, s5;
	[dreg:$0x12] =	wrdreg s25  }
0x16: {  	s2 =	sadd.s32 $0x2000, s5;
	[dreg:$0x13] =	wrdreg s26  }
0x17: {  	s7 =	sadd.s32 $0x2400, s5;
	[dreg:$0x14] =	wrdreg s2  }
0x18: {  	s28 =	simm.s32 $0x1700;
	s11 =	sadd.s32 $0x2800, s5;
	[dreg:$0x15] =	wrdreg s7  }
0x19: {  	s29 =	simm.s32 $0xC80;
	s12 =	sadd.s32 $0x2C00, s5;
	[dreg:$0x16] =	wrdreg s11  }
0x1a: {  	s30 =	simm.s32 $0x1780;
	s13 =	sadd.s32 $0x3000, s5;
	[dreg:$0x17] =	wrdreg s12  }
0x1b: {  	s31 =	simm.s32 $0x2;
	s14 =	sadd.s32 $0x3400, s5;
	[dreg:$0x18] =	wrdreg s13  }
0x1c: {  	s17 =	simm.s32 $0xA00;
	s15 =	sadd.s32 $0x3800, s5;
	[dreg:$0x19] =	wrdreg s14  }
0x1d: {  	s18 =	sshrl.u32 s18, $0x2;
	s16 =	sadd.s32 $0x3C00, s5;
	[dreg:$0x1a] =	wrdreg s15  }
0x1e: {  	s0 =	simm.s32 $0x1480;
	s19 =	sadd.s32 s18, s3;
	[dreg:$0x1b] =	wrdreg s16  }
0x1f: {  	s18 =	simm.s32 $0xA40;
	[dreg:$0x1d] =	wrdreg s19;
	s20 =	sadd.s32 s6, s9  }
0x20: {  	s21 =	ssub.s32 $0x2, s8;
	s22 =	simm.s32 $0x1080;
	s24 =	simm.s32 $0x1280  }
0x21: {  	s25 =	simm.s32 $0x1680;
	s7 =	simm.s32 $0x1;
	s8 =	simm.s32 $0x400  }
0x22: {  	s26 =	simm.s32 $0x800;
	s9 =	simm.s32 $0x4;
	[dreg:$0x1e] =	wrdreg s20  }
0x23: {  	s11 =	simm.s32 $0x880;
	s12 =	simm.s32 $0x8C0;
	[dreg:$0x1f] =	wrdreg s22  }
0x24: {  	s13 =	simm.s32 $0x900;
	s14 =	simm.s32 $0x940;
	[smem:$0x7FB] =	sst s24  }
0x25: {  	s15 =	simm.s32 $0x980;
	s16 =	simm.s32 $0x9C0;
	[smem:$0x7FC] =	sst s25  }
0x26: {  	s19 =	simm.s32 $0xA80;
	s23 =	sshrl.u32 s21, $0x1;
	[smem:$0x7FD] =	sst s26  }
0x27: {  	s20 =	simm.s32 $0xAC0;
	s22 =	simm.s32 $0xB40;
	s24 =	simm.s32 $0xBC0  }
0x28: {  	s25 =	simm.s32 $0x3;
	s26 =	simm.s32 $0xC00;
	s6 =	ssub.s32 s21, s23  }
0x29: {  	v0 =	vimm.s32 $0x0;
	v1 =	vimm.f32 $0.0e+00;
	v2 =	vimm.f32 $1.000000000e+00;
	s21 =	simm.s32 $0xB00;
	s23 =	simm.s32 $0xB80;
	s6 =	smax.u32 s6, $0x1  }
.LBB2_1:
0x2a: {  	s2 =	rddreg [dreg:$0x9]  }
0x2b: {  	s1 =	rddreg [dreg:$0xa]  }
0x2c: {  	s3 =	rddreg [dreg:$0x1f]  }
0x2d: {  	[tilespmem:$0x1680] =	vst v0;
	s10 =	sld [smem:$0x7FC]  }
0x2e: {  	[tilespmem:s4], [sflag:$0x1] =	stream.linear.gather [hbm4b:s2+s4], $0x400, $0x38;
	[tilespmem:$0x1CD0] =	vst v63  }
0x2f: {  	s2 =	sld [smem:$0x7FB]  }
0x30: {  	[tilespmem:s3], [sflag:$0x2] =	stream.linear.gather [hbm4b:s1+s4], $0x200, $0x38;
	[tilespmem:$0x1CD0] =	vst v63  }
0x31: {  	s1 =	rddreg [dreg:$0xb]  }
0x32: {  	[tilespmem:s2], [sflag:$0x2] =	stream.linear.gather [hbm4b:s1+s4], $0x200, $0x38;
	[tilespmem:$0x1CD0] =	vst v63  }
0x33: {  	s3 =	rddreg [dreg:$0x8]  }
0x34: {  	[tilespmem:s10], [sflag:$0x2] =	stream.linear.gather [hbm4b:s3+s4], $0x1, $0x38;
	[tilespmem:$0x1CD0] =	vst v63  }
0x35: {  	[tilespmem:$0x400] =	vst v1  }
0x36: {  	[tilespmem:$0x410] =	vst v1  }
0x37: {  	[tilespmem:$0x420] =	vst v1  }
0x38: {  	[tilespmem:$0x430] =	vst v1  }
0x39: {  	[tilespmem:$0x440] =	vst v1  }
0x3a: {  	[tilespmem:$0x450] =	vst v1  }
0x3b: {  	[tilespmem:$0x460] =	vst v1  }
0x3c: {  	[tilespmem:$0x470] =	vst v1  }
0x3d: {  	[tilespmem:$0x480] =	vst v1  }
0x3e: {  	[tilespmem:$0x490] =	vst v1  }
0x3f: {  	[tilespmem:$0x4A0] =	vst v1  }
0x40: {  	[tilespmem:$0x4B0] =	vst v1  }
0x41: {  	[tilespmem:$0x4C0] =	vst v1  }
0x42: {  	[tilespmem:$0x4D0] =	vst v1  }
0x43: {  	[tilespmem:$0x4E0] =	vst v1  }
0x44: {  	[tilespmem:$0x4F0] =	vst v1  }
0x45: {  	[tilespmem:$0x500] =	vst v1  }
0x46: {  	[tilespmem:$0x510] =	vst v1  }
0x47: {  	[tilespmem:$0x520] =	vst v1  }
0x48: {  	[tilespmem:$0x530] =	vst v1  }
0x49: {  	[tilespmem:$0x540] =	vst v1  }
0x4a: {  	[tilespmem:$0x550] =	vst v1  }
0x4b: {  	[tilespmem:$0x560] =	vst v1  }
0x4c: {  	[tilespmem:$0x570] =	vst v1  }
0x4d: {  	[tilespmem:$0x580] =	vst v1  }
0x4e: {  	[tilespmem:$0x590] =	vst v1  }
0x4f: {  	[tilespmem:$0x5A0] =	vst v1  }
0x50: {  	[tilespmem:$0x5B0] =	vst v1  }
0x51: {  	[tilespmem:$0x5C0] =	vst v1  }
0x52: {  	[tilespmem:$0x5D0] =	vst v1  }
0x53: {  	[tilespmem:$0x5E0] =	vst v1  }
0x54: {  	[tilespmem:$0x5F0] =	vst v1  }
0x55: {  	[tilespmem:$0x600] =	vst v1  }
0x56: {  	[tilespmem:$0x610] =	vst v1  }
0x57: {  	[tilespmem:$0x620] =	vst v1  }
0x58: {  	[tilespmem:$0x630] =	vst v1  }
0x59: {  	[tilespmem:$0x640] =	vst v1  }
0x5a: {  	[tilespmem:$0x650] =	vst v1  }
0x5b: {  	[tilespmem:$0x660] =	vst v1  }
0x5c: {  	[tilespmem:$0x670] =	vst v1  }
0x5d: {  	[tilespmem:$0x680] =	vst v1  }
0x5e: {  	[tilespmem:$0x690] =	vst v1  }
0x5f: {  	[tilespmem:$0x6A0] =	vst v1  }
0x60: {  	[tilespmem:$0x6B0] =	vst v1  }
0x61: {  	[tilespmem:$0x6C0] =	vst v1  }
0x62: {  	[tilespmem:$0x6D0] =	vst v1  }
0x63: {  	[tilespmem:$0x6E0] =	vst v1  }
0x64: {  	[tilespmem:$0x6F0] =	vst v1  }
0x65: {  	[tilespmem:$0x700] =	vst v1  }
0x66: {  	[tilespmem:$0x710] =	vst v1  }
0x67: {  	[tilespmem:$0x720] =	vst v1  }
0x68: {  	[tilespmem:$0x730] =	vst v1  }
0x69: {  	[tilespmem:$0x740] =	vst v1  }
0x6a: {  	[tilespmem:$0x750] =	vst v1  }
0x6b: {  	[tilespmem:$0x760] =	vst v1  }
0x6c: {  	[tilespmem:$0x770] =	vst v1  }
0x6d: {  	[tilespmem:$0x780] =	vst v1  }
0x6e: {  	[tilespmem:$0x790] =	vst v1  }
0x6f: {  	[tilespmem:$0x7A0] =	vst v1  }
0x70: {  	[tilespmem:$0x7B0] =	vst v1  }
0x71: {  	[tilespmem:$0x7C0] =	vst v1  }
0x72: {  	[tilespmem:$0x7D0] =	vst v1  }
0x73: {  	[tilespmem:$0x7E0] =	vst v1  }
0x74: {  	[tilespmem:$0x7F0] =	vst v1  }
0x75: {  	_ =	swait.ge [sflag:s7], $0x400  }
0x76: {  	[sflag:s7] =	ssyncset.done $0x0  }
0x77: {  	[sflag:s7] =	ssyncadd.s32 $0xFFFFFC00  }
0x78: {  	v3 =	vld [tilespmem:$0x0];
	_ =	sdelay $0x7  }
0x79: {  	[tilespmem:v3+s8+$0x0] =	vst.idx.add.f32.msk $0xffff, v2  }
0x7a: {  	v3 =	vld [tilespmem:$0x10];
	_ =	sdelay $0x7  }
0x7b: {  	[tilespmem:v3+s8+$0x0] =	vst.idx.add.f32.msk $0xffff, v2  }
0x7c: {  	v3 =	vld [tilespmem:$0x20];
	_ =	sdelay $0x7  }
0x7d: {  	[tilespmem:v3+s8+$0x0] =	vst.idx.add.f32.msk $0xffff, v2  }
0x7e: {  	v3 =	vld [tilespmem:$0x30];
	_ =	sdelay $0x7  }
0x7f: {  	[tilespmem:v3+s8+$0x0] =	vst.idx.add.f32.msk $0xffff, v2  }
0x80: {  	v3 =	vld [tilespmem:$0x40];
	_ =	sdelay $0x7  }
0x81: {  	[tilespmem:v3+s8+$0x0] =	vst.idx.add.f32.msk $0xffff, v2  }
0x82: {  	v3 =	vld [tilespmem:$0x50];
	_ =	sdelay $0x7  }
0x83: {  	[tilespmem:v3+s8+$0x0] =	vst.idx.add.f32.msk $0xffff, v2  }
0x84: {  	v3 =	vld [tilespmem:$0x60];
	_ =	sdelay $0x7  }
0x85: {  	[tilespmem:v3+s8+$0x0] =	vst.idx.add.f32.msk $0xffff, v2  }
0x86: {  	v3 =	vld [tilespmem:$0x70];
	_ =	sdelay $0x7  }
0x87: {  	[tilespmem:v3+s8+$0x0] =	vst.idx.add.f32.msk $0xffff, v2  }
0x88: {  	v3 =	vld [tilespmem:$0x80];
	_ =	sdelay $0x7  }
0x89: {  	[tilespmem:v3+s8+$0x0] =	vst.idx.add.f32.msk $0xffff, v2  }
0x8a: {  	v3 =	vld [tilespmem:$0x90];
	_ =	sdelay $0x7  }
0x8b: {  	[tilespmem:v3+s8+$0x0] =	vst.idx.add.f32.msk $0xffff, v2  }
0x8c: {  	v3 =	vld [tilespmem:$0xA0];
	_ =	sdelay $0x7  }
0x8d: {  	[tilespmem:v3+s8+$0x0] =	vst.idx.add.f32.msk $0xffff, v2  }
0x8e: {  	v3 =	vld [tilespmem:$0xB0];
	_ =	sdelay $0x7  }
0x8f: {  	[tilespmem:v3+s8+$0x0] =	vst.idx.add.f32.msk $0xffff, v2  }
0x90: {  	v3 =	vld [tilespmem:$0xC0];
	_ =	sdelay $0x7  }
0x91: {  	[tilespmem:v3+s8+$0x0] =	vst.idx.add.f32.msk $0xffff, v2  }
0x92: {  	v3 =	vld [tilespmem:$0xD0];
	_ =	sdelay $0x7  }
0x93: {  	[tilespmem:v3+s8+$0x0] =	vst.idx.add.f32.msk $0xffff, v2  }
0x94: {  	v3 =	vld [tilespmem:$0xE0];
	_ =	sdelay $0x7  }
0x95: {  	[tilespmem:v3+s8+$0x0] =	vst.idx.add.f32.msk $0xffff, v2  }
0x96: {  	v3 =	vld [tilespmem:$0xF0];
	_ =	sdelay $0x7  }
0x97: {  	[tilespmem:v3+s8+$0x0] =	vst.idx.add.f32.msk $0xffff, v2  }
0x98: {  	v3 =	vld [tilespmem:$0x100];
	_ =	sdelay $0x7  }
0x99: {  	[tilespmem:v3+s8+$0x0] =	vst.idx.add.f32.msk $0xffff, v2  }
0x9a: {  	v3 =	vld [tilespmem:$0x110];
	_ =	sdelay $0x7  }
0x9b: {  	[tilespmem:v3+s8+$0x0] =	vst.idx.add.f32.msk $0xffff, v2  }
0x9c: {  	v3 =	vld [tilespmem:$0x120];
	_ =	sdelay $0x7  }
0x9d: {  	[tilespmem:v3+s8+$0x0] =	vst.idx.add.f32.msk $0xffff, v2  }
0x9e: {  	v3 =	vld [tilespmem:$0x130];
	_ =	sdelay $0x7  }
0x9f: {  	[tilespmem:v3+s8+$0x0] =	vst.idx.add.f32.msk $0xffff, v2  }
0xa0: {  	v3 =	vld [tilespmem:$0x140];
	_ =	sdelay $0x7  }
0xa1: {  	[tilespmem:v3+s8+$0x0] =	vst.idx.add.f32.msk $0xffff, v2  }
0xa2: {  	v3 =	vld [tilespmem:$0x150];
	_ =	sdelay $0x7  }
0xa3: {  	[tilespmem:v3+s8+$0x0] =	vst.idx.add.f32.msk $0xffff, v2  }
0xa4: {  	v3 =	vld [tilespmem:$0x160];
	_ =	sdelay $0x7  }
0xa5: {  	[tilespmem:v3+s8+$0x0] =	vst.idx.add.f32.msk $0xffff, v2  }
0xa6: {  	v3 =	vld [tilespmem:$0x170];
	_ =	sdelay $0x7  }
0xa7: {  	[tilespmem:v3+s8+$0x0] =	vst.idx.add.f32.msk $0xffff, v2  }
0xa8: {  	v3 =	vld [tilespmem:$0x180];
	_ =	sdelay $0x7  }
0xa9: {  	[tilespmem:v3+s8+$0x0] =	vst.idx.add.f32.msk $0xffff, v2  }
0xaa: {  	v3 =	vld [tilespmem:$0x190];
	_ =	sdelay $0x7  }
0xab: {  	[tilespmem:v3+s8+$0x0] =	vst.idx.add.f32.msk $0xffff, v2  }
0xac: {  	v3 =	vld [tilespmem:$0x1A0];
	_ =	sdelay $0x7  }
0xad: {  	[tilespmem:v3+s8+$0x0] =	vst.idx.add.f32.msk $0xffff, v2  }
0xae: {  	v3 =	vld [tilespmem:$0x1B0];
	_ =	sdelay $0x7  }
0xaf: {  	[tilespmem:v3+s8+$0x0] =	vst.idx.add.f32.msk $0xffff, v2  }
0xb0: {  	v3 =	vld [tilespmem:$0x1C0];
	_ =	sdelay $0x7  }
0xb1: {  	[tilespmem:v3+s8+$0x0] =	vst.idx.add.f32.msk $0xffff, v2  }
0xb2: {  	v3 =	vld [tilespmem:$0x1D0];
	_ =	sdelay $0x7  }
0xb3: {  	[tilespmem:v3+s8+$0x0] =	vst.idx.add.f32.msk $0xffff, v2  }
0xb4: {  	v3 =	vld [tilespmem:$0x1E0];
	_ =	sdelay $0x7  }
0xb5: {  	[tilespmem:v3+s8+$0x0] =	vst.idx.add.f32.msk $0xffff, v2  }
0xb6: {  	v3 =	vld [tilespmem:$0x1F0];
	_ =	sdelay $0x7  }
0xb7: {  	[tilespmem:v3+s8+$0x0] =	vst.idx.add.f32.msk $0xffff, v2  }
0xb8: {  	v3 =	vld [tilespmem:$0x200];
	_ =	sdelay $0x7  }
0xb9: {  	[tilespmem:v3+s8+$0x0] =	vst.idx.add.f32.msk $0xffff, v2  }
0xba: {  	v3 =	vld [tilespmem:$0x210];
	_ =	sdelay $0x7  }
0xbb: {  	[tilespmem:v3+s8+$0x0] =	vst.idx.add.f32.msk $0xffff, v2  }
0xbc: {  	v3 =	vld [tilespmem:$0x220];
	_ =	sdelay $0x7  }
0xbd: {  	[tilespmem:v3+s8+$0x0] =	vst.idx.add.f32.msk $0xffff, v2  }
0xbe: {  	v3 =	vld [tilespmem:$0x230];
	_ =	sdelay $0x7  }
0xbf: {  	[tilespmem:v3+s8+$0x0] =	vst.idx.add.f32.msk $0xffff, v2  }
0xc0: {  	v3 =	vld [tilespmem:$0x240];
	_ =	sdelay $0x7  }
0xc1: {  	[tilespmem:v3+s8+$0x0] =	vst.idx.add.f32.msk $0xffff, v2  }
0xc2: {  	v3 =	vld [tilespmem:$0x250];
	_ =	sdelay $0x7  }
0xc3: {  	[tilespmem:v3+s8+$0x0] =	vst.idx.add.f32.msk $0xffff, v2  }
0xc4: {  	v3 =	vld [tilespmem:$0x260];
	_ =	sdelay $0x7  }
0xc5: {  	[tilespmem:v3+s8+$0x0] =	vst.idx.add.f32.msk $0xffff, v2  }
0xc6: {  	v3 =	vld [tilespmem:$0x270];
	_ =	sdelay $0x7  }
0xc7: {  	[tilespmem:v3+s8+$0x0] =	vst.idx.add.f32.msk $0xffff, v2  }
0xc8: {  	v3 =	vld [tilespmem:$0x280];
	_ =	sdelay $0x7  }
0xc9: {  	[tilespmem:v3+s8+$0x0] =	vst.idx.add.f32.msk $0xffff, v2  }
0xca: {  	v3 =	vld [tilespmem:$0x290];
	_ =	sdelay $0x7  }
0xcb: {  	[tilespmem:v3+s8+$0x0] =	vst.idx.add.f32.msk $0xffff, v2  }
0xcc: {  	v3 =	vld [tilespmem:$0x2A0];
	_ =	sdelay $0x7  }
0xcd: {  	[tilespmem:v3+s8+$0x0] =	vst.idx.add.f32.msk $0xffff, v2  }
0xce: {  	v3 =	vld [tilespmem:$0x2B0];
	_ =	sdelay $0x7  }
0xcf: {  	[tilespmem:v3+s8+$0x0] =	vst.idx.add.f32.msk $0xffff, v2  }
0xd0: {  	v3 =	vld [tilespmem:$0x2C0];
	_ =	sdelay $0x7  }
0xd1: {  	[tilespmem:v3+s8+$0x0] =	vst.idx.add.f32.msk $0xffff, v2  }
0xd2: {  	v3 =	vld [tilespmem:$0x2D0];
	_ =	sdelay $0x7  }
0xd3: {  	[tilespmem:v3+s8+$0x0] =	vst.idx.add.f32.msk $0xffff, v2  }
0xd4: {  	v3 =	vld [tilespmem:$0x2E0];
	_ =	sdelay $0x7  }
0xd5: {  	[tilespmem:v3+s8+$0x0] =	vst.idx.add.f32.msk $0xffff, v2  }
0xd6: {  	v3 =	vld [tilespmem:$0x2F0];
	_ =	sdelay $0x7  }
0xd7: {  	[tilespmem:v3+s8+$0x0] =	vst.idx.add.f32.msk $0xffff, v2  }
0xd8: {  	v3 =	vld [tilespmem:$0x300];
	_ =	sdelay $0x7  }
0xd9: {  	[tilespmem:v3+s8+$0x0] =	vst.idx.add.f32.msk $0xffff, v2  }
0xda: {  	v3 =	vld [tilespmem:$0x310];
	_ =	sdelay $0x7  }
0xdb: {  	[tilespmem:v3+s8+$0x0] =	vst.idx.add.f32.msk $0xffff, v2  }
0xdc: {  	v3 =	vld [tilespmem:$0x320];
	_ =	sdelay $0x7  }
0xdd: {  	[tilespmem:v3+s8+$0x0] =	vst.idx.add.f32.msk $0xffff, v2  }
0xde: {  	v3 =	vld [tilespmem:$0x330];
	_ =	sdelay $0x7  }
0xdf: {  	[tilespmem:v3+s8+$0x0] =	vst.idx.add.f32.msk $0xffff, v2  }
0xe0: {  	v3 =	vld [tilespmem:$0x340];
	_ =	sdelay $0x7  }
0xe1: {  	[tilespmem:v3+s8+$0x0] =	vst.idx.add.f32.msk $0xffff, v2  }
0xe2: {  	v3 =	vld [tilespmem:$0x350];
	_ =	sdelay $0x7  }
0xe3: {  	[tilespmem:v3+s8+$0x0] =	vst.idx.add.f32.msk $0xffff, v2  }
0xe4: {  	v3 =	vld [tilespmem:$0x360];
	_ =	sdelay $0x7  }
0xe5: {  	[tilespmem:v3+s8+$0x0] =	vst.idx.add.f32.msk $0xffff, v2  }
0xe6: {  	v3 =	vld [tilespmem:$0x370];
	_ =	sdelay $0x7  }
0xe7: {  	[tilespmem:v3+s8+$0x0] =	vst.idx.add.f32.msk $0xffff, v2  }
0xe8: {  	v3 =	vld [tilespmem:$0x380];
	_ =	sdelay $0x7  }
0xe9: {  	[tilespmem:v3+s8+$0x0] =	vst.idx.add.f32.msk $0xffff, v2  }
0xea: {  	v3 =	vld [tilespmem:$0x390];
	_ =	sdelay $0x7  }
0xeb: {  	[tilespmem:v3+s8+$0x0] =	vst.idx.add.f32.msk $0xffff, v2  }
0xec: {  	v3 =	vld [tilespmem:$0x3A0];
	_ =	sdelay $0x7  }
0xed: {  	[tilespmem:v3+s8+$0x0] =	vst.idx.add.f32.msk $0xffff, v2  }
0xee: {  	v3 =	vld [tilespmem:$0x3B0];
	_ =	sdelay $0x7  }
0xef: {  	[tilespmem:v3+s8+$0x0] =	vst.idx.add.f32.msk $0xffff, v2  }
0xf0: {  	v3 =	vld [tilespmem:$0x3C0];
	_ =	sdelay $0x7  }
0xf1: {  	[tilespmem:v3+s8+$0x0] =	vst.idx.add.f32.msk $0xffff, v2  }
0xf2: {  	v3 =	vld [tilespmem:$0x3D0];
	_ =	sdelay $0x7  }
0xf3: {  	[tilespmem:v3+s8+$0x0] =	vst.idx.add.f32.msk $0xffff, v2  }
0xf4: {  	v3 =	vld [tilespmem:$0x3E0];
	_ =	sdelay $0x7  }
0xf5: {  	[tilespmem:v3+s8+$0x0] =	vst.idx.add.f32.msk $0xffff, v2  }
0xf6: {  	v3 =	vld [tilespmem:$0x3F0];
	_ =	sdelay $0x7  }
0xf7: {  	s10 =	rddreg [dreg:$0xc];
	[tilespmem:v3+s8+$0x0] =	vst.idx.add.f32.msk $0xffff, v2  }
0xf8: {  	[spmem:s10] =	stream.linear.scatter [tilespmem:s8], [sflag:$0x4], $0x400, $0x38;
	[tilespmem:$0x1CD0] =	vst v63  }
0xf9: {  	_ =	swait.ge [sflag:s9], $0x400  }
0xfa: {  	[sflag:s9] =	ssyncset.done $0x0  }
0xfb: {  	[sflag:s9] =	ssyncadd.s32 $0xFFFFFC00  }
0xfc: {  	[bflag:$0x0] =	sbarrier.arrive $0xFFFF  }
0xfd: {  	s2 =	sld [smem:$0x7FD];
	_ =	sdelay $0x2  }
0xfe: {  	[tilespmem:s2], [sflag:$0x3] =	stream.linear.gather [spmem:s5], $0x40, $0x38;
	[tilespmem:$0x1CD0] =	vst v63  }
0xff: {  	s10 =	simm.s32 $0x840;
	s3 =	rddreg [dreg:$0xd]  }
0x100: {  	[tilespmem:s10], [sflag:$0x3] =	stream.linear.gather [spmem:s3], $0x40, $0x38;
	[tilespmem:$0x1CD0] =	vst v63  }
0x101: {  	s1 =	rddreg [dreg:$0xe]  }
0x102: {  	[tilespmem:s11], [sflag:$0x3] =	stream.linear.gather [spmem:s1], $0x40, $0x38;
	[tilespmem:$0x1CD0] =	vst v63  }
0x103: {  	s10 =	rddreg [dreg:$0xf]  }
0x104: {  	[tilespmem:s12], [sflag:$0x3] =	stream.linear.gather [spmem:s10], $0x40, $0x38;
	[tilespmem:$0x1CD0] =	vst v63  }
0x105: {  	s3 =	rddreg [dreg:$0x10]  }
0x106: {  	[tilespmem:s13], [sflag:$0x3] =	stream.linear.gather [spmem:s3], $0x40, $0x38;
	[tilespmem:$0x1CD0] =	vst v63  }
0x107: {  	s10 =	rddreg [dreg:$0x11]  }
0x108: {  	[tilespmem:s14], [sflag:$0x3] =	stream.linear.gather [spmem:s10], $0x40, $0x38;
	[tilespmem:$0x1CD0] =	vst v63  }
0x109: {  	s3 =	rddreg [dreg:$0x12]  }
0x10a: {  	[tilespmem:s15], [sflag:$0x3] =	stream.linear.gather [spmem:s3], $0x40, $0x38;
	[tilespmem:$0x1CD0] =	vst v63  }
0x10b: {  	s10 =	rddreg [dreg:$0x13]  }
0x10c: {  	[tilespmem:s16], [sflag:$0x3] =	stream.linear.gather [spmem:s10], $0x40, $0x38;
	[tilespmem:$0x1CD0] =	vst v63  }
0x10d: {  	s3 =	rddreg [dreg:$0x14]  }
0x10e: {  	[tilespmem:s17], [sflag:$0x3] =	stream.linear.gather [spmem:s3], $0x40, $0x38;
	[tilespmem:$0x1CD0] =	vst v63  }
0x10f: {  	s10 =	rddreg [dreg:$0x15]  }
0x110: {  	[tilespmem:s18], [sflag:$0x3] =	stream.linear.gather [spmem:s10], $0x40, $0x38;
	[tilespmem:$0x1CD0] =	vst v63  }
0x111: {  	s3 =	rddreg [dreg:$0x16]  }
0x112: {  	[tilespmem:s19], [sflag:$0x3] =	stream.linear.gather [spmem:s3], $0x40, $0x38;
	[tilespmem:$0x1CD0] =	vst v63  }
0x113: {  	s10 =	rddreg [dreg:$0x17]  }
0x114: {  	[tilespmem:s20], [sflag:$0x3] =	stream.linear.gather [spmem:s10], $0x40, $0x38;
	[tilespmem:$0x1CD0] =	vst v63  }
0x115: {  	s3 =	rddreg [dreg:$0x18]  }
0x116: {  	[tilespmem:s21], [sflag:$0x3] =	stream.linear.gather [spmem:s3], $0x40, $0x38;
	[tilespmem:$0x1CD0] =	vst v63  }
0x117: {  	s10 =	rddreg [dreg:$0x19]  }
0x118: {  	[tilespmem:s22], [sflag:$0x3] =	stream.linear.gather [spmem:s10], $0x40, $0x38;
	[tilespmem:$0x1CD0] =	vst v63  }
0x119: {  	s3 =	rddreg [dreg:$0x1a]  }
0x11a: {  	[tilespmem:s23], [sflag:$0x3] =	stream.linear.gather [spmem:s3], $0x40, $0x38;
	[tilespmem:$0x1CD0] =	vst v63  }
0x11b: {  	s10 =	rddreg [dreg:$0x1b]  }
0x11c: {  	[tilespmem:s24], [sflag:$0x3] =	stream.linear.gather [spmem:s10], $0x40, $0x38;
	[tilespmem:$0x1CD0] =	vst v63  }
0x11d: {  	_ =	swait.ge [sflag:s25], $0x40  }
0x11e: {  	[sflag:s25] =	ssyncset.done $0x0  }
0x11f: {  	[sflag:s25] =	ssyncadd.s32 $0xFFFFFFC0  }
0x120: {  	_ =	swait.ge [sflag:s25], $0x40  }
0x121: {  	[sflag:s25] =	ssyncset.done $0x0  }
0x122: {  	[sflag:s25] =	ssyncadd.s32 $0xFFFFFFC0  }
0x123: {  	_ =	swait.ge [sflag:s25], $0x40  }
0x124: {  	[sflag:s25] =	ssyncset.done $0x0  }
0x125: {  	[sflag:s25] =	ssyncadd.s32 $0xFFFFFFC0  }
0x126: {  	_ =	swait.ge [sflag:s25], $0x40  }
0x127: {  	[sflag:s25] =	ssyncset.done $0x0  }
0x128: {  	[sflag:s25] =	ssyncadd.s32 $0xFFFFFFC0  }
0x129: {  	_ =	swait.ge [sflag:s25], $0x40  }
0x12a: {  	[sflag:s25] =	ssyncset.done $0x0  }
0x12b: {  	[sflag:s25] =	ssyncadd.s32 $0xFFFFFFC0  }
0x12c: {  	_ =	swait.ge [sflag:s25], $0x40  }
0x12d: {  	[sflag:s25] =	ssyncset.done $0x0  }
0x12e: {  	[sflag:s25] =	ssyncadd.s32 $0xFFFFFFC0  }
0x12f: {  	_ =	swait.ge [sflag:s25], $0x40  }
0x130: {  	[sflag:s25] =	ssyncset.done $0x0  }
0x131: {  	[sflag:s25] =	ssyncadd.s32 $0xFFFFFFC0  }
0x132: {  	_ =	swait.ge [sflag:s25], $0x40  }
0x133: {  	[sflag:s25] =	ssyncset.done $0x0  }
0x134: {  	[sflag:s25] =	ssyncadd.s32 $0xFFFFFFC0  }
0x135: {  	_ =	swait.ge [sflag:s25], $0x40  }
0x136: {  	[sflag:s25] =	ssyncset.done $0x0  }
0x137: {  	[sflag:s25] =	ssyncadd.s32 $0xFFFFFFC0  }
0x138: {  	_ =	swait.ge [sflag:s25], $0x40  }
0x139: {  	[sflag:s25] =	ssyncset.done $0x0  }
0x13a: {  	[sflag:s25] =	ssyncadd.s32 $0xFFFFFFC0  }
0x13b: {  	_ =	swait.ge [sflag:s25], $0x40  }
0x13c: {  	[sflag:s25] =	ssyncset.done $0x0  }
0x13d: {  	[sflag:s25] =	ssyncadd.s32 $0xFFFFFFC0  }
0x13e: {  	_ =	swait.ge [sflag:s25], $0x40  }
0x13f: {  	[sflag:s25] =	ssyncset.done $0x0  }
0x140: {  	[sflag:s25] =	ssyncadd.s32 $0xFFFFFFC0  }
0x141: {  	_ =	swait.ge [sflag:s25], $0x40  }
0x142: {  	[sflag:s25] =	ssyncset.done $0x0  }
0x143: {  	[sflag:s25] =	ssyncadd.s32 $0xFFFFFFC0  }
0x144: {  	_ =	swait.ge [sflag:s25], $0x40  }
0x145: {  	[sflag:s25] =	ssyncset.done $0x0  }
0x146: {  	[sflag:s25] =	ssyncadd.s32 $0xFFFFFFC0  }
0x147: {  	_ =	swait.ge [sflag:s25], $0x40  }
0x148: {  	[sflag:s25] =	ssyncset.done $0x0  }
0x149: {  	[sflag:s25] =	ssyncadd.s32 $0xFFFFFFC0  }
0x14a: {  	_ =	swait.ge [sflag:s25], $0x40  }
0x14b: {  	[sflag:s25] =	ssyncset.done $0x0  }
0x14c: {  	[sflag:s25] =	ssyncadd.s32 $0xFFFFFFC0  }
0x14d: {  	v3 =	vld [tilespmem:$0x800]  }
0x14e: {  	v4 =	vld [tilespmem:$0x810]  }
0x14f: {  	v5 =	vld [tilespmem:$0x820]  }
0x150: {  	v6 =	vld [tilespmem:$0x830]  }
0x151: {  	v7 =	vld [tilespmem:$0x840]  }
0x152: {  	v8 =	vld [tilespmem:$0x850]  }
0x153: {  	v9 =	vld [tilespmem:$0x860]  }
0x154: {  	v10 =	vld [tilespmem:$0x870]  }
0x155: {  	v11 =	vld [tilespmem:$0x880]  }
0x156: {  	v12 =	vld [tilespmem:$0x890]  }
0x157: {  	v13 =	vld [tilespmem:$0x8A0]  }
0x158: {  	v14 =	vld [tilespmem:$0x8B0]  }
0x159: {  	v15 =	vld [tilespmem:$0x8C0]  }
0x15a: {  	v16 =	vld [tilespmem:$0x8D0]  }
0x15b: {  	v17 =	vld [tilespmem:$0x8E0]  }
0x15c: {  	v18 =	vld [tilespmem:$0x8F0]  }
0x15d: {  	v19 =	vld [tilespmem:$0x900]  }
0x15e: {  	v20 =	vld [tilespmem:$0x910]  }
0x15f: {  	v21 =	vld [tilespmem:$0x920]  }
0x160: {  	v22 =	vld [tilespmem:$0x930]  }
0x161: {  	v23 =	vld [tilespmem:$0x940]  }
0x162: {  	v24 =	vld [tilespmem:$0x950]  }
0x163: {  	v25 =	vld [tilespmem:$0x960]  }
0x164: {  	v26 =	vld [tilespmem:$0x970]  }
0x165: {  	v27 =	vld [tilespmem:$0x980]  }
0x166: {  	v28 =	vld [tilespmem:$0x990]  }
0x167: {  	v29 =	vld [tilespmem:$0x9A0]  }
0x168: {  	v30 =	vld [tilespmem:$0x9B0]  }
0x169: {  	v31 =	vld [tilespmem:$0x9C0]  }
0x16a: {  	v32 =	vld [tilespmem:$0x9D0]  }
0x16b: {  	v33 =	vld [tilespmem:$0x9E0]  }
0x16c: {  	v34 =	vld [tilespmem:$0x9F0]  }
0x16d: {  	v35 =	vld [tilespmem:$0xA00]  }
0x16e: {  	v36 =	vld [tilespmem:$0xA10];
	v3 =	vadd.f32 $0.0e+00, v3  }
0x16f: {  	v37 =	vld [tilespmem:$0xA20]  }
0x170: {  	v43 =	vld [tilespmem:$0xA30];
	v4 =	vadd.f32 $0.0e+00, v4;
	v3 =	vadd.f32 v7, v3  }
0x171: {  	v38 =	vld [tilespmem:$0xA40];
	v5 =	vadd.f32 $0.0e+00, v5  }
0x172: {  	v44 =	vld [tilespmem:$0xA50];
	v4 =	vadd.f32 v8, v4;
	v3 =	vadd.f32 v11, v3  }
0x173: {  	v45 =	vld [tilespmem:$0xA60];
	v6 =	vadd.f32 $0.0e+00, v6;
	v5 =	vadd.f32 v9, v5  }
0x174: {  	v46 =	vld [tilespmem:$0xA70];
	v4 =	vadd.f32 v12, v4;
	v3 =	vadd.f32 v15, v3  }
0x175: {  	v47 =	vld [tilespmem:$0xA80];
	v6 =	vadd.f32 v10, v6;
	v5 =	vadd.f32 v13, v5  }
0x176: {  	v48 =	vld [tilespmem:$0xA90];
	v4 =	vadd.f32 v16, v4;
	v3 =	vadd.f32 v19, v3  }
0x177: {  	v49 =	vld [tilespmem:$0xAA0];
	v6 =	vadd.f32 v14, v6;
	v5 =	vadd.f32 v17, v5  }
0x178: {  	v50 =	vld [tilespmem:$0xAB0];
	v4 =	vadd.f32 v20, v4;
	v3 =	vadd.f32 v23, v3  }
0x179: {  	v51 =	vld [tilespmem:$0xAC0];
	v6 =	vadd.f32 v18, v6;
	v5 =	vadd.f32 v21, v5  }
0x17a: {  	v52 =	vld [tilespmem:$0xAD0];
	v4 =	vadd.f32 v24, v4;
	v3 =	vadd.f32 v27, v3  }
0x17b: {  	v53 =	vld [tilespmem:$0xAE0];
	v6 =	vadd.f32 v22, v6;
	v5 =	vadd.f32 v25, v5  }
0x17c: {  	v54 =	vld [tilespmem:$0xAF0];
	v4 =	vadd.f32 v28, v4;
	v3 =	vadd.f32 v31, v3  }
0x17d: {  	v55 =	vld [tilespmem:$0xB00];
	v6 =	vadd.f32 v26, v6;
	v5 =	vadd.f32 v29, v5  }
0x17e: {  	v56 =	vld [tilespmem:$0xB10];
	v4 =	vadd.f32 v32, v4;
	v3 =	vadd.f32 v35, v3  }
0x17f: {  	v57 =	vld [tilespmem:$0xB20];
	v6 =	vadd.f32 v30, v6;
	v5 =	vadd.f32 v33, v5  }
0x180: {  	v58 =	vld [tilespmem:$0xB30];
	v4 =	vadd.f32 v36, v4;
	v3 =	vadd.f32 v38, v3  }
0x181: {  	v59 =	vld [tilespmem:$0xB40];
	v6 =	vadd.f32 v34, v6;
	v5 =	vadd.f32 v37, v5  }
0x182: {  	v60 =	vld [tilespmem:$0xB50];
	v4 =	vadd.f32 v44, v4;
	v3 =	vadd.f32 v47, v3  }
0x183: {  	v61 =	vld [tilespmem:$0xB60];
	v6 =	vadd.f32 v43, v6;
	v5 =	vadd.f32 v45, v5  }
0x184: {  	v62 =	vld [tilespmem:$0xB70];
	v4 =	vadd.f32 v48, v4;
	v3 =	vadd.f32 v51, v3  }
0x185: {  	v63 =	vld [tilespmem:$0xB80];
	v6 =	vadd.f32 v46, v6;
	v5 =	vadd.f32 v49, v5  }
0x186: {  	v16 =	vld [tilespmem:$0xB90];
	v4 =	vadd.f32 v52, v4;
	v3 =	vadd.f32 v55, v3  }
0x187: {  	v17 =	vld [tilespmem:$0xBC0];
	v6 =	vadd.f32 v50, v6;
	v5 =	vadd.f32 v53, v5  }
0x188: {  	v19 =	vld [tilespmem:$0xBA0];
	v4 =	vadd.f32 v56, v4;
	v3 =	vadd.f32 v59, v3  }
0x189: {  	v20 =	vld [tilespmem:$0xBD0];
	v6 =	vadd.f32 v54, v6;
	v5 =	vadd.f32 v57, v5  }
0x18a: {  	v21 =	vld [tilespmem:$0xBB0];
	v4 =	vadd.f32 v60, v4;
	v3 =	vadd.f32 v63, v3  }
0x18b: {  	v23 =	vld [tilespmem:$0xBE0];
	v6 =	vadd.f32 v58, v6;
	v5 =	vadd.f32 v61, v5  }
0x18c: {  	v4 =	vadd.f32 v16, v4;
	v3 =	vadd.f32 v17, v3  }
0x18d: {  	v24 =	vld [tilespmem:$0xBF0];
	v6 =	vadd.f32 v62, v6  }
0x18e: {  	v5 =	vadd.f32 v19, v5;
	v4 =	vadd.f32 v20, v4;
	v25 =	vmul.f32 $6.103515630e-05, v3  }
0x18f: {  	v6 =	vadd.f32 v21, v6;
	vm0 =	vgt.f32 v3, $0.0e+00  }
0x190: {  	v5 =	vadd.f32 v23, v5;
	v27 =	vmul.f32 $6.103515630e-05, v4;
	v26 =	vnsel vm0, $0x3F800000, v25  }
0x191: {  	vm1 =	vgt.f32 v4, $0.0e+00;
	(erf) = vrcp.f32 v26  }
0x192: {  	v6 =	vadd.f32 v24, v6;
	v29 =	vmul.f32 $6.103515630e-05, v5;
	v28 =	vnsel vm1, $0x3F800000, v27  }
0x193: {  	vm2 =	vgt.f32 v5, $0.0e+00;
	(erf) = vrcp.f32 v28  }
0x194: {  	v31 =	vmul.f32 $6.103515630e-05, v6;
	v30 =	vnsel vm2, $0x3F800000, v29  }
0x195: {  	vm3 =	vgt.f32 v6, $0.0e+00;
	(erf) = vrcp.f32 v30  }
0x196: {  	v32 =	vnsel vm3, $0x3F800000, v31  }
0x197: {  	(erf) = vrcp.f32 v32;
	_ =	sdelay $0x2  }
0x198: {  	v33 =	vpop (erf)  }
0x199: {  	v7 =	vnsel vm0, $0x0, v33  }
0x19a: {  	v34 =	vpop (erf);
	v3 =	vmul.f32 v7, v3  }
0x19b: {  	v8 =	vnsel vm1, $0x0, v34  }
0x19c: {  	v35 =	vpop (erf);
	v4 =	vmul.f32 v8, v4;
	v3 =	vadd.f32 $0.0e+00, v3  }
0x19d: {  	v9 =	vnsel vm2, $0x0, v35  }
0x19e: {  	v37 =	vpop (erf);
	v36 =	vmul.f32 v9, v5;
	v3 =	vadd.f32 v4, v3  }
0x19f: {  	v5 =	vnsel vm3, $0x0, v37  }
0x1a0: {  	[tilespmem:$0xC00] =	vst v7;
	v38 =	vmul.f32 v5, v6;
	v3 =	vadd.f32 v36, v3  }
0x1a1: {  	[tilespmem:$0xC10] =	vst v8  }
0x1a2: {  	[tilespmem:$0xC20] =	vst v9;
	v3 =	vadd.f32 v38, v3  }
0x1a3: {  	[tilespmem:$0xC30] =	vst v5  }
0x1a4: {  	s3 =	rddreg [dreg:$0x1c];
	[tilespmem:$0x1700] =	vst v3  }
0x1a5: {  	[spmem:s3] =	stream.linear.scatter [tilespmem:s26], [sflag:$0x4], $0x40, $0x38;
	[tilespmem:$0x1CD0] =	vst v63  }
0x1a6: {  	_ =	swait.ge [sflag:s9], $0x40  }
0x1a7: {  	[sflag:s9] =	ssyncset.done $0x0  }
0x1a8: {  	s10 =	rddreg [dreg:$0x1d];
	[sflag:s9] =	ssyncadd.s32 $0xFFFFFFC0  }
0x1a9: {  	[spmem:s10] =	stream.linear.scatter [tilespmem:s28], [sflag:$0x4], $0x10, $0x38;
	[tilespmem:$0x1CD0] =	vst v63  }
0x1aa: {  	_ =	swait.ge [sflag:s9], $0x10  }
0x1ab: {  	[sflag:s9] =	ssyncset.done $0x0  }
0x1ac: {  	[sflag:s9] =	ssyncadd.s32 $0xFFFFFFF0  }
0x1ad: {  	[bflag:$0x0] =	sbarrier.arrive $0xFFFF  }
0x1ae: {  	s2 =	rddreg [dreg:$0x5]  }
0x1af: {  	[tilespmem:s29], [sflag:$0x1] =	stream.linear.gather [spmem:s2], $0x400, $0x38;
	[tilespmem:$0x1CD0] =	vst v63  }
0x1b0: {  	s3 =	rddreg [dreg:$0x6]  }
0x1b1: {  	[tilespmem:s30], [sflag:$0x3] =	stream.linear.gather [spmem:s3], $0x100, $0x38;
	[tilespmem:$0x1CD0] =	vst v63  }
0x1b2: {  	_ =	swait.ge [sflag:s7], $0x400  }
0x1b3: {  	[sflag:s7] =	ssyncset.done $0x0  }
0x1b4: {  	[sflag:s7] =	ssyncadd.s32 $0xFFFFFC00  }
0x1b5: {  	_ =	swait.ge [sflag:s25], $0x100  }
0x1b6: {  	[sflag:s25] =	ssyncset.done $0x0  }
0x1b7: {  	[sflag:s25] =	ssyncadd.s32 $0xFFFFFF00  }
0x1b8: {  	v3 =	vld [tilespmem:$0x1780];
	_ =	sdelay $0x1  }
0x1b9: {  	v39 =	vld [tilespmem:$0x1790];
	_ =	sdelay $0x1  }
0x1ba: {  	v40 =	vld [tilespmem:$0x17A0]  }
0x1bb: {  	v3 =	vadd.f32 $0.0e+00, v3  }
0x1bc: {  	v41 =	vld [tilespmem:$0x17B0]  }
0x1bd: {  	v3 =	vadd.f32 v39, v3  }
0x1be: {  	v42 =	vld [tilespmem:$0x17C0]  }
0x1bf: {  	v3 =	vadd.f32 v40, v3  }
0x1c0: {  	v43 =	vld [tilespmem:$0x17D0]  }
0x1c1: {  	v3 =	vadd.f32 v41, v3  }
0x1c2: {  	v44 =	vld [tilespmem:$0x17E0]  }
0x1c3: {  	v3 =	vadd.f32 v42, v3  }
0x1c4: {  	v45 =	vld [tilespmem:$0x17F0]  }
0x1c5: {  	v3 =	vadd.f32 v43, v3  }
0x1c6: {  	v46 =	vld [tilespmem:$0x1800]  }
0x1c7: {  	v3 =	vadd.f32 v44, v3  }
0x1c8: {  	v47 =	vld [tilespmem:$0x1810]  }
0x1c9: {  	v3 =	vadd.f32 v45, v3  }
0x1ca: {  	v48 =	vld [tilespmem:$0x1820]  }
0x1cb: {  	v3 =	vadd.f32 v46, v3  }
0x1cc: {  	v49 =	vld [tilespmem:$0x1830]  }
0x1cd: {  	v3 =	vadd.f32 v47, v3  }
0x1ce: {  	v50 =	vld [tilespmem:$0x1840]  }
0x1cf: {  	v3 =	vadd.f32 v48, v3  }
0x1d0: {  	v51 =	vld [tilespmem:$0x1850]  }
0x1d1: {  	v3 =	vadd.f32 v49, v3  }
0x1d2: {  	v52 =	vld [tilespmem:$0x1860]  }
0x1d3: {  	v3 =	vadd.f32 v50, v3  }
0x1d4: {  	v53 =	vld [tilespmem:$0x1870]  }
0x1d5: {  	v3 =	vadd.f32 v51, v3;
	_ =	sdelay $0x1  }
0x1d6: {  	v3 =	vadd.f32 v52, v3;
	_ =	sdelay $0x1  }
0x1d7: {  	v3 =	vadd.f32 v53, v3;
	_ =	sdelay $0x1  }
0x1d8: {  	(xrf2) =	vadd.scan.msk.f32 $0xffff, v3;
	_ =	sdelay $0x9  }
0x1d9: {  	v3, _, _ =	vpop (xrf2)  }
0x1da: {  	v3 =	vmul.f32 $6.103515630e-05, v3;
	_ =	sdelay $0x1  }
0x1db: {  	v3 =	vbroadcast v3, $0xF;
	_ =	sdelay $0x1  }
0x1dc: {  	(erf) = vrcp.f32 v3;
	_ =	sdelay $0x8  }
0x1dd: {  	v3 =	vpop (erf)  }
0x1de: {  	_ =	swait.ge [sflag:s31], $0x200  }
0x1df: {  	[sflag:s31] =	ssyncset.done $0x0  }
0x1e0: {  	[sflag:s31] =	ssyncadd.s32 $0xFFFFFE00  }
0x1e1: {  	_ =	swait.ge [sflag:s31], $0x200  }
0x1e2: {  	[sflag:s31] =	ssyncset.done $0x0  }
0x1e3: {  	[sflag:s31] =	ssyncadd.s32 $0xFFFFFE00  }
0x1e4: {  	_ =	swait.ge [sflag:s31], $0x1  }
0x1e5: {  	[sflag:s31] =	ssyncset.done $0x0  }
0x1e6: {  	[sflag:s31] =	ssyncadd.s32 $0xFFFFFFFF  }
0x1e7: {  	v54 =	vld [tilespmem:$0x1680];
	_ =	sdelay $0x2  }
0x1e8: {  	v55 =	vld [tilespmem:$0x1080];
	_ =	sdelay $0x1  }
0x1e9: {  	(xrf0) =	vadd.scan.msk.s32 $0xffff, v54;
	_ =	sdelay $0x5  }
0x1ea: {  	v5 =	vld.idx.msk [tilespmem:v55+s29+$0x0], $0xffff;
	v4, _, _ =	vpop (xrf0)  }
0x1eb: {  	vm14 =	veq.s32 v4, $0x0  }
0x1ec: {  	v56 =	vld [tilespmem:$0x1280];
	v4 =	vsel vm14, $0x1, v0  }
0x1ed: {  	v57 =	vld [tilespmem:$0x1090];
	v4 =	vbroadcast v4, $0xF;
	_ =	sdelay $0x1  }
0x1ee: {  	v5 =	vmul.f32 v5, v3;
	v4 =	vand.u32 $0x1, v4  }
0x1ef: {  	vm15 =	veq.s32 v4, $0x1  }
0x1f0: {  	v4 =	vnsel vm15, $0x3A83126F, v5  }
0x1f1: {  	v4 =	vmul.f32 v4, v56;
	_ =	sdelay $0x1  }
0x1f2: {  	[tilespmem:$0x1480] =	vst v4  }
0x1f3: {  	v4 =	vld.idx.msk [tilespmem:v57+s29+$0x0], $0xffff;
	_ =	sdelay $0x1  }
0x1f4: {  	v58 =	vld [tilespmem:$0x1290]  }
0x1f5: {  	v59 =	vld [tilespmem:$0x10A0];
	_ =	sdelay $0x1  }
0x1f6: {  	v4 =	vmul.f32 v4, v3;
	_ =	sdelay $0x1  }
0x1f7: {  	v4 =	vnsel vm15, $0x3A83126F, v4  }
0x1f8: {  	v4 =	vmul.f32 v4, v58;
	_ =	sdelay $0x1  }
0x1f9: {  	[tilespmem:$0x1490] =	vst v4  }
0x1fa: {  	v4 =	vld.idx.msk [tilespmem:v59+s29+$0x0], $0xffff;
	_ =	sdelay $0x1  }
0x1fb: {  	v60 =	vld [tilespmem:$0x12A0]  }
0x1fc: {  	v61 =	vld [tilespmem:$0x10B0];
	_ =	sdelay $0x1  }
0x1fd: {  	v4 =	vmul.f32 v4, v3;
	_ =	sdelay $0x1  }
0x1fe: {  	v4 =	vnsel vm15, $0x3A83126F, v4  }
0x1ff: {  	v4 =	vmul.f32 v4, v60;
	_ =	sdelay $0x1  }
0x200: {  	[tilespmem:$0x14A0] =	vst v4  }
0x201: {  	v4 =	vld.idx.msk [tilespmem:v61+s29+$0x0], $0xffff;
	_ =	sdelay $0x1  }
0x202: {  	v62 =	vld [tilespmem:$0x12B0]  }
0x203: {  	v63 =	vld [tilespmem:$0x10C0];
	_ =	sdelay $0x1  }
0x204: {  	v4 =	vmul.f32 v4, v3;
	_ =	sdelay $0x1  }
0x205: {  	v4 =	vnsel vm15, $0x3A83126F, v4  }
0x206: {  	v4 =	vmul.f32 v4, v62;
	_ =	sdelay $0x1  }
0x207: {  	[tilespmem:$0x14B0] =	vst v4  }
0x208: {  	v4 =	vld.idx.msk [tilespmem:v63+s29+$0x0], $0xffff;
	_ =	sdelay $0x1  }
0x209: {  	v9 =	vld [tilespmem:$0x12C0]  }
0x20a: {  	v10 =	vld [tilespmem:$0x10D0];
	_ =	sdelay $0x1  }
0x20b: {  	v4 =	vmul.f32 v4, v3;
	_ =	sdelay $0x1  }
0x20c: {  	v4 =	vnsel vm15, $0x3A83126F, v4  }
0x20d: {  	v4 =	vmul.f32 v4, v9;
	_ =	sdelay $0x1  }
0x20e: {  	[tilespmem:$0x14C0] =	vst v4  }
0x20f: {  	v4 =	vld.idx.msk [tilespmem:v10+s29+$0x0], $0xffff;
	_ =	sdelay $0x1  }
0x210: {  	v11 =	vld [tilespmem:$0x12D0]  }
0x211: {  	v12 =	vld [tilespmem:$0x10E0];
	_ =	sdelay $0x1  }
0x212: {  	v4 =	vmul.f32 v4, v3;
	_ =	sdelay $0x1  }
0x213: {  	v4 =	vnsel vm15, $0x3A83126F, v4  }
0x214: {  	v4 =	vmul.f32 v4, v11;
	_ =	sdelay $0x1  }
0x215: {  	[tilespmem:$0x14D0] =	vst v4  }
0x216: {  	v4 =	vld.idx.msk [tilespmem:v12+s29+$0x0], $0xffff;
	_ =	sdelay $0x1  }
0x217: {  	v13 =	vld [tilespmem:$0x12E0]  }
0x218: {  	v14 =	vld [tilespmem:$0x10F0];
	_ =	sdelay $0x1  }
0x219: {  	v4 =	vmul.f32 v4, v3;
	_ =	sdelay $0x1  }
0x21a: {  	v4 =	vnsel vm15, $0x3A83126F, v4  }
0x21b: {  	v4 =	vmul.f32 v4, v13;
	_ =	sdelay $0x1  }
0x21c: {  	[tilespmem:$0x14E0] =	vst v4  }
0x21d: {  	v4 =	vld.idx.msk [tilespmem:v14+s29+$0x0], $0xffff;
	_ =	sdelay $0x1  }
0x21e: {  	v15 =	vld [tilespmem:$0x12F0]  }
0x21f: {  	v16 =	vld [tilespmem:$0x1100];
	_ =	sdelay $0x1  }
0x220: {  	v4 =	vmul.f32 v4, v3;
	_ =	sdelay $0x1  }
0x221: {  	v4 =	vnsel vm15, $0x3A83126F, v4  }
0x222: {  	v4 =	vmul.f32 v4, v15;
	_ =	sdelay $0x1  }
0x223: {  	[tilespmem:$0x14F0] =	vst v4  }
0x224: {  	v4 =	vld.idx.msk [tilespmem:v16+s29+$0x0], $0xffff;
	_ =	sdelay $0x1  }
0x225: {  	v17 =	vld [tilespmem:$0x1300]  }
0x226: {  	v18 =	vld [tilespmem:$0x1110];
	_ =	sdelay $0x1  }
0x227: {  	v4 =	vmul.f32 v4, v3;
	_ =	sdelay $0x1  }
0x228: {  	v4 =	vnsel vm15, $0x3A83126F, v4  }
0x229: {  	v4 =	vmul.f32 v4, v17;
	_ =	sdelay $0x1  }
0x22a: {  	[tilespmem:$0x1500] =	vst v4  }
0x22b: {  	v4 =	vld.idx.msk [tilespmem:v18+s29+$0x0], $0xffff;
	_ =	sdelay $0x1  }
0x22c: {  	v19 =	vld [tilespmem:$0x1310]  }
0x22d: {  	v20 =	vld [tilespmem:$0x1120];
	_ =	sdelay $0x1  }
0x22e: {  	v4 =	vmul.f32 v4, v3;
	_ =	sdelay $0x1  }
0x22f: {  	v4 =	vnsel vm15, $0x3A83126F, v4  }
0x230: {  	v4 =	vmul.f32 v4, v19;
	_ =	sdelay $0x1  }
0x231: {  	[tilespmem:$0x1510] =	vst v4  }
0x232: {  	v4 =	vld.idx.msk [tilespmem:v20+s29+$0x0], $0xffff;
	_ =	sdelay $0x1  }
0x233: {  	v21 =	vld [tilespmem:$0x1320]  }
0x234: {  	v22 =	vld [tilespmem:$0x1130];
	_ =	sdelay $0x1  }
0x235: {  	v4 =	vmul.f32 v4, v3;
	_ =	sdelay $0x1  }
0x236: {  	v4 =	vnsel vm15, $0x3A83126F, v4  }
0x237: {  	v4 =	vmul.f32 v4, v21;
	_ =	sdelay $0x1  }
0x238: {  	[tilespmem:$0x1520] =	vst v4  }
0x239: {  	v4 =	vld.idx.msk [tilespmem:v22+s29+$0x0], $0xffff;
	_ =	sdelay $0x1  }
0x23a: {  	v23 =	vld [tilespmem:$0x1330]  }
0x23b: {  	v24 =	vld [tilespmem:$0x1140];
	_ =	sdelay $0x1  }
0x23c: {  	v4 =	vmul.f32 v4, v3;
	_ =	sdelay $0x1  }
0x23d: {  	v4 =	vnsel vm15, $0x3A83126F, v4  }
0x23e: {  	v4 =	vmul.f32 v4, v23;
	_ =	sdelay $0x1  }
0x23f: {  	[tilespmem:$0x1530] =	vst v4  }
0x240: {  	v4 =	vld.idx.msk [tilespmem:v24+s29+$0x0], $0xffff;
	_ =	sdelay $0x1  }
0x241: {  	v25 =	vld [tilespmem:$0x1340]  }
0x242: {  	v26 =	vld [tilespmem:$0x1150];
	_ =	sdelay $0x1  }
0x243: {  	v4 =	vmul.f32 v4, v3;
	_ =	sdelay $0x1  }
0x244: {  	v4 =	vnsel vm15, $0x3A83126F, v4  }
0x245: {  	v4 =	vmul.f32 v4, v25;
	_ =	sdelay $0x1  }
0x246: {  	[tilespmem:$0x1540] =	vst v4  }
0x247: {  	v4 =	vld.idx.msk [tilespmem:v26+s29+$0x0], $0xffff;
	_ =	sdelay $0x1  }
0x248: {  	v27 =	vld [tilespmem:$0x1350]  }
0x249: {  	v28 =	vld [tilespmem:$0x1160];
	_ =	sdelay $0x1  }
0x24a: {  	v4 =	vmul.f32 v4, v3;
	_ =	sdelay $0x1  }
0x24b: {  	v4 =	vnsel vm15, $0x3A83126F, v4  }
0x24c: {  	v4 =	vmul.f32 v4, v27;
	_ =	sdelay $0x1  }
0x24d: {  	[tilespmem:$0x1550] =	vst v4  }
0x24e: {  	v4 =	vld.idx.msk [tilespmem:v28+s29+$0x0], $0xffff;
	_ =	sdelay $0x1  }
0x24f: {  	v29 =	vld [tilespmem:$0x1360]  }
0x250: {  	v30 =	vld [tilespmem:$0x1170];
	_ =	sdelay $0x1  }
0x251: {  	v4 =	vmul.f32 v4, v3;
	_ =	sdelay $0x1  }
0x252: {  	v4 =	vnsel vm15, $0x3A83126F, v4  }
0x253: {  	v4 =	vmul.f32 v4, v29;
	_ =	sdelay $0x1  }
0x254: {  	[tilespmem:$0x1560] =	vst v4  }
0x255: {  	v4 =	vld.idx.msk [tilespmem:v30+s29+$0x0], $0xffff;
	_ =	sdelay $0x1  }
0x256: {  	v31 =	vld [tilespmem:$0x1370]  }
0x257: {  	v32 =	vld [tilespmem:$0x1180];
	_ =	sdelay $0x1  }
0x258: {  	v4 =	vmul.f32 v4, v3;
	_ =	sdelay $0x1  }
0x259: {  	v4 =	vnsel vm15, $0x3A83126F, v4  }
0x25a: {  	v4 =	vmul.f32 v4, v31;
	_ =	sdelay $0x1  }
0x25b: {  	[tilespmem:$0x1570] =	vst v4  }
0x25c: {  	v4 =	vld.idx.msk [tilespmem:v32+s29+$0x0], $0xffff;
	_ =	sdelay $0x1  }
0x25d: {  	v33 =	vld [tilespmem:$0x1380]  }
0x25e: {  	v34 =	vld [tilespmem:$0x1190];
	_ =	sdelay $0x1  }
0x25f: {  	v4 =	vmul.f32 v4, v3;
	_ =	sdelay $0x1  }
0x260: {  	v4 =	vnsel vm15, $0x3A83126F, v4  }
0x261: {  	v4 =	vmul.f32 v4, v33;
	_ =	sdelay $0x1  }
0x262: {  	[tilespmem:$0x1580] =	vst v4  }
0x263: {  	v4 =	vld.idx.msk [tilespmem:v34+s29+$0x0], $0xffff;
	_ =	sdelay $0x1  }
0x264: {  	v35 =	vld [tilespmem:$0x1390]  }
0x265: {  	v36 =	vld [tilespmem:$0x11A0];
	_ =	sdelay $0x1  }
0x266: {  	v4 =	vmul.f32 v4, v3;
	_ =	sdelay $0x1  }
0x267: {  	v4 =	vnsel vm15, $0x3A83126F, v4  }
0x268: {  	v4 =	vmul.f32 v4, v35;
	_ =	sdelay $0x1  }
0x269: {  	[tilespmem:$0x1590] =	vst v4  }
0x26a: {  	v4 =	vld.idx.msk [tilespmem:v36+s29+$0x0], $0xffff;
	_ =	sdelay $0x1  }
0x26b: {  	v37 =	vld [tilespmem:$0x13A0]  }
0x26c: {  	v38 =	vld [tilespmem:$0x11B0];
	_ =	sdelay $0x1  }
0x26d: {  	v4 =	vmul.f32 v4, v3;
	_ =	sdelay $0x1  }
0x26e: {  	v4 =	vnsel vm15, $0x3A83126F, v4  }
0x26f: {  	v4 =	vmul.f32 v4, v37;
	_ =	sdelay $0x1  }
0x270: {  	[tilespmem:$0x15A0] =	vst v4  }
0x271: {  	v4 =	vld.idx.msk [tilespmem:v38+s29+$0x0], $0xffff;
	_ =	sdelay $0x1  }
0x272: {  	v39 =	vld [tilespmem:$0x13B0]  }
0x273: {  	v40 =	vld [tilespmem:$0x11C0];
	_ =	sdelay $0x1  }
0x274: {  	v4 =	vmul.f32 v4, v3;
	_ =	sdelay $0x1  }
0x275: {  	v4 =	vnsel vm15, $0x3A83126F, v4  }
0x276: {  	v4 =	vmul.f32 v4, v39;
	_ =	sdelay $0x1  }
0x277: {  	[tilespmem:$0x15B0] =	vst v4  }
0x278: {  	v4 =	vld.idx.msk [tilespmem:v40+s29+$0x0], $0xffff;
	_ =	sdelay $0x1  }
0x279: {  	v41 =	vld [tilespmem:$0x13C0]  }
0x27a: {  	v42 =	vld [tilespmem:$0x11D0];
	_ =	sdelay $0x1  }
0x27b: {  	v4 =	vmul.f32 v4, v3;
	_ =	sdelay $0x1  }
0x27c: {  	v4 =	vnsel vm15, $0x3A83126F, v4  }
0x27d: {  	v4 =	vmul.f32 v4, v41;
	_ =	sdelay $0x1  }
0x27e: {  	[tilespmem:$0x15C0] =	vst v4  }
0x27f: {  	v4 =	vld.idx.msk [tilespmem:v42+s29+$0x0], $0xffff;
	_ =	sdelay $0x1  }
0x280: {  	v43 =	vld [tilespmem:$0x13D0]  }
0x281: {  	v44 =	vld [tilespmem:$0x11E0];
	_ =	sdelay $0x1  }
0x282: {  	v4 =	vmul.f32 v4, v3;
	_ =	sdelay $0x1  }
0x283: {  	v4 =	vnsel vm15, $0x3A83126F, v4  }
0x284: {  	v4 =	vmul.f32 v4, v43;
	_ =	sdelay $0x1  }
0x285: {  	[tilespmem:$0x15D0] =	vst v4  }
0x286: {  	v4 =	vld.idx.msk [tilespmem:v44+s29+$0x0], $0xffff;
	_ =	sdelay $0x1  }
0x287: {  	v45 =	vld [tilespmem:$0x13E0]  }
0x288: {  	v46 =	vld [tilespmem:$0x11F0];
	_ =	sdelay $0x1  }
0x289: {  	v4 =	vmul.f32 v4, v3;
	_ =	sdelay $0x1  }
0x28a: {  	v4 =	vnsel vm15, $0x3A83126F, v4  }
0x28b: {  	v4 =	vmul.f32 v4, v45;
	_ =	sdelay $0x1  }
0x28c: {  	[tilespmem:$0x15E0] =	vst v4  }
0x28d: {  	v4 =	vld.idx.msk [tilespmem:v46+s29+$0x0], $0xffff;
	_ =	sdelay $0x1  }
0x28e: {  	v47 =	vld [tilespmem:$0x13F0]  }
0x28f: {  	v48 =	vld [tilespmem:$0x1200];
	_ =	sdelay $0x1  }
0x290: {  	v4 =	vmul.f32 v4, v3;
	_ =	sdelay $0x1  }
0x291: {  	v4 =	vnsel vm15, $0x3A83126F, v4  }
0x292: {  	v4 =	vmul.f32 v4, v47;
	_ =	sdelay $0x1  }
0x293: {  	[tilespmem:$0x15F0] =	vst v4  }
0x294: {  	v4 =	vld.idx.msk [tilespmem:v48+s29+$0x0], $0xffff;
	_ =	sdelay $0x1  }
0x295: {  	v49 =	vld [tilespmem:$0x1400]  }
0x296: {  	v50 =	vld [tilespmem:$0x1210];
	_ =	sdelay $0x1  }
0x297: {  	v4 =	vmul.f32 v4, v3;
	_ =	sdelay $0x1  }
0x298: {  	v4 =	vnsel vm15, $0x3A83126F, v4  }
0x299: {  	v4 =	vmul.f32 v4, v49;
	_ =	sdelay $0x1  }
0x29a: {  	[tilespmem:$0x1600] =	vst v4  }
0x29b: {  	v4 =	vld.idx.msk [tilespmem:v50+s29+$0x0], $0xffff;
	_ =	sdelay $0x1  }
0x29c: {  	v51 =	vld [tilespmem:$0x1410]  }
0x29d: {  	v52 =	vld [tilespmem:$0x1220];
	_ =	sdelay $0x1  }
0x29e: {  	v4 =	vmul.f32 v4, v3;
	_ =	sdelay $0x1  }
0x29f: {  	v4 =	vnsel vm15, $0x3A83126F, v4  }
0x2a0: {  	v4 =	vmul.f32 v4, v51;
	_ =	sdelay $0x1  }
0x2a1: {  	[tilespmem:$0x1610] =	vst v4  }
0x2a2: {  	v4 =	vld.idx.msk [tilespmem:v52+s29+$0x0], $0xffff;
	_ =	sdelay $0x1  }
0x2a3: {  	v53 =	vld [tilespmem:$0x1420]  }
0x2a4: {  	v54 =	vld [tilespmem:$0x1230];
	_ =	sdelay $0x1  }
0x2a5: {  	v4 =	vmul.f32 v4, v3;
	_ =	sdelay $0x1  }
0x2a6: {  	v4 =	vnsel vm15, $0x3A83126F, v4  }
0x2a7: {  	v4 =	vmul.f32 v4, v53;
	_ =	sdelay $0x1  }
0x2a8: {  	[tilespmem:$0x1620] =	vst v4  }
0x2a9: {  	v4 =	vld.idx.msk [tilespmem:v54+s29+$0x0], $0xffff;
	_ =	sdelay $0x1  }
0x2aa: {  	v55 =	vld [tilespmem:$0x1430]  }
0x2ab: {  	v56 =	vld [tilespmem:$0x1240];
	_ =	sdelay $0x1  }
0x2ac: {  	v4 =	vmul.f32 v4, v3;
	_ =	sdelay $0x1  }
0x2ad: {  	v4 =	vnsel vm15, $0x3A83126F, v4  }
0x2ae: {  	v4 =	vmul.f32 v4, v55;
	_ =	sdelay $0x1  }
0x2af: {  	[tilespmem:$0x1630] =	vst v4  }
0x2b0: {  	v4 =	vld.idx.msk [tilespmem:v56+s29+$0x0], $0xffff;
	_ =	sdelay $0x1  }
0x2b1: {  	v57 =	vld [tilespmem:$0x1440]  }
0x2b2: {  	v58 =	vld [tilespmem:$0x1250];
	_ =	sdelay $0x1  }
0x2b3: {  	v4 =	vmul.f32 v4, v3;
	_ =	sdelay $0x1  }
0x2b4: {  	v4 =	vnsel vm15, $0x3A83126F, v4  }
0x2b5: {  	v4 =	vmul.f32 v4, v57;
	_ =	sdelay $0x1  }
0x2b6: {  	[tilespmem:$0x1640] =	vst v4  }
0x2b7: {  	v4 =	vld.idx.msk [tilespmem:v58+s29+$0x0], $0xffff;
	_ =	sdelay $0x1  }
0x2b8: {  	v59 =	vld [tilespmem:$0x1450]  }
0x2b9: {  	v60 =	vld [tilespmem:$0x1260];
	_ =	sdelay $0x1  }
0x2ba: {  	v4 =	vmul.f32 v4, v3;
	_ =	sdelay $0x1  }
0x2bb: {  	v4 =	vnsel vm15, $0x3A83126F, v4  }
0x2bc: {  	v4 =	vmul.f32 v4, v59;
	_ =	sdelay $0x1  }
0x2bd: {  	[tilespmem:$0x1650] =	vst v4  }
0x2be: {  	v4 =	vld.idx.msk [tilespmem:v60+s29+$0x0], $0xffff;
	_ =	sdelay $0x1  }
0x2bf: {  	v61 =	vld [tilespmem:$0x1460]  }
0x2c0: {  	v62 =	vld [tilespmem:$0x1270];
	_ =	sdelay $0x1  }
0x2c1: {  	v4 =	vmul.f32 v4, v3;
	_ =	sdelay $0x1  }
0x2c2: {  	v4 =	vnsel vm15, $0x3A83126F, v4  }
0x2c3: {  	v4 =	vmul.f32 v4, v61;
	_ =	sdelay $0x1  }
0x2c4: {  	[tilespmem:$0x1660] =	vst v4  }
0x2c5: {  	v4 =	vld.idx.msk [tilespmem:v62+s29+$0x0], $0xffff;
	_ =	sdelay $0x2  }
0x2c6: {  	v63 =	vld [tilespmem:$0x1470];
	_ =	sdelay $0x1  }
0x2c7: {  	v3 =	vmul.f32 v4, v3;
	_ =	sdelay $0x1  }
0x2c8: {  	v3 =	vnsel vm15, $0x3A83126F, v3  }
0x2c9: {  	v3 =	vmul.f32 v3, v63  }
0x2ca: {  	p0 =	sne.s32 s6, $0x1  }
.Ltmp0:
0x2cb: {  	s10 =	rddreg [dreg:$0x1e];
	[tilespmem:$0x1670] =	vst v3;
	(pc) =	sbr.rel @p0 .LBB2_1-.Ltmp0, $4  }
0x2cc: {  	[hbm4b:s10+s4] =	stream.linear.scatter [tilespmem:s0], [sflag:$0x4], $0x200, $0x38;
	[tilespmem:$0x1CD0] =	vst v63  }
0x2cd: {  	_ =	swait.ge [sflag:s9], $0x200  }
0x2ce: {  	[sflag:s9] =	ssyncset.done $0x0  }
0x2cf: {  	s6 =	sadd.s32 $0xFFFFFFFF, s6;
	[sflag:s9] =	ssyncadd.s32 $0xFFFFFE00  }
0x2d0: {  	_ =	sfence.sel $0x180000  }
0x2d1: {  	[bflag:$0x0] =	sbarrier.arrive $0xFFFF  }
0x2d2: {  	_ =	strace $0x90000047  }
0x2d3: {  	s0 =	stileid.u32;
	[bflag:$0x2] =	sbarrier.arrive $0xFFFF  }
0x2d4: {  	p0 =	sne.s32 s0, $0x0;
	s0 =	rddreg [dreg:$0x7]  }
0x2d5: {  	s0 =	sadd.s32 @!p0 $0x100000, s0  }
0x2d6: {  	[sflag:s0] =	ssyncadd.tile.s32 @!p0 $0x1;
	_ =	shalt  }
.Lfunc_end2:
_tile_overlayer_lowered:
.L_overlay_start_2:
0x2d7: {  	(tag) =	ssettag $0x2  }
0x2d8: {  	s0 =	rddreg [dreg:$0x0];
	s2 =	stileid.u32  }
0x2d9: {  	s1 =	rddreg [dreg:$0x1];
	p0 =	sne.s32 s2, $0x0  }
0x2da: {  	s3 =	rddreg [dreg:$0x2];
	[bflag:$0x3] =	sbarrier.arrive $0xFFFF;
	s2 =	simm.s32 @!p0 $0x1C04  }
0x2db: {  	[timem:s3], [sflag:s2] =	dma.local @!p0 [hbm:s0], s1  }
0x2dc: {  	s0 =	simm.s32 @!p0 $0x4  }
0x2dd: {  	_ =	swait.ge @!p0 [sflag:s0], s1  }
0x2de: {  	s1 =	ssub.s32 @!p0 $0x0, s1;
	[sflag:s0] =	ssyncset.done @!p0 $0x0  }
0x2df: {  	[sflag:s0] =	ssyncadd.s32 @!p0 s1  }
0x2e0: {  	[bflag:$0x3] =	sbarrier.arrive $0xFFFF  }
0x2e1: {  	_ =	shalt  }

</sc_bundles>
